<compile_context>
chip_gen: v7x
topology: tpu7x:2x2x1
jax: 0.10.2.dev20260603
libtpu: 0.0.44.dev20260713+nightly
codegen_flags: <defaults>
</compile_context>

<pallas_src>
import functools

import jax
import jax.numpy as jnp
from jax import lax
from jax.experimental import pallas as pl
from jax.experimental.pallas import tpu as pltpu
from jax.experimental.pallas import tpu_sc as plsc

NC = 2
NS = 16
CHUNK = 80


def _scatter_add_factory(n_edges, rows_alloc, zchunk, d):
  edges_per_tile = n_edges // (NC * NS)
  n_chunks = edges_per_tile // CHUNK
  assert n_chunks * CHUNK == edges_per_tile
  zrpt = rows_alloc // NS
  nz = zrpt // zchunk
  assert nz * zchunk == zrpt and zrpt * NS == rows_alloc and zrpt % 8 == 0
  assert zchunk <= CHUNK
  mesh = plsc.VectorSubcoreMesh(
      core_axis_name="c", subcore_axis_name="s",
      num_cores=NC, num_subcores=NS)

  npairs = n_chunks // 2
  rem = n_chunks % 2

  @functools.partial(
      pl.kernel,
      out_type=jax.ShapeDtypeStruct((NC, rows_alloc, d), jnp.float32),
      mesh=mesh,
      scratch_types=[
          pltpu.VMEM((edges_per_tile,), jnp.int32),
          pltpu.VMEM((edges_per_tile,), jnp.int32),
          pltpu.VMEM((CHUNK, d), jnp.float32),
          pltpu.VMEM((CHUNK, d), jnp.float32),
          pltpu.VMEM_SHARED((rows_alloc, d), jnp.float32),
          pltpu.SemaphoreType.DMA,
          pltpu.SemaphoreType.DMA,
      ],
  )
  def scatter_add(h_hbm, src_hbm, dst_hbm, out_hbm,
                  sidx, didx, rows_a, rows_b, agg, sem_a, sem_b):
    c = lax.axis_index("c")
    s = lax.axis_index("s")
    wid = c * NS + s
    pltpu.sync_copy(src_hbm.at[pl.ds(wid * edges_per_tile, edges_per_tile)],
                    sidx)
    pltpu.sync_copy(dst_hbm.at[pl.ds(wid * edges_per_tile, edges_per_tile)],
                    didx)
    zvec = jnp.zeros((16,), jnp.float32)

    def zstore(t, carry):
      rows_a[t // (d // 16), pl.ds((t % (d // 16)) * 16, 16)] = zvec
      return carry

    lax.fori_loop(0, CHUNK * (d // 16), zstore, 0)
    for j in range(nz):
      pltpu.sync_copy(rows_a.at[pl.ds(0, zchunk)],
                      agg.at[pl.ds(s * zrpt + j * zchunk, zchunk)])
    plsc.subcore_barrier()

    ga = pltpu.async_copy(h_hbm.at[sidx.at[pl.ds(0, CHUNK)]], rows_a, sem_a)
    if n_chunks > 1:
      gb = pltpu.async_copy(
          h_hbm.at[sidx.at[pl.ds(CHUNK, CHUNK)]], rows_b, sem_b)

    def body(k, carry):
      i = 2 * k
      ga.wait()
      pltpu.sync_copy(rows_a, agg.at[didx.at[pl.ds(i * CHUNK, CHUNK)]],
                      add=True)

      @pl.when(i + 2 < n_chunks)
      def _():
        pltpu.async_copy(
            h_hbm.at[sidx.at[pl.ds((i + 2) * CHUNK, CHUNK)]], rows_a, sem_a)

      gb.wait()
      pltpu.sync_copy(rows_b, agg.at[didx.at[pl.ds((i + 1) * CHUNK, CHUNK)]],
                      add=True)

      @pl.when(i + 3 < n_chunks)
      def _():
        pltpu.async_copy(
            h_hbm.at[sidx.at[pl.ds((i + 3) * CHUNK, CHUNK)]], rows_b, sem_b)

      return carry

    lax.fori_loop(0, npairs, body, 0)
    if rem:
      ga.wait()
      pltpu.sync_copy(
          rows_a, agg.at[didx.at[pl.ds((n_chunks - 1) * CHUNK, CHUNK)]],
          add=True)
    plsc.subcore_barrier()
    pltpu.sync_copy(agg.at[pl.ds(s * zrpt, zrpt)],
                    out_hbm.at[c, pl.ds(s * zrpt, zrpt)])

  return scatter_add


def _mlp_body(scale_ref, x_ref, a0_ref, a1_ref, wa_ref, ba_ref, wb_ref,
              bb_ref, o_ref):
  h = x_ref[...] * scale_ref[0] + a0_ref[...] + a1_ref[...]
  h = jnp.dot(h, wa_ref[...], preferred_element_type=jnp.float32) + ba_ref[...]
  h = jnp.maximum(h, 0.0)
  h = jnp.dot(h, wb_ref[...], preferred_element_type=jnp.float32) + bb_ref[...]
  o_ref[...] = jnp.maximum(h, 0.0)


def _mlp(scale, x, a0, a1, Wa, ba, Wb, bb, block=1024):
  n, d = x.shape
  dh = Wa.shape[1]
  do = Wb.shape[1]
  return pl.pallas_call(
      _mlp_body,
      grid=(n // block,),
      in_specs=[
          pl.BlockSpec(memory_space=pltpu.SMEM),
          pl.BlockSpec((block, d), lambda i: (i, 0)),
          pl.BlockSpec((block, d), lambda i: (i, 0)),
          pl.BlockSpec((block, d), lambda i: (i, 0)),
          pl.BlockSpec((d, dh), lambda i: (0, 0)),
          pl.BlockSpec((1, dh), lambda i: (0, 0)),
          pl.BlockSpec((dh, do), lambda i: (0, 0)),
          pl.BlockSpec((1, do), lambda i: (0, 0)),
      ],
      out_specs=pl.BlockSpec((block, do), lambda i: (i, 0)),
      out_shape=jax.ShapeDtypeStruct((n, do), jnp.float32),
  )(scale, x, a0, a1, Wa, ba, Wb, bb)


def _final_body(p0_ref, p1_ref, w1_ref, b1_ref, w2_ref, b2_ref, o_ref):
  p = p0_ref[...] + p1_ref[...]
  t = jnp.dot(p, w1_ref[...], preferred_element_type=jnp.float32) + b1_ref[...]
  t = jnp.maximum(t, 0.0)
  o_ref[...] = (
      jnp.dot(t, w2_ref[...], preferred_element_type=jnp.float32) + b2_ref[...])


def kernel(x, edge_index, batch, eps0, W0a, b0a, W0b, b0b,
           eps1, W1a, b1a, W1b, b1b, eps2, W2a, b2a, W2b, b2b,
           Wf1, bf1, Wf2, bf2):
  n, d = x.shape
  e = edge_index.shape[1]
  g = 128
  edge_alloc = NS * 128 * (-(-n // (NS * 128)))
  pool_alloc = 2 * NS * 8
  tile_quant = NC * NS * CHUNK

  e_pad = ((e + tile_quant - 1) // tile_quant) * tile_quant
  assert e_pad == e or edge_alloc > n
  pad_ids = jnp.arange(e_pad - e, dtype=jnp.int32)
  src = jnp.concatenate([edge_index[0], pad_ids % n])
  dst = jnp.concatenate([edge_index[1], n + pad_ids % (edge_alloc - n)])

  n_pad = ((n + tile_quant - 1) // tile_quant) * tile_quant
  pool_pad = jnp.arange(n_pad - n, dtype=jnp.int32)
  pool_src = jnp.concatenate(
      [jnp.arange(n, dtype=jnp.int32), pool_pad % n])
  pool_dst = jnp.concatenate(
      [batch.astype(jnp.int32), g + pool_pad % (pool_alloc - g)])

  edge_scat = _scatter_add_factory(e_pad, edge_alloc, CHUNK, d)
  pool_scat = _scatter_add_factory(n_pad, pool_alloc, pool_alloc // NS, d)

  ba0, bb0 = b0a.reshape(1, -1), b0b.reshape(1, -1)
  ba1, bb1 = b1a.reshape(1, -1), b1b.reshape(1, -1)
  ba2, bb2 = b2a.reshape(1, -1), b2b.reshape(1, -1)
  s0 = (1.0 + eps0).reshape(1)
  s1 = (1.0 + eps1).reshape(1)
  s2 = (1.0 + eps2).reshape(1)

  xp = jnp.pad(x, ((0, edge_alloc - n), (0, 0)))
  a = edge_scat(xp, src, dst)
  h = _mlp(s0, xp, a[0], a[1], W0a, ba0, W0b, bb0)
  a = edge_scat(h, src, dst)
  h = _mlp(s1, h, a[0], a[1], W1a, ba1, W1b, bb1)
  a = edge_scat(h, src, dst)
  h = _mlp(s2, h, a[0], a[1], W2a, ba2, W2b, bb2)

  p = pool_scat(h, pool_src, pool_dst)

  out = pl.pallas_call(
      _final_body,
      out_shape=jax.ShapeDtypeStruct((g, 1), jnp.float32),
  )(p[0, :g], p[1, :g], Wf1, bf1.reshape(1, -1), Wf2, bf2.reshape(1, -1))
  return out

# --- scband reference (transcript-rebuilt; emitter-appended) ---
"""Pipeline reference for scband-gin-2267742732765 (READ-ONLY COPY).

The authoritative reference and input builder live on the scoring server;
editing this copy changes nothing except your own understanding.
"""

import jax, jax.numpy as jnp
import numpy as np

N = 10000
E = 320000
D = 128
H = 128
OUT = 128
G = 128

def _lin(k, fin, fout):
    kw, kb = jax.random.split(k)
    W = jax.random.normal(kw, (fin, fout), dtype=jnp.float32) * (1.0 / np.sqrt(fin))
    b = jax.random.normal(kb, (fout,), dtype=jnp.float32) * 0.01
    return W, b

def setup_inputs(seed: int = 0):
    key = jax.random.key(seed)
    ks = jax.random.split(key, 12)
    x = jax.random.normal(ks[0], (N, D), dtype=jnp.float32)
    edge_index = jax.random.randint(ks[1], (2, E), 0, N)
    batch = jnp.sort(jax.random.randint(ks[2], (N,), 0, G))
    W0a, b0a = _lin(ks[3], D, 2 * H)
    W0b, b0b = _lin(ks[4], 2 * H, H)
    W1a, b1a = _lin(ks[5], H, 2 * H)
    W1b, b1b = _lin(ks[6], 2 * H, H)
    W2a, b2a = _lin(ks[7], H, 2 * H)
    W2b, b2b = _lin(ks[8], 2 * H, OUT)
    Wf1, bf1 = _lin(ks[9], OUT, OUT)
    Wf2, bf2 = _lin(ks[10], OUT, 1)
    eps0 = jnp.zeros((), dtype=jnp.float32)
    eps1 = jnp.zeros((), dtype=jnp.float32)
    eps2 = jnp.zeros((), dtype=jnp.float32)
    return {"x": x, "edge_index": edge_index, "batch": batch,
            "eps0": eps0, "W0a": W0a, "b0a": b0a, "W0b": W0b, "b0b": b0b,
            "eps1": eps1, "W1a": W1a, "b1a": b1a, "W1b": W1b, "b1b": b1b,
            "eps2": eps2, "W2a": W2a, "b2a": b2a, "W2b": W2b, "b2b": b2b,
            "Wf1": Wf1, "bf1": bf1, "Wf2": Wf2, "bf2": bf2}

def _gin_conv(x, edge_index, eps, Wa, ba, Wb, bb):
    src = edge_index[0]
    dst = edge_index[1]
    agg = jnp.zeros_like(x).at[dst].add(x[src])
    h = (1.0 + eps) * x + agg
    h = jax.nn.relu(h @ Wa + ba)
    h = jax.nn.relu(h @ Wb + bb)
    return h

def reference(x, edge_index, batch, eps0, W0a, b0a, W0b, b0b, eps1, W1a, b1a, W1b, b1b, eps2, W2a, b2a, W2b, b2b, Wf1, bf1, Wf2, bf2):
    h = _gin_conv(x, edge_index, eps0, W0a, b0a, W0b, b0b)
    h = _gin_conv(h, edge_index, eps1, W1a, b1a, W1b, b1b)
    h = _gin_conv(h, edge_index, eps2, W2a, b2a, W2b, b2b)
    pooled = jax.ops.segment_sum(h, batch, num_segments=G)
    out = jax.nn.relu(pooled @ Wf1 + bf1)
    out = out @ Wf2 + bf2
    return out

if __name__ == "__main__":
    import jax
    _d = setup_inputs()
    print(jax.jit(kernel)(*tuple(_d.values())))

</pallas_src>

<mosaic_0001>
#map = affine_map<(d0, d1) -> (0, 0)>
#map1 = affine_map<(d0, d1) -> (0)>
#map2 = affine_map<(d0, d1) -> (0, 0, 0)>
module attributes {stable_mosaic.version = 14 : i64} {
  func.func @scatter_add(%arg0: i32, %arg1: i32, %arg2: memref<10240x128xf32, #tpu.memory_space<hbm>>, %arg3: memref<320000xi32, #tpu.memory_space<hbm>>, %arg4: memref<320000xi32, #tpu.memory_space<hbm>>, %arg5: memref<2x10240x128xf32, #tpu.memory_space<hbm>>, %arg6: memref<10000xi32, #tpu.memory_space<vmem>>, %arg7: memref<10000xi32, #tpu.memory_space<vmem>>, %arg8: memref<80x128xf32, #tpu.memory_space<vmem>>, %arg9: memref<80x128xf32, #tpu.memory_space<vmem>>, %arg10: memref<10240x128xf32, #tpu.memory_space<vmem_shared>>, %arg11: memref<!tpu.dma_semaphore, #tpu.memory_space<semaphore_mem>>, %arg12: memref<!tpu.dma_semaphore, #tpu.memory_space<semaphore_mem>>) attributes {dimension_semantics = [#tpu.dimension_semantics<core_parallel>, #tpu.dimension_semantics<subcore_parallel>], iteration_bounds = array<i64: 2, 16>, scalar_prefetch = 0 : i64, scratch_operands = 7 : i64, tpu.core_type = #tpu.core_type<sc_vector_subcore>, window_params = [{transform_indices = #map}, {transform_indices = #map1}, {transform_indices = #map1}, {transform_indices = #map2}]} {
    %mul3A = arith.constant 16 : i32
    %mul3A_0 = arith.muli %arg0, %mul3A : i32
    %add3A = arith.addi %mul3A_0, %arg1 : i32
    %mul3A_1 = arith.constant 10000 : i32
    %mul3A_2 = arith.muli %add3A, %mul3A_1 : i32
    "tpu.region"() ({
      %run_scoped3A = tpu.sem_alloc : memref<!tpu.dma_semaphore, #tpu.memory_space<semaphore_mem>>
      %dma_start3A_67 = tpu.memref_slice %arg3[%mul3A_2] : memref<320000xi32, #tpu.memory_space<hbm>> -> memref<10000xi32, #tpu.memory_space<hbm>>
      %dma_start3A_68 = tpu.memref_slice %arg3[%mul3A_2] : memref<320000xi32, #tpu.memory_space<hbm>> -> memref<10000xi32, #tpu.memory_space<hbm>>
      tpu.enqueue_dma source(%dma_start3A_68 : memref<10000xi32, #tpu.memory_space<hbm>>) target(%arg6 : memref<10000xi32, #tpu.memory_space<vmem>>) target_semaphore(%run_scoped3A : memref<!tpu.dma_semaphore, #tpu.memory_space<semaphore_mem>>)
      %dma_wait3A_69 = tpu.memref_slice %arg3[%mul3A_2] : memref<320000xi32, #tpu.memory_space<hbm>> -> memref<10000xi32, #tpu.memory_space<hbm>>
      %dma_wait3A_70 = tpu.memref_slice %arg3[%mul3A_2] : memref<320000xi32, #tpu.memory_space<hbm>> -> memref<10000xi32, #tpu.memory_space<hbm>>
      tpu.wait_dma2 semaphore(%run_scoped3A : memref<!tpu.dma_semaphore, #tpu.memory_space<semaphore_mem>>) src(%dma_wait3A_70 : memref<10000xi32, #tpu.memory_space<hbm>>) dst(%arg6 : memref<10000xi32, #tpu.memory_space<vmem>>)
      tpu.yield
    }) : () -> ()
    %mul3A_3 = arith.constant 10000 : i32
    %mul3A_4 = arith.muli %add3A, %mul3A_3 : i32
    "tpu.region"() ({
      %run_scoped3A = tpu.sem_alloc : memref<!tpu.dma_semaphore, #tpu.memory_space<semaphore_mem>>
      %dma_start3A_67 = tpu.memref_slice %arg4[%mul3A_4] : memref<320000xi32, #tpu.memory_space<hbm>> -> memref<10000xi32, #tpu.memory_space<hbm>>
      %dma_start3A_68 = tpu.memref_slice %arg4[%mul3A_4] : memref<320000xi32, #tpu.memory_space<hbm>> -> memref<10000xi32, #tpu.memory_space<hbm>>
      tpu.enqueue_dma source(%dma_start3A_68 : memref<10000xi32, #tpu.memory_space<hbm>>) target(%arg7 : memref<10000xi32, #tpu.memory_space<vmem>>) target_semaphore(%run_scoped3A : memref<!tpu.dma_semaphore, #tpu.memory_space<semaphore_mem>>)
      %dma_wait3A_69 = tpu.memref_slice %arg4[%mul3A_4] : memref<320000xi32, #tpu.memory_space<hbm>> -> memref<10000xi32, #tpu.memory_space<hbm>>
      %dma_wait3A_70 = tpu.memref_slice %arg4[%mul3A_4] : memref<320000xi32, #tpu.memory_space<hbm>> -> memref<10000xi32, #tpu.memory_space<hbm>>
      tpu.wait_dma2 semaphore(%run_scoped3A : memref<!tpu.dma_semaphore, #tpu.memory_space<semaphore_mem>>) src(%dma_wait3A_70 : memref<10000xi32, #tpu.memory_space<hbm>>) dst(%arg7 : memref<10000xi32, #tpu.memory_space<vmem>>)
      tpu.yield
    }) : () -> ()
    %broadcast_in_dim3A = arith.constant 0.000000e+00 : f32
    %broadcast_in_dim3A_5 = vector.broadcast %broadcast_in_dim3A : f32 to vector<16xf32>
    %scan3A = arith.constant 0 : i32
    %scan3A_6 = arith.constant 0 : i32
    %scan3A_7 = arith.constant 640 : i32
    %scan3A_8 = arith.addi %scan3A_6, %scan3A_7 : i32
    %scan3A_9 = arith.constant 1 : i32
    scf.for %scan3A_67 = %scan3A_6 to %scan3A_8 step %scan3A_9  : i32 {
      %jit3A = arith.constant 8 : i32
      %div3A = arith.divsi %scan3A_67, %jit3A : i32
      %sign3A = arith.constant 0 : i32
      %sign3A_68 = arith.cmpi sgt, %scan3A_67, %sign3A : i32
      %sign3A_69 = arith.extui %sign3A_68 : i1 to i32
      %sign3A_70 = arith.constant 0 : i32
      %sign3A_71 = arith.cmpi slt, %scan3A_67, %sign3A_70 : i32
      %sign3A_72 = arith.extui %sign3A_71 : i1 to i32
      %sign3A_73 = arith.subi %sign3A_69, %sign3A_72 : i32
      %sign3A_74 = arith.constant 0 : i32
      %sign3A_75 = arith.cmpi sgt, %jit3A, %sign3A_74 : i32
      %sign3A_76 = arith.extui %sign3A_75 : i1 to i32
      %sign3A_77 = arith.constant 0 : i32
      %sign3A_78 = arith.cmpi slt, %jit3A, %sign3A_77 : i32
      %sign3A_79 = arith.extui %sign3A_78 : i1 to i32
      %sign3A_80 = arith.subi %sign3A_76, %sign3A_79 : i32
      %ne3A = arith.cmpi ne, %sign3A_73, %sign3A_80 : i32
      %rem3A = arith.remsi %scan3A_67, %jit3A : i32
      %ne3A_81 = arith.constant 0 : i32
      %ne3A_82 = arith.cmpi ne, %rem3A, %ne3A_81 : i32
      %and3A = arith.andi %ne3A, %ne3A_82 : i1
      %sub3A = arith.constant 1 : i32
      %sub3A_83 = arith.subi %div3A, %sub3A : i32
      %select_n3A = arith.select %and3A, %sub3A_83, %div3A : i32
      %jit3A_84 = arith.constant 8 : i32
      %eq3A = arith.constant 0 : i32
      %eq3A_85 = arith.cmpi eq, %jit3A_84, %eq3A : i32
      %jit3A_86 = arith.constant 1 : i32
      %select_n3A_87 = arith.select %eq3A_85, %jit3A_86, %jit3A_84 : i32
      %rem3A_88 = arith.remsi %scan3A_67, %select_n3A_87 : i32
      %ne3A_89 = arith.constant 0 : i32
      %ne3A_90 = arith.cmpi ne, %rem3A_88, %ne3A_89 : i32
      %lt3A = arith.constant 0 : i32
      %lt3A_91 = arith.cmpi slt, %rem3A_88, %lt3A : i32
      %lt3A_92 = arith.constant 0 : i32
      %lt3A_93 = arith.cmpi slt, %select_n3A_87, %lt3A_92 : i32
      %ne3A_94 = arith.xori %lt3A_91, %lt3A_93 : i1
      %and3A_95 = arith.andi %ne3A_94, %ne3A_90 : i1
      %add3A_96 = arith.addi %rem3A_88, %select_n3A_87 : i32
      %select_n3A_97 = arith.select %and3A_95, %add3A_96, %rem3A_88 : i32
      %mul3A_98 = arith.constant 16 : i32
      %mul3A_99 = arith.muli %select_n3A_97, %mul3A_98 : i32
      %swap3A = arith.index_cast %select_n3A : i32 to index
      %swap3A_100 = arith.index_cast %mul3A_99 : i32 to index
      %swap3A_101 = tpu.vector_load %arg8[%swap3A, %swap3A_100] {strides = array<i32>} : memref<80x128xf32, #tpu.memory_space<vmem>>, vector<1x16xf32>,
      %swap3A_102 = vector.shape_cast %swap3A_101 : vector<1x16xf32> to vector<16xf32>
      %swap3A_103 = vector.shape_cast %broadcast_in_dim3A_5 : vector<16xf32> to vector<1x16xf32>
      tpu.vector_store %arg8[%swap3A, %swap3A_100], %swap3A_103 {strides = array<i32>} : memref<80x128xf32, #tpu.memory_space<vmem>>, vector<1x16xf32>,
    }
    %scan3A_10 = arith.constant 640 : i32
    %mul3A_11 = arith.constant 640 : i32
    %mul3A_12 = arith.muli %arg1, %mul3A_11 : i32
    %add3A_13 = arith.constant 0 : i32
    %add3A_14 = arith.addi %mul3A_12, %add3A_13 : i32
    "tpu.region"() ({
      %run_scoped3A = tpu.sem_alloc : memref<!tpu.dma_semaphore, #tpu.memory_space<semaphore_mem>>
      %dma_start3A_67 = arith.constant 0 : i32
      %dma_start3A_68 = arith.constant 0 : i32
      %dma_start3A_69 = tpu.memref_slice %arg8[%dma_start3A_67, %dma_start3A_68] : memref<80x128xf32, #tpu.memory_space<vmem>> -> memref<80x128xf32, #tpu.memory_space<vmem>>
      %dma_start3A_70 = arith.constant 0 : i32
      %dma_start3A_71 = tpu.memref_slice %arg10[%add3A_14, %dma_start3A_70] : memref<10240x128xf32, #tpu.memory_space<vmem_shared>> -> memref<80x128xf32, #tpu.memory_space<vmem_shared>>
      %dma_start3A_72 = arith.constant 0 : i32
      %dma_start3A_73 = tpu.memref_slice %arg10[%add3A_14, %dma_start3A_72] : memref<10240x128xf32, #tpu.memory_space<vmem_shared>> -> memref<80x128xf32, #tpu.memory_space<vmem_shared>>
      %dma_start3A_74 = arith.constant 0 : i32
      %dma_start3A_75 = arith.constant 0 : i32
      %dma_start3A_76 = tpu.memref_slice %arg8[%dma_start3A_74, %dma_start3A_75] : memref<80x128xf32, #tpu.memory_space<vmem>> -> memref<80x128xf32, #tpu.memory_space<vmem>>
      tpu.enqueue_dma source(%dma_start3A_76 : memref<80x128xf32, #tpu.memory_space<vmem>>) target(%dma_start3A_73 : memref<80x128xf32, #tpu.memory_space<vmem_shared>>) target_semaphore(%run_scoped3A : memref<!tpu.dma_semaphore, #tpu.memory_space<semaphore_mem>>)
      %dma_wait3A_77 = arith.constant 0 : i32
      %dma_wait3A_78 = arith.constant 0 : i32
      %dma_wait3A_79 = tpu.memref_slice %arg8[%dma_wait3A_77, %dma_wait3A_78] : memref<80x128xf32, #tpu.memory_space<vmem>> -> memref<80x128xf32, #tpu.memory_space<vmem>>
      %dma_wait3A_80 = arith.constant 0 : i32
      %dma_wait3A_81 = tpu.memref_slice %arg10[%add3A_14, %dma_wait3A_80] : memref<10240x128xf32, #tpu.memory_space<vmem_shared>> -> memref<80x128xf32, #tpu.memory_space<vmem_shared>>
      %dma_wait3A_82 = arith.constant 0 : i32
      %dma_wait3A_83 = tpu.memref_slice %arg10[%add3A_14, %dma_wait3A_82] : memref<10240x128xf32, #tpu.memory_space<vmem_shared>> -> memref<80x128xf32, #tpu.memory_space<vmem_shared>>
      %dma_wait3A_84 = arith.constant 0 : i32
      %dma_wait3A_85 = arith.constant 0 : i32
      %dma_wait3A_86 = tpu.memref_slice %arg8[%dma_wait3A_84, %dma_wait3A_85] : memref<80x128xf32, #tpu.memory_space<vmem>> -> memref<80x128xf32, #tpu.memory_space<vmem>>
      tpu.wait_dma2 semaphore(%run_scoped3A : memref<!tpu.dma_semaphore, #tpu.memory_space<semaphore_mem>>) src(%dma_wait3A_86 : memref<80x128xf32, #tpu.memory_space<vmem>>) dst(%dma_wait3A_83 : memref<80x128xf32, #tpu.memory_space<vmem_shared>>)
      tpu.yield
    }) : () -> ()
    %mul3A_15 = arith.constant 640 : i32
    %mul3A_16 = arith.muli %arg1, %mul3A_15 : i32
    %add3A_17 = arith.constant 80 : i32
    %add3A_18 = arith.addi %mul3A_16, %add3A_17 : i32
    "tpu.region"() ({
      %run_scoped3A = tpu.sem_alloc : memref<!tpu.dma_semaphore, #tpu.memory_space<semaphore_mem>>
      %dma_start3A_67 = arith.constant 0 : i32
      %dma_start3A_68 = arith.constant 0 : i32
      %dma_start3A_69 = tpu.memref_slice %arg8[%dma_start3A_67, %dma_start3A_68] : memref<80x128xf32, #tpu.memory_space<vmem>> -> memref<80x128xf32, #tpu.memory_space<vmem>>
      %dma_start3A_70 = arith.constant 0 : i32
      %dma_start3A_71 = tpu.memref_slice %arg10[%add3A_18, %dma_start3A_70] : memref<10240x128xf32, #tpu.memory_space<vmem_shared>> -> memref<80x128xf32, #tpu.memory_space<vmem_shared>>
      %dma_start3A_72 = arith.constant 0 : i32
      %dma_start3A_73 = tpu.memref_slice %arg10[%add3A_18, %dma_start3A_72] : memref<10240x128xf32, #tpu.memory_space<vmem_shared>> -> memref<80x128xf32, #tpu.memory_space<vmem_shared>>
      %dma_start3A_74 = arith.constant 0 : i32
      %dma_start3A_75 = arith.constant 0 : i32
      %dma_start3A_76 = tpu.memref_slice %arg8[%dma_start3A_74, %dma_start3A_75] : memref<80x128xf32, #tpu.memory_space<vmem>> -> memref<80x128xf32, #tpu.memory_space<vmem>>
      tpu.enqueue_dma source(%dma_start3A_76 : memref<80x128xf32, #tpu.memory_space<vmem>>) target(%dma_start3A_73 : memref<80x128xf32, #tpu.memory_space<vmem_shared>>) target_semaphore(%run_scoped3A : memref<!tpu.dma_semaphore, #tpu.memory_space<semaphore_mem>>)
      %dma_wait3A_77 = arith.constant 0 : i32
      %dma_wait3A_78 = arith.constant 0 : i32
      %dma_wait3A_79 = tpu.memref_slice %arg8[%dma_wait3A_77, %dma_wait3A_78] : memref<80x128xf32, #tpu.memory_space<vmem>> -> memref<80x128xf32, #tpu.memory_space<vmem>>
      %dma_wait3A_80 = arith.constant 0 : i32
      %dma_wait3A_81 = tpu.memref_slice %arg10[%add3A_18, %dma_wait3A_80] : memref<10240x128xf32, #tpu.memory_space<vmem_shared>> -> memref<80x128xf32, #tpu.memory_space<vmem_shared>>
      %dma_wait3A_82 = arith.constant 0 : i32
      %dma_wait3A_83 = tpu.memref_slice %arg10[%add3A_18, %dma_wait3A_82] : memref<10240x128xf32, #tpu.memory_space<vmem_shared>> -> memref<80x128xf32, #tpu.memory_space<vmem_shared>>
      %dma_wait3A_84 = arith.constant 0 : i32
      %dma_wait3A_85 = arith.constant 0 : i32
      %dma_wait3A_86 = tpu.memref_slice %arg8[%dma_wait3A_84, %dma_wait3A_85] : memref<80x128xf32, #tpu.memory_space<vmem>> -> memref<80x128xf32, #tpu.memory_space<vmem>>
      tpu.wait_dma2 semaphore(%run_scoped3A : memref<!tpu.dma_semaphore, #tpu.memory_space<semaphore_mem>>) src(%dma_wait3A_86 : memref<80x128xf32, #tpu.memory_space<vmem>>) dst(%dma_wait3A_83 : memref<80x128xf32, #tpu.memory_space<vmem_shared>>)
      tpu.yield
    }) : () -> ()
    %mul3A_19 = arith.constant 640 : i32
    %mul3A_20 = arith.muli %arg1, %mul3A_19 : i32
    %add3A_21 = arith.constant 160 : i32
    %add3A_22 = arith.addi %mul3A_20, %add3A_21 : i32
    "tpu.region"() ({
      %run_scoped3A = tpu.sem_alloc : memref<!tpu.dma_semaphore, #tpu.memory_space<semaphore_mem>>
      %dma_start3A_67 = arith.constant 0 : i32
      %dma_start3A_68 = arith.constant 0 : i32
      %dma_start3A_69 = tpu.memref_slice %arg8[%dma_start3A_67, %dma_start3A_68] : memref<80x128xf32, #tpu.memory_space<vmem>> -> memref<80x128xf32, #tpu.memory_space<vmem>>
      %dma_start3A_70 = arith.constant 0 : i32
      %dma_start3A_71 = tpu.memref_slice %arg10[%add3A_22, %dma_start3A_70] : memref<10240x128xf32, #tpu.memory_space<vmem_shared>> -> memref<80x128xf32, #tpu.memory_space<vmem_shared>>
      %dma_start3A_72 = arith.constant 0 : i32
      %dma_start3A_73 = tpu.memref_slice %arg10[%add3A_22, %dma_start3A_72] : memref<10240x128xf32, #tpu.memory_space<vmem_shared>> -> memref<80x128xf32, #tpu.memory_space<vmem_shared>>
      %dma_start3A_74 = arith.constant 0 : i32
      %dma_start3A_75 = arith.constant 0 : i32
      %dma_start3A_76 = tpu.memref_slice %arg8[%dma_start3A_74, %dma_start3A_75] : memref<80x128xf32, #tpu.memory_space<vmem>> -> memref<80x128xf32, #tpu.memory_space<vmem>>
      tpu.enqueue_dma source(%dma_start3A_76 : memref<80x128xf32, #tpu.memory_space<vmem>>) target(%dma_start3A_73 : memref<80x128xf32, #tpu.memory_space<vmem_shared>>) target_semaphore(%run_scoped3A : memref<!tpu.dma_semaphore, #tpu.memory_space<semaphore_mem>>)
      %dma_wait3A_77 = arith.constant 0 : i32
      %dma_wait3A_78 = arith.constant 0 : i32
      %dma_wait3A_79 = tpu.memref_slice %arg8[%dma_wait3A_77, %dma_wait3A_78] : memref<80x128xf32, #tpu.memory_space<vmem>> -> memref<80x128xf32, #tpu.memory_space<vmem>>
      %dma_wait3A_80 = arith.constant 0 : i32
      %dma_wait3A_81 = tpu.memref_slice %arg10[%add3A_22, %dma_wait3A_80] : memref<10240x128xf32, #tpu.memory_space<vmem_shared>> -> memref<80x128xf32, #tpu.memory_space<vmem_shared>>
      %dma_wait3A_82 = arith.constant 0 : i32
      %dma_wait3A_83 = tpu.memref_slice %arg10[%add3A_22, %dma_wait3A_82] : memref<10240x128xf32, #tpu.memory_space<vmem_shared>> -> memref<80x128xf32, #tpu.memory_space<vmem_shared>>
      %dma_wait3A_84 = arith.constant 0 : i32
      %dma_wait3A_85 = arith.constant 0 : i32
      %dma_wait3A_86 = tpu.memref_slice %arg8[%dma_wait3A_84, %dma_wait3A_85] : memref<80x128xf32, #tpu.memory_space<vmem>> -> memref<80x128xf32, #tpu.memory_space<vmem>>
      tpu.wait_dma2 semaphore(%run_scoped3A : memref<!tpu.dma_semaphore, #tpu.memory_space<semaphore_mem>>) src(%dma_wait3A_86 : memref<80x128xf32, #tpu.memory_space<vmem>>) dst(%dma_wait3A_83 : memref<80x128xf32, #tpu.memory_space<vmem_shared>>)
      tpu.yield
    }) : () -> ()
    %mul3A_23 = arith.constant 640 : i32
    %mul3A_24 = arith.muli %arg1, %mul3A_23 : i32
    %add3A_25 = arith.constant 240 : i32
    %add3A_26 = arith.addi %mul3A_24, %add3A_25 : i32
    "tpu.region"() ({
      %run_scoped3A = tpu.sem_alloc : memref<!tpu.dma_semaphore, #tpu.memory_space<semaphore_mem>>
      %dma_start3A_67 = arith.constant 0 : i32
      %dma_start3A_68 = arith.constant 0 : i32
      %dma_start3A_69 = tpu.memref_slice %arg8[%dma_start3A_67, %dma_start3A_68] : memref<80x128xf32, #tpu.memory_space<vmem>> -> memref<80x128xf32, #tpu.memory_space<vmem>>
      %dma_start3A_70 = arith.constant 0 : i32
      %dma_start3A_71 = tpu.memref_slice %arg10[%add3A_26, %dma_start3A_70] : memref<10240x128xf32, #tpu.memory_space<vmem_shared>> -> memref<80x128xf32, #tpu.memory_space<vmem_shared>>
      %dma_start3A_72 = arith.constant 0 : i32
      %dma_start3A_73 = tpu.memref_slice %arg10[%add3A_26, %dma_start3A_72] : memref<10240x128xf32, #tpu.memory_space<vmem_shared>> -> memref<80x128xf32, #tpu.memory_space<vmem_shared>>
      %dma_start3A_74 = arith.constant 0 : i32
      %dma_start3A_75 = arith.constant 0 : i32
      %dma_start3A_76 = tpu.memref_slice %arg8[%dma_start3A_74, %dma_start3A_75] : memref<80x128xf32, #tpu.memory_space<vmem>> -> memref<80x128xf32, #tpu.memory_space<vmem>>
      tpu.enqueue_dma source(%dma_start3A_76 : memref<80x128xf32, #tpu.memory_space<vmem>>) target(%dma_start3A_73 : memref<80x128xf32, #tpu.memory_space<vmem_shared>>) target_semaphore(%run_scoped3A : memref<!tpu.dma_semaphore, #tpu.memory_space<semaphore_mem>>)
      %dma_wait3A_77 = arith.constant 0 : i32
      %dma_wait3A_78 = arith.constant 0 : i32
      %dma_wait3A_79 = tpu.memref_slice %arg8[%dma_wait3A_77, %dma_wait3A_78] : memref<80x128xf32, #tpu.memory_space<vmem>> -> memref<80x128xf32, #tpu.memory_space<vmem>>
      %dma_wait3A_80 = arith.constant 0 : i32
      %dma_wait3A_81 = tpu.memref_slice %arg10[%add3A_26, %dma_wait3A_80] : memref<10240x128xf32, #tpu.memory_space<vmem_shared>> -> memref<80x128xf32, #tpu.memory_space<vmem_shared>>
      %dma_wait3A_82 = arith.constant 0 : i32
      %dma_wait3A_83 = tpu.memref_slice %arg10[%add3A_26, %dma_wait3A_82] : memref<10240x128xf32, #tpu.memory_space<vmem_shared>> -> memref<80x128xf32, #tpu.memory_space<vmem_shared>>
      %dma_wait3A_84 = arith.constant 0 : i32
      %dma_wait3A_85 = arith.constant 0 : i32
      %dma_wait3A_86 = tpu.memref_slice %arg8[%dma_wait3A_84, %dma_wait3A_85] : memref<80x128xf32, #tpu.memory_space<vmem>> -> memref<80x128xf32, #tpu.memory_space<vmem>>
      tpu.wait_dma2 semaphore(%run_scoped3A : memref<!tpu.dma_semaphore, #tpu.memory_space<semaphore_mem>>) src(%dma_wait3A_86 : memref<80x128xf32, #tpu.memory_space<vmem>>) dst(%dma_wait3A_83 : memref<80x128xf32, #tpu.memory_space<vmem_shared>>)
      tpu.yield
    }) : () -> ()
    %mul3A_27 = arith.constant 640 : i32
    %mul3A_28 = arith.muli %arg1, %mul3A_27 : i32
    %add3A_29 = arith.constant 320 : i32
    %add3A_30 = arith.addi %mul3A_28, %add3A_29 : i32
    "tpu.region"() ({
      %run_scoped3A = tpu.sem_alloc : memref<!tpu.dma_semaphore, #tpu.memory_space<semaphore_mem>>
      %dma_start3A_67 = arith.constant 0 : i32
      %dma_start3A_68 = arith.constant 0 : i32
      %dma_start3A_69 = tpu.memref_slice %arg8[%dma_start3A_67, %dma_start3A_68] : memref<80x128xf32, #tpu.memory_space<vmem>> -> memref<80x128xf32, #tpu.memory_space<vmem>>
      %dma_start3A_70 = arith.constant 0 : i32
      %dma_start3A_71 = tpu.memref_slice %arg10[%add3A_30, %dma_start3A_70] : memref<10240x128xf32, #tpu.memory_space<vmem_shared>> -> memref<80x128xf32, #tpu.memory_space<vmem_shared>>
      %dma_start3A_72 = arith.constant 0 : i32
      %dma_start3A_73 = tpu.memref_slice %arg10[%add3A_30, %dma_start3A_72] : memref<10240x128xf32, #tpu.memory_space<vmem_shared>> -> memref<80x128xf32, #tpu.memory_space<vmem_shared>>
      %dma_start3A_74 = arith.constant 0 : i32
      %dma_start3A_75 = arith.constant 0 : i32
      %dma_start3A_76 = tpu.memref_slice %arg8[%dma_start3A_74, %dma_start3A_75] : memref<80x128xf32, #tpu.memory_space<vmem>> -> memref<80x128xf32, #tpu.memory_space<vmem>>
      tpu.enqueue_dma source(%dma_start3A_76 : memref<80x128xf32, #tpu.memory_space<vmem>>) target(%dma_start3A_73 : memref<80x128xf32, #tpu.memory_space<vmem_shared>>) target_semaphore(%run_scoped3A : memref<!tpu.dma_semaphore, #tpu.memory_space<semaphore_mem>>)
      %dma_wait3A_77 = arith.constant 0 : i32
      %dma_wait3A_78 = arith.constant 0 : i32
      %dma_wait3A_79 = tpu.memref_slice %arg8[%dma_wait3A_77, %dma_wait3A_78] : memref<80x128xf32, #tpu.memory_space<vmem>> -> memref<80x128xf32, #tpu.memory_space<vmem>>
      %dma_wait3A_80 = arith.constant 0 : i32
      %dma_wait3A_81 = tpu.memref_slice %arg10[%add3A_30, %dma_wait3A_80] : memref<10240x128xf32, #tpu.memory_space<vmem_shared>> -> memref<80x128xf32, #tpu.memory_space<vmem_shared>>
      %dma_wait3A_82 = arith.constant 0 : i32
      %dma_wait3A_83 = tpu.memref_slice %arg10[%add3A_30, %dma_wait3A_82] : memref<10240x128xf32, #tpu.memory_space<vmem_shared>> -> memref<80x128xf32, #tpu.memory_space<vmem_shared>>
      %dma_wait3A_84 = arith.constant 0 : i32
      %dma_wait3A_85 = arith.constant 0 : i32
      %dma_wait3A_86 = tpu.memref_slice %arg8[%dma_wait3A_84, %dma_wait3A_85] : memref<80x128xf32, #tpu.memory_space<vmem>> -> memref<80x128xf32, #tpu.memory_space<vmem>>
      tpu.wait_dma2 semaphore(%run_scoped3A : memref<!tpu.dma_semaphore, #tpu.memory_space<semaphore_mem>>) src(%dma_wait3A_86 : memref<80x128xf32, #tpu.memory_space<vmem>>) dst(%dma_wait3A_83 : memref<80x128xf32, #tpu.memory_space<vmem_shared>>)
      tpu.yield
    }) : () -> ()
    %mul3A_31 = arith.constant 640 : i32
    %mul3A_32 = arith.muli %arg1, %mul3A_31 : i32
    %add3A_33 = arith.constant 400 : i32
    %add3A_34 = arith.addi %mul3A_32, %add3A_33 : i32
    "tpu.region"() ({
      %run_scoped3A = tpu.sem_alloc : memref<!tpu.dma_semaphore, #tpu.memory_space<semaphore_mem>>
      %dma_start3A_67 = arith.constant 0 : i32
      %dma_start3A_68 = arith.constant 0 : i32
      %dma_start3A_69 = tpu.memref_slice %arg8[%dma_start3A_67, %dma_start3A_68] : memref<80x128xf32, #tpu.memory_space<vmem>> -> memref<80x128xf32, #tpu.memory_space<vmem>>
      %dma_start3A_70 = arith.constant 0 : i32
      %dma_start3A_71 = tpu.memref_slice %arg10[%add3A_34, %dma_start3A_70] : memref<10240x128xf32, #tpu.memory_space<vmem_shared>> -> memref<80x128xf32, #tpu.memory_space<vmem_shared>>
      %dma_start3A_72 = arith.constant 0 : i32
      %dma_start3A_73 = tpu.memref_slice %arg10[%add3A_34, %dma_start3A_72] : memref<10240x128xf32, #tpu.memory_space<vmem_shared>> -> memref<80x128xf32, #tpu.memory_space<vmem_shared>>
      %dma_start3A_74 = arith.constant 0 : i32
      %dma_start3A_75 = arith.constant 0 : i32
      %dma_start3A_76 = tpu.memref_slice %arg8[%dma_start3A_74, %dma_start3A_75] : memref<80x128xf32, #tpu.memory_space<vmem>> -> memref<80x128xf32, #tpu.memory_space<vmem>>
      tpu.enqueue_dma source(%dma_start3A_76 : memref<80x128xf32, #tpu.memory_space<vmem>>) target(%dma_start3A_73 : memref<80x128xf32, #tpu.memory_space<vmem_shared>>) target_semaphore(%run_scoped3A : memref<!tpu.dma_semaphore, #tpu.memory_space<semaphore_mem>>)
      %dma_wait3A_77 = arith.constant 0 : i32
      %dma_wait3A_78 = arith.constant 0 : i32
      %dma_wait3A_79 = tpu.memref_slice %arg8[%dma_wait3A_77, %dma_wait3A_78] : memref<80x128xf32, #tpu.memory_space<vmem>> -> memref<80x128xf32, #tpu.memory_space<vmem>>
      %dma_wait3A_80 = arith.constant 0 : i32
      %dma_wait3A_81 = tpu.memref_slice %arg10[%add3A_34, %dma_wait3A_80] : memref<10240x128xf32, #tpu.memory_space<vmem_shared>> -> memref<80x128xf32, #tpu.memory_space<vmem_shared>>
      %dma_wait3A_82 = arith.constant 0 : i32
      %dma_wait3A_83 = tpu.memref_slice %arg10[%add3A_34, %dma_wait3A_82] : memref<10240x128xf32, #tpu.memory_space<vmem_shared>> -> memref<80x128xf32, #tpu.memory_space<vmem_shared>>
      %dma_wait3A_84 = arith.constant 0 : i32
      %dma_wait3A_85 = arith.constant 0 : i32
      %dma_wait3A_86 = tpu.memref_slice %arg8[%dma_wait3A_84, %dma_wait3A_85] : memref<80x128xf32, #tpu.memory_space<vmem>> -> memref<80x128xf32, #tpu.memory_space<vmem>>
      tpu.wait_dma2 semaphore(%run_scoped3A : memref<!tpu.dma_semaphore, #tpu.memory_space<semaphore_mem>>) src(%dma_wait3A_86 : memref<80x128xf32, #tpu.memory_space<vmem>>) dst(%dma_wait3A_83 : memref<80x128xf32, #tpu.memory_space<vmem_shared>>)
      tpu.yield
    }) : () -> ()
    %mul3A_35 = arith.constant 640 : i32
    %mul3A_36 = arith.muli %arg1, %mul3A_35 : i32
    %add3A_37 = arith.constant 480 : i32
    %add3A_38 = arith.addi %mul3A_36, %add3A_37 : i32
    "tpu.region"() ({
      %run_scoped3A = tpu.sem_alloc : memref<!tpu.dma_semaphore, #tpu.memory_space<semaphore_mem>>
      %dma_start3A_67 = arith.constant 0 : i32
      %dma_start3A_68 = arith.constant 0 : i32
      %dma_start3A_69 = tpu.memref_slice %arg8[%dma_start3A_67, %dma_start3A_68] : memref<80x128xf32, #tpu.memory_space<vmem>> -> memref<80x128xf32, #tpu.memory_space<vmem>>
      %dma_start3A_70 = arith.constant 0 : i32
      %dma_start3A_71 = tpu.memref_slice %arg10[%add3A_38, %dma_start3A_70] : memref<10240x128xf32, #tpu.memory_space<vmem_shared>> -> memref<80x128xf32, #tpu.memory_space<vmem_shared>>
      %dma_start3A_72 = arith.constant 0 : i32
      %dma_start3A_73 = tpu.memref_slice %arg10[%add3A_38, %dma_start3A_72] : memref<10240x128xf32, #tpu.memory_space<vmem_shared>> -> memref<80x128xf32, #tpu.memory_space<vmem_shared>>
      %dma_start3A_74 = arith.constant 0 : i32
      %dma_start3A_75 = arith.constant 0 : i32
      %dma_start3A_76 = tpu.memref_slice %arg8[%dma_start3A_74, %dma_start3A_75] : memref<80x128xf32, #tpu.memory_space<vmem>> -> memref<80x128xf32, #tpu.memory_space<vmem>>
      tpu.enqueue_dma source(%dma_start3A_76 : memref<80x128xf32, #tpu.memory_space<vmem>>) target(%dma_start3A_73 : memref<80x128xf32, #tpu.memory_space<vmem_shared>>) target_semaphore(%run_scoped3A : memref<!tpu.dma_semaphore, #tpu.memory_space<semaphore_mem>>)
      %dma_wait3A_77 = arith.constant 0 : i32
      %dma_wait3A_78 = arith.constant 0 : i32
      %dma_wait3A_79 = tpu.memref_slice %arg8[%dma_wait3A_77, %dma_wait3A_78] : memref<80x128xf32, #tpu.memory_space<vmem>> -> memref<80x128xf32, #tpu.memory_space<vmem>>
      %dma_wait3A_80 = arith.constant 0 : i32
      %dma_wait3A_81 = tpu.memref_slice %arg10[%add3A_38, %dma_wait3A_80] : memref<10240x128xf32, #tpu.memory_space<vmem_shared>> -> memref<80x128xf32, #tpu.memory_space<vmem_shared>>
      %dma_wait3A_82 = arith.constant 0 : i32
      %dma_wait3A_83 = tpu.memref_slice %arg10[%add3A_38, %dma_wait3A_82] : memref<10240x128xf32, #tpu.memory_space<vmem_shared>> -> memref<80x128xf32, #tpu.memory_space<vmem_shared>>
      %dma_wait3A_84 = arith.constant 0 : i32
      %dma_wait3A_85 = arith.constant 0 : i32
      %dma_wait3A_86 = tpu.memref_slice %arg8[%dma_wait3A_84, %dma_wait3A_85] : memref<80x128xf32, #tpu.memory_space<vmem>> -> memref<80x128xf32, #tpu.memory_space<vmem>>
      tpu.wait_dma2 semaphore(%run_scoped3A : memref<!tpu.dma_semaphore, #tpu.memory_space<semaphore_mem>>) src(%dma_wait3A_86 : memref<80x128xf32, #tpu.memory_space<vmem>>) dst(%dma_wait3A_83 : memref<80x128xf32, #tpu.memory_space<vmem_shared>>)
      tpu.yield
    }) : () -> ()
    %mul3A_39 = arith.constant 640 : i32
    %mul3A_40 = arith.muli %arg1, %mul3A_39 : i32
    %add3A_41 = arith.constant 560 : i32
    %add3A_42 = arith.addi %mul3A_40, %add3A_41 : i32
    "tpu.region"() ({
      %run_scoped3A = tpu.sem_alloc : memref<!tpu.dma_semaphore, #tpu.memory_space<semaphore_mem>>
      %dma_start3A_67 = arith.constant 0 : i32
      %dma_start3A_68 = arith.constant 0 : i32
      %dma_start3A_69 = tpu.memref_slice %arg8[%dma_start3A_67, %dma_start3A_68] : memref<80x128xf32, #tpu.memory_space<vmem>> -> memref<80x128xf32, #tpu.memory_space<vmem>>
      %dma_start3A_70 = arith.constant 0 : i32
      %dma_start3A_71 = tpu.memref_slice %arg10[%add3A_42, %dma_start3A_70] : memref<10240x128xf32, #tpu.memory_space<vmem_shared>> -> memref<80x128xf32, #tpu.memory_space<vmem_shared>>
      %dma_start3A_72 = arith.constant 0 : i32
      %dma_start3A_73 = tpu.memref_slice %arg10[%add3A_42, %dma_start3A_72] : memref<10240x128xf32, #tpu.memory_space<vmem_shared>> -> memref<80x128xf32, #tpu.memory_space<vmem_shared>>
      %dma_start3A_74 = arith.constant 0 : i32
      %dma_start3A_75 = arith.constant 0 : i32
      %dma_start3A_76 = tpu.memref_slice %arg8[%dma_start3A_74, %dma_start3A_75] : memref<80x128xf32, #tpu.memory_space<vmem>> -> memref<80x128xf32, #tpu.memory_space<vmem>>
      tpu.enqueue_dma source(%dma_start3A_76 : memref<80x128xf32, #tpu.memory_space<vmem>>) target(%dma_start3A_73 : memref<80x128xf32, #tpu.memory_space<vmem_shared>>) target_semaphore(%run_scoped3A : memref<!tpu.dma_semaphore, #tpu.memory_space<semaphore_mem>>)
      %dma_wait3A_77 = arith.constant 0 : i32
      %dma_wait3A_78 = arith.constant 0 : i32
      %dma_wait3A_79 = tpu.memref_slice %arg8[%dma_wait3A_77, %dma_wait3A_78] : memref<80x128xf32, #tpu.memory_space<vmem>> -> memref<80x128xf32, #tpu.memory_space<vmem>>
      %dma_wait3A_80 = arith.constant 0 : i32
      %dma_wait3A_81 = tpu.memref_slice %arg10[%add3A_42, %dma_wait3A_80] : memref<10240x128xf32, #tpu.memory_space<vmem_shared>> -> memref<80x128xf32, #tpu.memory_space<vmem_shared>>
      %dma_wait3A_82 = arith.constant 0 : i32
      %dma_wait3A_83 = tpu.memref_slice %arg10[%add3A_42, %dma_wait3A_82] : memref<10240x128xf32, #tpu.memory_space<vmem_shared>> -> memref<80x128xf32, #tpu.memory_space<vmem_shared>>
      %dma_wait3A_84 = arith.constant 0 : i32
      %dma_wait3A_85 = arith.constant 0 : i32
      %dma_wait3A_86 = tpu.memref_slice %arg8[%dma_wait3A_84, %dma_wait3A_85] : memref<80x128xf32, #tpu.memory_space<vmem>> -> memref<80x128xf32, #tpu.memory_space<vmem>>
      tpu.wait_dma2 semaphore(%run_scoped3A : memref<!tpu.dma_semaphore, #tpu.memory_space<semaphore_mem>>) src(%dma_wait3A_86 : memref<80x128xf32, #tpu.memory_space<vmem>>) dst(%dma_wait3A_83 : memref<80x128xf32, #tpu.memory_space<vmem_shared>>)
      tpu.yield
    }) : () -> ()
    %barrier3A = arith.constant 0 : index
    tpu.barrier barrier_id(%barrier3A)
    %dma_start3A = arith.constant 0 : i32
    %dma_start3A_43 = tpu.memref_slice %arg6[%dma_start3A] : memref<10000xi32, #tpu.memory_space<vmem>> -> memref<80xi32, #tpu.memory_space<vmem>>
    %dma_start3A_44 = arith.constant 0 : i32
    %dma_start3A_45 = arith.constant 0 : i32
    %dma_start3A_46 = tpu.memref_slice %arg2[%dma_start3A_44, %dma_start3A_45] : memref<10240x128xf32, #tpu.memory_space<hbm>> -> memref<10240x128xf32, #tpu.memory_space<hbm>>
    tpu.enqueue_indirect_dma source(%dma_start3A_46 : memref<10240x128xf32, #tpu.memory_space<hbm>>) target(%arg8 : memref<80x128xf32, #tpu.memory_space<vmem>>) offsets(%dma_start3A_43 : memref<80xi32, #tpu.memory_space<vmem>>) semaphore(%arg11 : memref<!tpu.dma_semaphore, #tpu.memory_space<semaphore_mem>>)
    %dma_start3A_47 = arith.constant 80 : i32
    %dma_start3A_48 = tpu.memref_slice %arg6[%dma_start3A_47] : memref<10000xi32, #tpu.memory_space<vmem>> -> memref<80xi32, #tpu.memory_space<vmem>>
    %dma_start3A_49 = arith.constant 0 : i32
    %dma_start3A_50 = arith.constant 0 : i32
    %dma_start3A_51 = tpu.memref_slice %arg2[%dma_start3A_49, %dma_start3A_50] : memref<10240x128xf32, #tpu.memory_space<hbm>> -> memref<10240x128xf32, #tpu.memory_space<hbm>>
    tpu.enqueue_indirect_dma source(%dma_start3A_51 : memref<10240x128xf32, #tpu.memory_space<hbm>>) target(%arg9 : memref<80x128xf32, #tpu.memory_space<vmem>>) offsets(%dma_start3A_48 : memref<80xi32, #tpu.memory_space<vmem>>) semaphore(%arg12 : memref<!tpu.dma_semaphore, #tpu.memory_space<semaphore_mem>>)
    %scan3A_52 = arith.constant 0 : i32
    %scan3A_53 = arith.constant 0 : i32
    %scan3A_54 = arith.constant 62 : i32
    %scan3A_55 = arith.addi %scan3A_53, %scan3A_54 : i32
    %scan3A_56 = arith.constant 1 : i32
    scf.for %scan3A_67 = %scan3A_53 to %scan3A_55 step %scan3A_56  : i32 {
      %mul3A_68 = arith.constant 2 : i32
      %mul3A_69 = arith.muli %mul3A_68, %scan3A_67 : i32
      %dma_wait3A_70 = arith.constant 0 : i32
      %dma_wait3A_71 = tpu.memref_slice %arg6[%dma_wait3A_70] : memref<10000xi32, #tpu.memory_space<vmem>> -> memref<80xi32, #tpu.memory_space<vmem>>
      %dma_wait3A_72 = arith.constant 0 : i32
      %dma_wait3A_73 = arith.constant 0 : i32
      %dma_wait3A_74 = tpu.memref_slice %arg2[%dma_wait3A_72, %dma_wait3A_73] : memref<10240x128xf32, #tpu.memory_space<hbm>> -> memref<10240x128xf32, #tpu.memory_space<hbm>>
      tpu.wait_indirect_dma semaphore(%arg11 : memref<!tpu.dma_semaphore, #tpu.memory_space<semaphore_mem>>) src(%dma_wait3A_74 : memref<10240x128xf32, #tpu.memory_space<hbm>>) dst(%arg8 : memref<80x128xf32, #tpu.memory_space<vmem>>)
      %mul3A_75 = arith.constant 80 : i32
      %mul3A_76 = arith.muli %mul3A_69, %mul3A_75 : i32
      "tpu.region"() ({
        %run_scoped3A = tpu.sem_alloc : memref<!tpu.dma_semaphore, #tpu.memory_space<semaphore_mem>>
        %dma_start3A_97 = tpu.memref_slice %arg7[%mul3A_76] : memref<10000xi32, #tpu.memory_space<vmem>> -> memref<80xi32, #tpu.memory_space<vmem>>
        %dma_start3A_98 = arith.constant 0 : i32
        %dma_start3A_99 = arith.constant 0 : i32
        %dma_start3A_100 = tpu.memref_slice %arg10[%dma_start3A_98, %dma_start3A_99] : memref<10240x128xf32, #tpu.memory_space<vmem_shared>> -> memref<10240x128xf32, #tpu.memory_space<vmem_shared>>
        tpu.enqueue_indirect_dma source(%arg8 : memref<80x128xf32, #tpu.memory_space<vmem>>) target(%dma_start3A_100 : memref<10240x128xf32, #tpu.memory_space<vmem_shared>>) offsets(%dma_start3A_97 : memref<80xi32, #tpu.memory_space<vmem>>) semaphore(%run_scoped3A : memref<!tpu.dma_semaphore, #tpu.memory_space<semaphore_mem>>) {add = true}
        %dma_wait3A_101 = tpu.memref_slice %arg7[%mul3A_76] : memref<10000xi32, #tpu.memory_space<vmem>> -> memref<80xi32, #tpu.memory_space<vmem>>
        %dma_wait3A_102 = arith.constant 0 : i32
        %dma_wait3A_103 = arith.constant 0 : i32
        %dma_wait3A_104 = tpu.memref_slice %arg10[%dma_wait3A_102, %dma_wait3A_103] : memref<10240x128xf32, #tpu.memory_space<vmem_shared>> -> memref<10240x128xf32, #tpu.memory_space<vmem_shared>>
        tpu.wait_indirect_dma semaphore(%run_scoped3A : memref<!tpu.dma_semaphore, #tpu.memory_space<semaphore_mem>>) src(%arg8 : memref<80x128xf32, #tpu.memory_space<vmem>>) dst(%dma_wait3A_104 : memref<10240x128xf32, #tpu.memory_space<vmem_shared>>)
        tpu.yield
      }) : () -> ()
      %add3A_77 = arith.constant 2 : i32
      %add3A_78 = arith.addi %mul3A_69, %add3A_77 : i32
      %lt3A = arith.constant 125 : i32
      %lt3A_79 = arith.cmpi slt, %add3A_78, %lt3A : i32
      %convert_element_type3A = arith.extui %lt3A_79 : i1 to i32
      %cond3A = arith.constant 0 : i32
      %cond3A_80 = arith.cmpi ne, %convert_element_type3A, %cond3A : i32
      scf.if %cond3A_80 {
        %add3A_97 = arith.constant 2 : i32
        %add3A_98 = arith.addi %mul3A_69, %add3A_97 : i32
        %mul3A_99 = arith.constant 80 : i32
        %mul3A_100 = arith.muli %add3A_98, %mul3A_99 : i32
        %dma_start3A_101 = tpu.memref_slice %arg6[%mul3A_100] : memref<10000xi32, #tpu.memory_space<vmem>> -> memref<80xi32, #tpu.memory_space<vmem>>
        %dma_start3A_102 = arith.constant 0 : i32
        %dma_start3A_103 = arith.constant 0 : i32
        %dma_start3A_104 = tpu.memref_slice %arg2[%dma_start3A_102, %dma_start3A_103] : memref<10240x128xf32, #tpu.memory_space<hbm>> -> memref<10240x128xf32, #tpu.memory_space<hbm>>
        tpu.enqueue_indirect_dma source(%dma_start3A_104 : memref<10240x128xf32, #tpu.memory_space<hbm>>) target(%arg8 : memref<80x128xf32, #tpu.memory_space<vmem>>) offsets(%dma_start3A_101 : memref<80xi32, #tpu.memory_space<vmem>>) semaphore(%arg11 : memref<!tpu.dma_semaphore, #tpu.memory_space<semaphore_mem>>)
      } else {
      }
      %dma_wait3A_81 = arith.constant 80 : i32
      %dma_wait3A_82 = tpu.memref_slice %arg6[%dma_wait3A_81] : memref<10000xi32, #tpu.memory_space<vmem>> -> memref<80xi32, #tpu.memory_space<vmem>>
      %dma_wait3A_83 = arith.constant 0 : i32
      %dma_wait3A_84 = arith.constant 0 : i32
      %dma_wait3A_85 = tpu.memref_slice %arg2[%dma_wait3A_83, %dma_wait3A_84] : memref<10240x128xf32, #tpu.memory_space<hbm>> -> memref<10240x128xf32, #tpu.memory_space<hbm>>
      tpu.wait_indirect_dma semaphore(%arg12 : memref<!tpu.dma_semaphore, #tpu.memory_space<semaphore_mem>>) src(%dma_wait3A_85 : memref<10240x128xf32, #tpu.memory_space<hbm>>) dst(%arg9 : memref<80x128xf32, #tpu.memory_space<vmem>>)
      %add3A_86 = arith.constant 1 : i32
      %add3A_87 = arith.addi %mul3A_69, %add3A_86 : i32
      %mul3A_88 = arith.constant 80 : i32
      %mul3A_89 = arith.muli %add3A_87, %mul3A_88 : i32
      "tpu.region"() ({
        %run_scoped3A = tpu.sem_alloc : memref<!tpu.dma_semaphore, #tpu.memory_space<semaphore_mem>>
        %dma_start3A_97 = tpu.memref_slice %arg7[%mul3A_89] : memref<10000xi32, #tpu.memory_space<vmem>> -> memref<80xi32, #tpu.memory_space<vmem>>
        %dma_start3A_98 = arith.constant 0 : i32
        %dma_start3A_99 = arith.constant 0 : i32
        %dma_start3A_100 = tpu.memref_slice %arg10[%dma_start3A_98, %dma_start3A_99] : memref<10240x128xf32, #tpu.memory_space<vmem_shared>> -> memref<10240x128xf32, #tpu.memory_space<vmem_shared>>
        tpu.enqueue_indirect_dma source(%arg9 : memref<80x128xf32, #tpu.memory_space<vmem>>) target(%dma_start3A_100 : memref<10240x128xf32, #tpu.memory_space<vmem_shared>>) offsets(%dma_start3A_97 : memref<80xi32, #tpu.memory_space<vmem>>) semaphore(%run_scoped3A : memref<!tpu.dma_semaphore, #tpu.memory_space<semaphore_mem>>) {add = true}
        %dma_wait3A_101 = tpu.memref_slice %arg7[%mul3A_89] : memref<10000xi32, #tpu.memory_space<vmem>> -> memref<80xi32, #tpu.memory_space<vmem>>
        %dma_wait3A_102 = arith.constant 0 : i32
        %dma_wait3A_103 = arith.constant 0 : i32
        %dma_wait3A_104 = tpu.memref_slice %arg10[%dma_wait3A_102, %dma_wait3A_103] : memref<10240x128xf32, #tpu.memory_space<vmem_shared>> -> memref<10240x128xf32, #tpu.memory_space<vmem_shared>>
        tpu.wait_indirect_dma semaphore(%run_scoped3A : memref<!tpu.dma_semaphore, #tpu.memory_space<semaphore_mem>>) src(%arg9 : memref<80x128xf32, #tpu.memory_space<vmem>>) dst(%dma_wait3A_104 : memref<10240x128xf32, #tpu.memory_space<vmem_shared>>)
        tpu.yield
      }) : () -> ()
      %add3A_90 = arith.constant 3 : i32
      %add3A_91 = arith.addi %mul3A_69, %add3A_90 : i32
      %lt3A_92 = arith.constant 125 : i32
      %lt3A_93 = arith.cmpi slt, %add3A_91, %lt3A_92 : i32
      %convert_element_type3A_94 = arith.extui %lt3A_93 : i1 to i32
      %cond3A_95 = arith.constant 0 : i32
      %cond3A_96 = arith.cmpi ne, %convert_element_type3A_94, %cond3A_95 : i32
      scf.if %cond3A_96 {
        %add3A_97 = arith.constant 3 : i32
        %add3A_98 = arith.addi %mul3A_69, %add3A_97 : i32
        %mul3A_99 = arith.constant 80 : i32
        %mul3A_100 = arith.muli %add3A_98, %mul3A_99 : i32
        %dma_start3A_101 = tpu.memref_slice %arg6[%mul3A_100] : memref<10000xi32, #tpu.memory_space<vmem>> -> memref<80xi32, #tpu.memory_space<vmem>>
        %dma_start3A_102 = arith.constant 0 : i32
        %dma_start3A_103 = arith.constant 0 : i32
        %dma_start3A_104 = tpu.memref_slice %arg2[%dma_start3A_102, %dma_start3A_103] : memref<10240x128xf32, #tpu.memory_space<hbm>> -> memref<10240x128xf32, #tpu.memory_space<hbm>>
        tpu.enqueue_indirect_dma source(%dma_start3A_104 : memref<10240x128xf32, #tpu.memory_space<hbm>>) target(%arg9 : memref<80x128xf32, #tpu.memory_space<vmem>>) offsets(%dma_start3A_101 : memref<80xi32, #tpu.memory_space<vmem>>) semaphore(%arg12 : memref<!tpu.dma_semaphore, #tpu.memory_space<semaphore_mem>>)
      } else {
      }
    }
    %scan3A_57 = arith.constant 62 : i32
    %dma_wait3A = arith.constant 0 : i32
    %dma_wait3A_58 = tpu.memref_slice %arg6[%dma_wait3A] : memref<10000xi32, #tpu.memory_space<vmem>> -> memref<80xi32, #tpu.memory_space<vmem>>
    %dma_wait3A_59 = arith.constant 0 : i32
    %dma_wait3A_60 = arith.constant 0 : i32
    %dma_wait3A_61 = tpu.memref_slice %arg2[%dma_wait3A_59, %dma_wait3A_60] : memref<10240x128xf32, #tpu.memory_space<hbm>> -> memref<10240x128xf32, #tpu.memory_space<hbm>>
    tpu.wait_indirect_dma semaphore(%arg11 : memref<!tpu.dma_semaphore, #tpu.memory_space<semaphore_mem>>) src(%dma_wait3A_61 : memref<10240x128xf32, #tpu.memory_space<hbm>>) dst(%arg8 : memref<80x128xf32, #tpu.memory_space<vmem>>)
    "tpu.region"() ({
      %run_scoped3A = tpu.sem_alloc : memref<!tpu.dma_semaphore, #tpu.memory_space<semaphore_mem>>
      %dma_start3A_67 = arith.constant 9920 : i32
      %dma_start3A_68 = tpu.memref_slice %arg7[%dma_start3A_67] : memref<10000xi32, #tpu.memory_space<vmem>> -> memref<80xi32, #tpu.memory_space<vmem>>
      %dma_start3A_69 = arith.constant 0 : i32
      %dma_start3A_70 = arith.constant 0 : i32
      %dma_start3A_71 = tpu.memref_slice %arg10[%dma_start3A_69, %dma_start3A_70] : memref<10240x128xf32, #tpu.memory_space<vmem_shared>> -> memref<10240x128xf32, #tpu.memory_space<vmem_shared>>
      tpu.enqueue_indirect_dma source(%arg8 : memref<80x128xf32, #tpu.memory_space<vmem>>) target(%dma_start3A_71 : memref<10240x128xf32, #tpu.memory_space<vmem_shared>>) offsets(%dma_start3A_68 : memref<80xi32, #tpu.memory_space<vmem>>) semaphore(%run_scoped3A : memref<!tpu.dma_semaphore, #tpu.memory_space<semaphore_mem>>) {add = true}
      %dma_wait3A_72 = arith.constant 9920 : i32
      %dma_wait3A_73 = tpu.memref_slice %arg7[%dma_wait3A_72] : memref<10000xi32, #tpu.memory_space<vmem>> -> memref<80xi32, #tpu.memory_space<vmem>>
      %dma_wait3A_74 = arith.constant 0 : i32
      %dma_wait3A_75 = arith.constant 0 : i32
      %dma_wait3A_76 = tpu.memref_slice %arg10[%dma_wait3A_74, %dma_wait3A_75] : memref<10240x128xf32, #tpu.memory_space<vmem_shared>> -> memref<10240x128xf32, #tpu.memory_space<vmem_shared>>
      tpu.wait_indirect_dma semaphore(%run_scoped3A : memref<!tpu.dma_semaphore, #tpu.memory_space<semaphore_mem>>) src(%arg8 : memref<80x128xf32, #tpu.memory_space<vmem>>) dst(%dma_wait3A_76 : memref<10240x128xf32, #tpu.memory_space<vmem_shared>>)
      tpu.yield
    }) : () -> ()
    %barrier3A_62 = arith.constant 0 : index
    tpu.barrier barrier_id(%barrier3A_62)
    %mul3A_63 = arith.constant 640 : i32
    %mul3A_64 = arith.muli %arg1, %mul3A_63 : i32
    %mul3A_65 = arith.constant 640 : i32
    %mul3A_66 = arith.muli %arg1, %mul3A_65 : i32
    "tpu.region"() ({
      %run_scoped3A = tpu.sem_alloc : memref<!tpu.dma_semaphore, #tpu.memory_space<semaphore_mem>>
      %dma_start3A_67 = arith.constant 0 : i32
      %dma_start3A_68 = tpu.memref_slice %arg5[%arg0, %mul3A_66, %dma_start3A_67] : memref<2x10240x128xf32, #tpu.memory_space<hbm>> -> memref<1x640x128xf32, #tpu.memory_space<hbm>>
      %dma_start3A_69 = tpu.memref_squeeze %dma_start3A_68 : memref<1x640x128xf32, #tpu.memory_space<hbm>> -> memref<640x128xf32, #tpu.memory_space<hbm>>
      %dma_start3A_70 = arith.constant 0 : i32
      %dma_start3A_71 = tpu.memref_slice %arg10[%mul3A_64, %dma_start3A_70] : memref<10240x128xf32, #tpu.memory_space<vmem_shared>> -> memref<640x128xf32, #tpu.memory_space<vmem_shared>>
      tpu.enqueue_dma source(%dma_start3A_71 : memref<640x128xf32, #tpu.memory_space<vmem_shared>>) target(%dma_start3A_69 : memref<640x128xf32, #tpu.memory_space<hbm>>) target_semaphore(%run_scoped3A : memref<!tpu.dma_semaphore, #tpu.memory_space<semaphore_mem>>)
      %dma_wait3A_72 = arith.constant 0 : i32
      %dma_wait3A_73 = tpu.memref_slice %arg5[%arg0, %mul3A_66, %dma_wait3A_72] : memref<2x10240x128xf32, #tpu.memory_space<hbm>> -> memref<1x640x128xf32, #tpu.memory_space<hbm>>
      %dma_wait3A_74 = tpu.memref_squeeze %dma_wait3A_73 : memref<1x640x128xf32, #tpu.memory_space<hbm>> -> memref<640x128xf32, #tpu.memory_space<hbm>>
      %dma_wait3A_75 = arith.constant 0 : i32
      %dma_wait3A_76 = tpu.memref_slice %arg10[%mul3A_64, %dma_wait3A_75] : memref<10240x128xf32, #tpu.memory_space<vmem_shared>> -> memref<640x128xf32, #tpu.memory_space<vmem_shared>>
      tpu.wait_dma2 semaphore(%run_scoped3A : memref<!tpu.dma_semaphore, #tpu.memory_space<semaphore_mem>>) src(%dma_wait3A_76 : memref<640x128xf32, #tpu.memory_space<vmem_shared>>) dst(%dma_wait3A_74 : memref<640x128xf32, #tpu.memory_space<hbm>>)
      tpu.yield
    }) : () -> ()
    return
  }
}

#map = affine_map<(d0, d1) -> (0, 0)>
#map1 = affine_map<(d0, d1) -> (0)>
#map2 = affine_map<(d0, d1) -> (0, 0, 0)>
module attributes {stable_mosaic.version = 14 : i64} {
  func.func @scatter_add(%arg0: i32, %arg1: i32, %arg2: memref<10240x128xf32, #tpu.memory_space<hbm>>, %arg3: memref<320000xi32, #tpu.memory_space<hbm>>, %arg4: memref<320000xi32, #tpu.memory_space<hbm>>, %arg5: memref<2x10240x128xf32, #tpu.memory_space<hbm>>, %arg6: memref<10000xi32, #tpu.memory_space<vmem>>, %arg7: memref<10000xi32, #tpu.memory_space<vmem>>, %arg8: memref<80x128xf32, #tpu.memory_space<vmem>>, %arg9: memref<80x128xf32, #tpu.memory_space<vmem>>, %arg10: memref<10240x128xf32, #tpu.memory_space<vmem_shared>>, %arg11: memref<!tpu.dma_semaphore, #tpu.memory_space<semaphore_mem>>, %arg12: memref<!tpu.dma_semaphore, #tpu.memory_space<semaphore_mem>>) attributes {dimension_semantics = [#tpu.dimension_semantics<core_parallel>, #tpu.dimension_semantics<subcore_parallel>], iteration_bounds = array<i64: 2, 16>, scalar_prefetch = 0 : i64, scratch_operands = 7 : i64, tpu.core_type = #tpu.core_type<sc_vector_subcore>, window_params = [{transform_indices = #map}, {transform_indices = #map1}, {transform_indices = #map1}, {transform_indices = #map2}]} {
    %mul3A = arith.constant 16 : i32
    %mul3A_0 = arith.muli %arg0, %mul3A : i32
    %add3A = arith.addi %mul3A_0, %arg1 : i32
    %mul3A_1 = arith.constant 10000 : i32
    %mul3A_2 = arith.muli %add3A, %mul3A_1 : i32
    "tpu.region"() ({
      %run_scoped3A = tpu.sem_alloc : memref<!tpu.dma_semaphore, #tpu.memory_space<semaphore_mem>>
      %dma_start3A_67 = tpu.memref_slice %arg3[%mul3A_2] : memref<320000xi32, #tpu.memory_space<hbm>> -> memref<10000xi32, #tpu.memory_space<hbm>>
      %dma_start3A_68 = tpu.memref_slice %arg3[%mul3A_2] : memref<320000xi32, #tpu.memory_space<hbm>> -> memref<10000xi32, #tpu.memory_space<hbm>>
      tpu.enqueue_dma source(%dma_start3A_68 : memref<10000xi32, #tpu.memory_space<hbm>>) target(%arg6 : memref<10000xi32, #tpu.memory_space<vmem>>) target_semaphore(%run_scoped3A : memref<!tpu.dma_semaphore, #tpu.memory_space<semaphore_mem>>)
      %dma_wait3A_69 = tpu.memref_slice %arg3[%mul3A_2] : memref<320000xi32, #tpu.memory_space<hbm>> -> memref<10000xi32, #tpu.memory_space<hbm>>
      %dma_wait3A_70 = tpu.memref_slice %arg3[%mul3A_2] : memref<320000xi32, #tpu.memory_space<hbm>> -> memref<10000xi32, #tpu.memory_space<hbm>>
      tpu.wait_dma2 semaphore(%run_scoped3A : memref<!tpu.dma_semaphore, #tpu.memory_space<semaphore_mem>>) src(%dma_wait3A_70 : memref<10000xi32, #tpu.memory_space<hbm>>) dst(%arg6 : memref<10000xi32, #tpu.memory_space<vmem>>)
      tpu.yield
    }) : () -> ()
    %mul3A_3 = arith.constant 10000 : i32
    %mul3A_4 = arith.muli %add3A, %mul3A_3 : i32
    "tpu.region"() ({
      %run_scoped3A = tpu.sem_alloc : memref<!tpu.dma_semaphore, #tpu.memory_space<semaphore_mem>>
      %dma_start3A_67 = tpu.memref_slice %arg4[%mul3A_4] : memref<320000xi32, #tpu.memory_space<hbm>> -> memref<10000xi32, #tpu.memory_space<hbm>>
      %dma_start3A_68 = tpu.memref_slice %arg4[%mul3A_4] : memref<320000xi32, #tpu.memory_space<hbm>> -> memref<10000xi32, #tpu.memory_space<hbm>>
      tpu.enqueue_dma source(%dma_start3A_68 : memref<10000xi32, #tpu.memory_space<hbm>>) target(%arg7 : memref<10000xi32, #tpu.memory_space<vmem>>) target_semaphore(%run_scoped3A : memref<!tpu.dma_semaphore, #tpu.memory_space<semaphore_mem>>)
      %dma_wait3A_69 = tpu.memref_slice %arg4[%mul3A_4] : memref<320000xi32, #tpu.memory_space<hbm>> -> memref<10000xi32, #tpu.memory_space<hbm>>
      %dma_wait3A_70 = tpu.memref_slice %arg4[%mul3A_4] : memref<320000xi32, #tpu.memory_space<hbm>> -> memref<10000xi32, #tpu.memory_space<hbm>>
      tpu.wait_dma2 semaphore(%run_scoped3A : memref<!tpu.dma_semaphore, #tpu.memory_space<semaphore_mem>>) src(%dma_wait3A_70 : memref<10000xi32, #tpu.memory_space<hbm>>) dst(%arg7 : memref<10000xi32, #tpu.memory_space<vmem>>)
      tpu.yield
    }) : () -> ()
    %broadcast_in_dim3A = arith.constant 0.000000e+00 : f32
    %broadcast_in_dim3A_5 = vector.broadcast %broadcast_in_dim3A : f32 to vector<16xf32>
    %scan3A = arith.constant 0 : i32
    %scan3A_6 = arith.constant 0 : i32
    %scan3A_7 = arith.constant 640 : i32
    %scan3A_8 = arith.addi %scan3A_6, %scan3A_7 : i32
    %scan3A_9 = arith.constant 1 : i32
    scf.for %scan3A_67 = %scan3A_6 to %scan3A_8 step %scan3A_9  : i32 {
      %jit3A = arith.constant 8 : i32
      %div3A = arith.divsi %scan3A_67, %jit3A : i32
      %sign3A = arith.constant 0 : i32
      %sign3A_68 = arith.cmpi sgt, %scan3A_67, %sign3A : i32
      %sign3A_69 = arith.extui %sign3A_68 : i1 to i32
      %sign3A_70 = arith.constant 0 : i32
      %sign3A_71 = arith.cmpi slt, %scan3A_67, %sign3A_70 : i32
      %sign3A_72 = arith.extui %sign3A_71 : i1 to i32
      %sign3A_73 = arith.subi %sign3A_69, %sign3A_72 : i32
      %sign3A_74 = arith.constant 0 : i32
      %sign3A_75 = arith.cmpi sgt, %jit3A, %sign3A_74 : i32
      %sign3A_76 = arith.extui %sign3A_75 : i1 to i32
      %sign3A_77 = arith.constant 0 : i32
      %sign3A_78 = arith.cmpi slt, %jit3A, %sign3A_77 : i32
      %sign3A_79 = arith.extui %sign3A_78 : i1 to i32
      %sign3A_80 = arith.subi %sign3A_76, %sign3A_79 : i32
      %ne3A = arith.cmpi ne, %sign3A_73, %sign3A_80 : i32
      %rem3A = arith.remsi %scan3A_67, %jit3A : i32
      %ne3A_81 = arith.constant 0 : i32
      %ne3A_82 = arith.cmpi ne, %rem3A, %ne3A_81 : i32
      %and3A = arith.andi %ne3A, %ne3A_82 : i1
      %sub3A = arith.constant 1 : i32
      %sub3A_83 = arith.subi %div3A, %sub3A : i32
      %select_n3A = arith.select %and3A, %sub3A_83, %div3A : i32
      %jit3A_84 = arith.constant 8 : i32
      %eq3A = arith.constant 0 : i32
      %eq3A_85 = arith.cmpi eq, %jit3A_84, %eq3A : i32
      %jit3A_86 = arith.constant 1 : i32
      %select_n3A_87 = arith.select %eq3A_85, %jit3A_86, %jit3A_84 : i32
      %rem3A_88 = arith.remsi %scan3A_67, %select_n3A_87 : i32
      %ne3A_89 = arith.constant 0 : i32
      %ne3A_90 = arith.cmpi ne, %rem3A_88, %ne3A_89 : i32
      %lt3A = arith.constant 0 : i32
      %lt3A_91 = arith.cmpi slt, %rem3A_88, %lt3A : i32
      %lt3A_92 = arith.constant 0 : i32
      %lt3A_93 = arith.cmpi slt, %select_n3A_87, %lt3A_92 : i32
      %ne3A_94 = arith.xori %lt3A_91, %lt3A_93 : i1
      %and3A_95 = arith.andi %ne3A_94, %ne3A_90 : i1
      %add3A_96 = arith.addi %rem3A_88, %select_n3A_87 : i32
      %select_n3A_97 = arith.select %and3A_95, %add3A_96, %rem3A_88 : i32
      %mul3A_98 = arith.constant 16 : i32
      %mul3A_99 = arith.muli %select_n3A_97, %mul3A_98 : i32
      %swap3A = arith.index_cast %select_n3A : i32 to index
      %swap3A_100 = arith.index_cast %mul3A_99 : i32 to index
      %swap3A_101 = tpu.vector_load %arg8[%swap3A, %swap3A_100] {strides = array<i32>} : memref<80x128xf32, #tpu.memory_space<vmem>>, vector<1x16xf32>,
      %swap3A_102 = vector.shape_cast %swap3A_101 : vector<1x16xf32> to vector<16xf32>
      %swap3A_103 = vector.shape_cast %broadcast_in_dim3A_5 : vector<16xf32> to vector<1x16xf32>
      tpu.vector_store %arg8[%swap3A, %swap3A_100], %swap3A_103 {strides = array<i32>} : memref<80x128xf32, #tpu.memory_space<vmem>>, vector<1x16xf32>,
    }
    %scan3A_10 = arith.constant 640 : i32
    %mul3A_11 = arith.constant 640 : i32
    %mul3A_12 = arith.muli %arg1, %mul3A_11 : i32
    %add3A_13 = arith.constant 0 : i32
    %add3A_14 = arith.addi %mul3A_12, %add3A_13 : i32
    "tpu.region"() ({
      %run_scoped3A = tpu.sem_alloc : memref<!tpu.dma_semaphore, #tpu.memory_space<semaphore_mem>>
      %dma_start3A_67 = arith.constant 0 : i32
      %dma_start3A_68 = arith.constant 0 : i32
      %dma_start3A_69 = tpu.memref_slice %arg8[%dma_start3A_67, %dma_start3A_68] : memref<80x128xf32, #tpu.memory_space<vmem>> -> memref<80x128xf32, #tpu.memory_space<vmem>>
      %dma_start3A_70 = arith.constant 0 : i32
      %dma_start3A_71 = tpu.memref_slice %arg10[%add3A_14, %dma_start3A_70] : memref<10240x128xf32, #tpu.memory_space<vmem_shared>> -> memref<80x128xf32, #tpu.memory_space<vmem_shared>>
      %dma_start3A_72 = arith.constant 0 : i32
      %dma_start3A_73 = tpu.memref_slice %arg10[%add3A_14, %dma_start3A_72] : memref<10240x128xf32, #tpu.memory_space<vmem_shared>> -> memref<80x128xf32, #tpu.memory_space<vmem_shared>>
      %dma_start3A_74 = arith.constant 0 : i32
      %dma_start3A_75 = arith.constant 0 : i32
      %dma_start3A_76 = tpu.memref_slice %arg8[%dma_start3A_74, %dma_start3A_75] : memref<80x128xf32, #tpu.memory_space<vmem>> -> memref<80x128xf32, #tpu.memory_space<vmem>>
      tpu.enqueue_dma source(%dma_start3A_76 : memref<80x128xf32, #tpu.memory_space<vmem>>) target(%dma_start3A_73 : memref<80x128xf32, #tpu.memory_space<vmem_shared>>) target_semaphore(%run_scoped3A : memref<!tpu.dma_semaphore, #tpu.memory_space<semaphore_mem>>)
      %dma_wait3A_77 = arith.constant 0 : i32
      %dma_wait3A_78 = arith.constant 0 : i32
      %dma_wait3A_79 = tpu.memref_slice %arg8[%dma_wait3A_77, %dma_wait3A_78] : memref<80x128xf32, #tpu.memory_space<vmem>> -> memref<80x128xf32, #tpu.memory_space<vmem>>
      %dma_wait3A_80 = arith.constant 0 : i32
      %dma_wait3A_81 = tpu.memref_slice %arg10[%add3A_14, %dma_wait3A_80] : memref<10240x128xf32, #tpu.memory_space<vmem_shared>> -> memref<80x128xf32, #tpu.memory_space<vmem_shared>>
      %dma_wait3A_82 = arith.constant 0 : i32
      %dma_wait3A_83 = tpu.memref_slice %arg10[%add3A_14, %dma_wait3A_82] : memref<10240x128xf32, #tpu.memory_space<vmem_shared>> -> memref<80x128xf32, #tpu.memory_space<vmem_shared>>
      %dma_wait3A_84 = arith.constant 0 : i32
      %dma_wait3A_85 = arith.constant 0 : i32
      %dma_wait3A_86 = tpu.memref_slice %arg8[%dma_wait3A_84, %dma_wait3A_85] : memref<80x128xf32, #tpu.memory_space<vmem>> -> memref<80x128xf32, #tpu.memory_space<vmem>>
      tpu.wait_dma2 semaphore(%run_scoped3A : memref<!tpu.dma_semaphore, #tpu.memory_space<semaphore_mem>>) src(%dma_wait3A_86 : memref<80x128xf32, #tpu.memory_space<vmem>>) dst(%dma_wait3A_83 : memref<80x128xf32, #tpu.memory_space<vmem_shared>>)
      tpu.yield
    }) : () -> ()
    %mul3A_15 = arith.constant 640 : i32
    %mul3A_16 = arith.muli %arg1, %mul3A_15 : i32
    %add3A_17 = arith.constant 80 : i32
    %add3A_18 = arith.addi %mul3A_16, %add3A_17 : i32
    "tpu.region"() ({
      %run_scoped3A = tpu.sem_alloc : memref<!tpu.dma_semaphore, #tpu.memory_space<semaphore_mem>>
      %dma_start3A_67 = arith.constant 0 : i32
      %dma_start3A_68 = arith.constant 0 : i32
      %dma_start3A_69 = tpu.memref_slice %arg8[%dma_start3A_67, %dma_start3A_68] : memref<80x128xf32, #tpu.memory_space<vmem>> -> memref<80x128xf32, #tpu.memory_space<vmem>>
      %dma_start3A_70 = arith.constant 0 : i32
      %dma_start3A_71 = tpu.memref_slice %arg10[%add3A_18, %dma_start3A_70] : memref<10240x128xf32, #tpu.memory_space<vmem_shared>> -> memref<80x128xf32, #tpu.memory_space<vmem_shared>>
      %dma_start3A_72 = arith.constant 0 : i32
      %dma_start3A_73 = tpu.memref_slice %arg10[%add3A_18, %dma_start3A_72] : memref<10240x128xf32, #tpu.memory_space<vmem_shared>> -> memref<80x128xf32, #tpu.memory_space<vmem_shared>>
      %dma_start3A_74 = arith.constant 0 : i32
      %dma_start3A_75 = arith.constant 0 : i32
      %dma_start3A_76 = tpu.memref_slice %arg8[%dma_start3A_74, %dma_start3A_75] : memref<80x128xf32, #tpu.memory_space<vmem>> -> memref<80x128xf32, #tpu.memory_space<vmem>>
      tpu.enqueue_dma source(%dma_start3A_76 : memref<80x128xf32, #tpu.memory_space<vmem>>) target(%dma_start3A_73 : memref<80x128xf32, #tpu.memory_space<vmem_shared>>) target_semaphore(%run_scoped3A : memref<!tpu.dma_semaphore, #tpu.memory_space<semaphore_mem>>)
      %dma_wait3A_77 = arith.constant 0 : i32
      %dma_wait3A_78 = arith.constant 0 : i32
      %dma_wait3A_79 = tpu.memref_slice %arg8[%dma_wait3A_77, %dma_wait3A_78] : memref<80x128xf32, #tpu.memory_space<vmem>> -> memref<80x128xf32, #tpu.memory_space<vmem>>
      %dma_wait3A_80 = arith.constant 0 : i32
      %dma_wait3A_81 = tpu.memref_slice %arg10[%add3A_18, %dma_wait3A_80] : memref<10240x128xf32, #tpu.memory_space<vmem_shared>> -> memref<80x128xf32, #tpu.memory_space<vmem_shared>>
      %dma_wait3A_82 = arith.constant 0 : i32
      %dma_wait3A_83 = tpu.memref_slice %arg10[%add3A_18, %dma_wait3A_82] : memref<10240x128xf32, #tpu.memory_space<vmem_shared>> -> memref<80x128xf32, #tpu.memory_space<vmem_shared>>
      %dma_wait3A_84 = arith.constant 0 : i32
      %dma_wait3A_85 = arith.constant 0 : i32
      %dma_wait3A_86 = tpu.memref_slice %arg8[%dma_wait3A_84, %dma_wait3A_85] : memref<80x128xf32, #tpu.memory_space<vmem>> -> memref<80x128xf32, #tpu.memory_space<vmem>>
      tpu.wait_dma2 semaphore(%run_scoped3A : memref<!tpu.dma_semaphore, #tpu.memory_space<semaphore_mem>>) src(%dma_wait3A_86 : memref<80x128xf32, #tpu.memory_space<vmem>>) dst(%dma_wait3A_83 : memref<80x128xf32, #tpu.memory_space<vmem_shared>>)
      tpu.yield
    }) : () -> ()
    %mul3A_19 = arith.constant 640 : i32
    %mul3A_20 = arith.muli %arg1, %mul3A_19 : i32
    %add3A_21 = arith.constant 160 : i32
    %add3A_22 = arith.addi %mul3A_20, %add3A_21 : i32
    "tpu.region"() ({
      %run_scoped3A = tpu.sem_alloc : memref<!tpu.dma_semaphore, #tpu.memory_space<semaphore_mem>>
      %dma_start3A_67 = arith.constant 0 : i32
      %dma_start3A_68 = arith.constant 0 : i32
      %dma_start3A_69 = tpu.memref_slice %arg8[%dma_start3A_67, %dma_start3A_68] : memref<80x128xf32, #tpu.memory_space<vmem>> -> memref<80x128xf32, #tpu.memory_space<vmem>>
      %dma_start3A_70 = arith.constant 0 : i32
      %dma_start3A_71 = tpu.memref_slice %arg10[%add3A_22, %dma_start3A_70] : memref<10240x128xf32, #tpu.memory_space<vmem_shared>> -> memref<80x128xf32, #tpu.memory_space<vmem_shared>>
      %dma_start3A_72 = arith.constant 0 : i32
      %dma_start3A_73 = tpu.memref_slice %arg10[%add3A_22, %dma_start3A_72] : memref<10240x128xf32, #tpu.memory_space<vmem_shared>> -> memref<80x128xf32, #tpu.memory_space<vmem_shared>>
      %dma_start3A_74 = arith.constant 0 : i32
      %dma_start3A_75 = arith.constant 0 : i32
      %dma_start3A_76 = tpu.memref_slice %arg8[%dma_start3A_74, %dma_start3A_75] : memref<80x128xf32, #tpu.memory_space<vmem>> -> memref<80x128xf32, #tpu.memory_space<vmem>>
      tpu.enqueue_dma source(%dma_start3A_76 : memref<80x128xf32, #tpu.memory_space<vmem>>) target(%dma_start3A_73 : memref<80x128xf32, #tpu.memory_space<vmem_shared>>) target_semaphore(%run_scoped3A : memref<!tpu.dma_semaphore, #tpu.memory_space<semaphore_mem>>)
      %dma_wait3A_77 = arith.constant 0 : i32
      %dma_wait3A_78 = arith.constant 0 : i32
      %dma_wait3A_79 = tpu.memref_slice %arg8[%dma_wait3A_77, %dma_wait3A_78] : memref<80x128xf32, #tpu.memory_space<vmem>> -> memref<80x128xf32, #tpu.memory_space<vmem>>
      %dma_wait3A_80 = arith.constant 0 : i32
      %dma_wait3A_81 = tpu.memref_slice %arg10[%add3A_22, %dma_wait3A_80] : memref<10240x128xf32, #tpu.memory_space<vmem_shared>> -> memref<80x128xf32, #tpu.memory_space<vmem_shared>>
      %dma_wait3A_82 = arith.constant 0 : i32
      %dma_wait3A_83 = tpu.memref_slice %arg10[%add3A_22, %dma_wait3A_82] : memref<10240x128xf32, #tpu.memory_space<vmem_shared>> -> memref<80x128xf32, #tpu.memory_space<vmem_shared>>
      %dma_wait3A_84 = arith.constant 0 : i32
      %dma_wait3A_85 = arith.constant 0 : i32
      %dma_wait3A_86 = tpu.memref_slice %arg8[%dma_wait3A_84, %dma_wait3A_85] : memref<80x128xf32, #tpu.memory_space<vmem>> -> memref<80x128xf32, #tpu.memory_space<vmem>>
      tpu.wait_dma2 semaphore(%run_scoped3A : memref<!tpu.dma_semaphore, #tpu.memory_space<semaphore_mem>>) src(%dma_wait3A_86 : memref<80x128xf32, #tpu.memory_space<vmem>>) dst(%dma_wait3A_83 : memref<80x128xf32, #tpu.memory_space<vmem_shared>>)
      tpu.yield
    }) : () -> ()
    %mul3A_23 = arith.constant 640 : i32
    %mul3A_24 = arith.muli %arg1, %mul3A_23 : i32
    %add3A_25 = arith.constant 240 : i32
    %add3A_26 = arith.addi %mul3A_24, %add3A_25 : i32
    "tpu.region"() ({
      %run_scoped3A = tpu.sem_alloc : memref<!tpu.dma_semaphore, #tpu.memory_space<semaphore_mem>>
      %dma_start3A_67 = arith.constant 0 : i32
      %dma_start3A_68 = arith.constant 0 : i32
      %dma_start3A_69 = tpu.memref_slice %arg8[%dma_start3A_67, %dma_start3A_68] : memref<80x128xf32, #tpu.memory_space<vmem>> -> memref<80x128xf32, #tpu.memory_space<vmem>>
      %dma_start3A_70 = arith.constant 0 : i32
      %dma_start3A_71 = tpu.memref_slice %arg10[%add3A_26, %dma_start3A_70] : memref<10240x128xf32, #tpu.memory_space<vmem_shared>> -> memref<80x128xf32, #tpu.memory_space<vmem_shared>>
      %dma_start3A_72 = arith.constant 0 : i32
      %dma_start3A_73 = tpu.memref_slice %arg10[%add3A_26, %dma_start3A_72] : memref<10240x128xf32, #tpu.memory_space<vmem_shared>> -> memref<80x128xf32, #tpu.memory_space<vmem_shared>>
      %dma_start3A_74 = arith.constant 0 : i32
      %dma_start3A_75 = arith.constant 0 : i32
      %dma_start3A_76 = tpu.memref_slice %arg8[%dma_start3A_74, %dma_start3A_75] : memref<80x128xf32, #tpu.memory_space<vmem>> -> memref<80x128xf32, #tpu.memory_space<vmem>>
      tpu.enqueue_dma source(%dma_start3A_76 : memref<80x128xf32, #tpu.memory_space<vmem>>) target(%dma_start3A_73 : memref<80x128xf32, #tpu.memory_space<vmem_shared>>) target_semaphore(%run_scoped3A : memref<!tpu.dma_semaphore, #tpu.memory_space<semaphore_mem>>)
      %dma_wait3A_77 = arith.constant 0 : i32
      %dma_wait3A_78 = arith.constant 0 : i32
      %dma_wait3A_79 = tpu.memref_slice %arg8[%dma_wait3A_77, %dma_wait3A_78] : memref<80x128xf32, #tpu.memory_space<vmem>> -> memref<80x128xf32, #tpu.memory_space<vmem>>
      %dma_wait3A_80 = arith.constant 0 : i32
      %dma_wait3A_81 = tpu.memref_slice %arg10[%add3A_26, %dma_wait3A_80] : memref<10240x128xf32, #tpu.memory_space<vmem_shared>> -> memref<80x128xf32, #tpu.memory_space<vmem_shared>>
      %dma_wait3A_82 = arith.constant 0 : i32
      %dma_wait3A_83 = tpu.memref_slice %arg10[%add3A_26, %dma_wait3A_82] : memref<10240x128xf32, #tpu.memory_space<vmem_shared>> -> memref<80x128xf32, #tpu.memory_space<vmem_shared>>
      %dma_wait3A_84 = arith.constant 0 : i32
      %dma_wait3A_85 = arith.constant 0 : i32
      %dma_wait3A_86 = tpu.memref_slice %arg8[%dma_wait3A_84, %dma_wait3A_85] : memref<80x128xf32, #tpu.memory_space<vmem>> -> memref<80x128xf32, #tpu.memory_space<vmem>>
      tpu.wait_dma2 semaphore(%run_scoped3A : memref<!tpu.dma_semaphore, #tpu.memory_space<semaphore_mem>>) src(%dma_wait3A_86 : memref<80x128xf32, #tpu.memory_space<vmem>>) dst(%dma_wait3A_83 : memref<80x128xf32, #tpu.memory_space<vmem_shared>>)
      tpu.yield
    }) : () -> ()
    %mul3A_27 = arith.constant 640 : i32
    %mul3A_28 = arith.muli %arg1, %mul3A_27 : i32
    %add3A_29 = arith.constant 320 : i32
    %add3A_30 = arith.addi %mul3A_28, %add3A_29 : i32
    "tpu.region"() ({
      %run_scoped3A = tpu.sem_alloc : memref<!tpu.dma_semaphore, #tpu.memory_space<semaphore_mem>>
      %dma_start3A_67 = arith.constant 0 : i32
      %dma_start3A_68 = arith.constant 0 : i32
      %dma_start3A_69 = tpu.memref_slice %arg8[%dma_start3A_67, %dma_start3A_68] : memref<80x128xf32, #tpu.memory_space<vmem>> -> memref<80x128xf32, #tpu.memory_space<vmem>>
      %dma_start3A_70 = arith.constant 0 : i32
      %dma_start3A_71 = tpu.memref_slice %arg10[%add3A_30, %dma_start3A_70] : memref<10240x128xf32, #tpu.memory_space<vmem_shared>> -> memref<80x128xf32, #tpu.memory_space<vmem_shared>>
      %dma_start3A_72 = arith.constant 0 : i32
      %dma_start3A_73 = tpu.memref_slice %arg10[%add3A_30, %dma_start3A_72] : memref<10240x128xf32, #tpu.memory_space<vmem_shared>> -> memref<80x128xf32, #tpu.memory_space<vmem_shared>>
      %dma_start3A_74 = arith.constant 0 : i32
      %dma_start3A_75 = arith.constant 0 : i32
      %dma_start3A_76 = tpu.memref_slice %arg8[%dma_start3A_74, %dma_start3A_75] : memref<80x128xf32, #tpu.memory_space<vmem>> -> memref<80x128xf32, #tpu.memory_space<vmem>>
      tpu.enqueue_dma source(%dma_start3A_76 : memref<80x128xf32, #tpu.memory_space<vmem>>) target(%dma_start3A_73 : memref<80x128xf32, #tpu.memory_space<vmem_shared>>) target_semaphore(%run_scoped3A : memref<!tpu.dma_semaphore, #tpu.memory_space<semaphore_mem>>)
      %dma_wait3A_77 = arith.constant 0 : i32
      %dma_wait3A_78 = arith.constant 0 : i32
      %dma_wait3A_79 = tpu.memref_slice %arg8[%dma_wait3A_77, %dma_wait3A_78] : memref<80x128xf32, #tpu.memory_space<vmem>> -> memref<80x128xf32, #tpu.memory_space<vmem>>
      %dma_wait3A_80 = arith.constant 0 : i32
      %dma_wait3A_81 = tpu.memref_slice %arg10[%add3A_30, %dma_wait3A_80] : memref<10240x128xf32, #tpu.memory_space<vmem_shared>> -> memref<80x128xf32, #tpu.memory_space<vmem_shared>>
      %dma_wait3A_82 = arith.constant 0 : i32
      %dma_wait3A_83 = tpu.memref_slice %arg10[%add3A_30, %dma_wait3A_82] : memref<10240x128xf32, #tpu.memory_space<vmem_shared>> -> memref<80x128xf32, #tpu.memory_space<vmem_shared>>
      %dma_wait3A_84 = arith.constant 0 : i32
      %dma_wait3A_85 = arith.constant 0 : i32
      %dma_wait3A_86 = tpu.memref_slice %arg8[%dma_wait3A_84, %dma_wait3A_85] : memref<80x128xf32, #tpu.memory_space<vmem>> -> memref<80x128xf32, #tpu.memory_space<vmem>>
      tpu.wait_dma2 semaphore(%run_scoped3A : memref<!tpu.dma_semaphore, #tpu.memory_space<semaphore_mem>>) src(%dma_wait3A_86 : memref<80x128xf32, #tpu.memory_space<vmem>>) dst(%dma_wait3A_83 : memref<80x128xf32, #tpu.memory_space<vmem_shared>>)
      tpu.yield
    }) : () -> ()
    %mul3A_31 = arith.constant 640 : i32
    %mul3A_32 = arith.muli %arg1, %mul3A_31 : i32
    %add3A_33 = arith.constant 400 : i32
    %add3A_34 = arith.addi %mul3A_32, %add3A_33 : i32
    "tpu.region"() ({
      %run_scoped3A = tpu.sem_alloc : memref<!tpu.dma_semaphore, #tpu.memory_space<semaphore_mem>>
      %dma_start3A_67 = arith.constant 0 : i32
      %dma_start3A_68 = arith.constant 0 : i32
      %dma_start3A_69 = tpu.memref_slice %arg8[%dma_start3A_67, %dma_start3A_68] : memref<80x128xf32, #tpu.memory_space<vmem>> -> memref<80x128xf32, #tpu.memory_space<vmem>>
      %dma_start3A_70 = arith.constant 0 : i32
      %dma_start3A_71 = tpu.memref_slice %arg10[%add3A_34, %dma_start3A_70] : memref<10240x128xf32, #tpu.memory_space<vmem_shared>> -> memref<80x128xf32, #tpu.memory_space<vmem_shared>>
      %dma_start3A_72 = arith.constant 0 : i32
      %dma_start3A_73 = tpu.memref_slice %arg10[%add3A_34, %dma_start3A_72] : memref<10240x128xf32, #tpu.memory_space<vmem_shared>> -> memref<80x128xf32, #tpu.memory_space<vmem_shared>>
      %dma_start3A_74 = arith.constant 0 : i32
      %dma_start3A_75 = arith.constant 0 : i32
      %dma_start3A_76 = tpu.memref_slice %arg8[%dma_start3A_74, %dma_start3A_75] : memref<80x128xf32, #tpu.memory_space<vmem>> -> memref<80x128xf32, #tpu.memory_space<vmem>>
      tpu.enqueue_dma source(%dma_start3A_76 : memref<80x128xf32, #tpu.memory_space<vmem>>) target(%dma_start3A_73 : memref<80x128xf32, #tpu.memory_space<vmem_shared>>) target_semaphore(%run_scoped3A : memref<!tpu.dma_semaphore, #tpu.memory_space<semaphore_mem>>)
      %dma_wait3A_77 = arith.constant 0 : i32
      %dma_wait3A_78 = arith.constant 0 : i32
      %dma_wait3A_79 = tpu.memref_slice %arg8[%dma_wait3A_77, %dma_wait3A_78] : memref<80x128xf32, #tpu.memory_space<vmem>> -> memref<80x128xf32, #tpu.memory_space<vmem>>
      %dma_wait3A_80 = arith.constant 0 : i32
      %dma_wait3A_81 = tpu.memref_slice %arg10[%add3A_34, %dma_wait3A_80] : memref<10240x128xf32, #tpu.memory_space<vmem_shared>> -> memref<80x128xf32, #tpu.memory_space<vmem_shared>>
      %dma_wait3A_82 = arith.constant 0 : i32
      %dma_wait3A_83 = tpu.memref_slice %arg10[%add3A_34, %dma_wait3A_82] : memref<10240x128xf32, #tpu.memory_space<vmem_shared>> -> memref<80x128xf32, #tpu.memory_space<vmem_shared>>
      %dma_wait3A_84 = arith.constant 0 : i32
      %dma_wait3A_85 = arith.constant 0 : i32
      %dma_wait3A_86 = tpu.memref_slice %arg8[%dma_wait3A_84, %dma_wait3A_85] : memref<80x128xf32, #tpu.memory_space<vmem>> -> memref<80x128xf32, #tpu.memory_space<vmem>>
      tpu.wait_dma2 semaphore(%run_scoped3A : memref<!tpu.dma_semaphore, #tpu.memory_space<semaphore_mem>>) src(%dma_wait3A_86 : memref<80x128xf32, #tpu.memory_space<vmem>>) dst(%dma_wait3A_83 : memref<80x128xf32, #tpu.memory_space<vmem_shared>>)
      tpu.yield
    }) : () -> ()
    %mul3A_35 = arith.constant 640 : i32
    %mul3A_36 = arith.muli %arg1, %mul3A_35 : i32
    %add3A_37 = arith.constant 480 : i32
    %add3A_38 = arith.addi %mul3A_36, %add3A_37 : i32
    "tpu.region"() ({
      %run_scoped3A = tpu.sem_alloc : memref<!tpu.dma_semaphore, #tpu.memory_space<semaphore_mem>>
      %dma_start3A_67 = arith.constant 0 : i32
      %dma_start3A_68 = arith.constant 0 : i32
      %dma_start3A_69 = tpu.memref_slice %arg8[%dma_start3A_67, %dma_start3A_68] : memref<80x128xf32, #tpu.memory_space<vmem>> -> memref<80x128xf32, #tpu.memory_space<vmem>>
      %dma_start3A_70 = arith.constant 0 : i32
      %dma_start3A_71 = tpu.memref_slice %arg10[%add3A_38, %dma_start3A_70] : memref<10240x128xf32, #tpu.memory_space<vmem_shared>> -> memref<80x128xf32, #tpu.memory_space<vmem_shared>>
      %dma_start3A_72 = arith.constant 0 : i32
      %dma_start3A_73 = tpu.memref_slice %arg10[%add3A_38, %dma_start3A_72] : memref<10240x128xf32, #tpu.memory_space<vmem_shared>> -> memref<80x128xf32, #tpu.memory_space<vmem_shared>>
      %dma_start3A_74 = arith.constant 0 : i32
      %dma_start3A_75 = arith.constant 0 : i32
      %dma_start3A_76 = tpu.memref_slice %arg8[%dma_start3A_74, %dma_start3A_75] : memref<80x128xf32, #tpu.memory_space<vmem>> -> memref<80x128xf32, #tpu.memory_space<vmem>>
      tpu.enqueue_dma source(%dma_start3A_76 : memref<80x128xf32, #tpu.memory_space<vmem>>) target(%dma_start3A_73 : memref<80x128xf32, #tpu.memory_space<vmem_shared>>) target_semaphore(%run_scoped3A : memref<!tpu.dma_semaphore, #tpu.memory_space<semaphore_mem>>)
      %dma_wait3A_77 = arith.constant 0 : i32
      %dma_wait3A_78 = arith.constant 0 : i32
      %dma_wait3A_79 = tpu.memref_slice %arg8[%dma_wait3A_77, %dma_wait3A_78] : memref<80x128xf32, #tpu.memory_space<vmem>> -> memref<80x128xf32, #tpu.memory_space<vmem>>
      %dma_wait3A_80 = arith.constant 0 : i32
      %dma_wait3A_81 = tpu.memref_slice %arg10[%add3A_38, %dma_wait3A_80] : memref<10240x128xf32, #tpu.memory_space<vmem_shared>> -> memref<80x128xf32, #tpu.memory_space<vmem_shared>>
      %dma_wait3A_82 = arith.constant 0 : i32
      %dma_wait3A_83 = tpu.memref_slice %arg10[%add3A_38, %dma_wait3A_82] : memref<10240x128xf32, #tpu.memory_space<vmem_shared>> -> memref<80x128xf32, #tpu.memory_space<vmem_shared>>
      %dma_wait3A_84 = arith.constant 0 : i32
      %dma_wait3A_85 = arith.constant 0 : i32
      %dma_wait3A_86 = tpu.memref_slice %arg8[%dma_wait3A_84, %dma_wait3A_85] : memref<80x128xf32, #tpu.memory_space<vmem>> -> memref<80x128xf32, #tpu.memory_space<vmem>>
      tpu.wait_dma2 semaphore(%run_scoped3A : memref<!tpu.dma_semaphore, #tpu.memory_space<semaphore_mem>>) src(%dma_wait3A_86 : memref<80x128xf32, #tpu.memory_space<vmem>>) dst(%dma_wait3A_83 : memref<80x128xf32, #tpu.memory_space<vmem_shared>>)
      tpu.yield
    }) : () -> ()
    %mul3A_39 = arith.constant 640 : i32
    %mul3A_40 = arith.muli %arg1, %mul3A_39 : i32
    %add3A_41 = arith.constant 560 : i32
    %add3A_42 = arith.addi %mul3A_40, %add3A_41 : i32
    "tpu.region"() ({
      %run_scoped3A = tpu.sem_alloc : memref<!tpu.dma_semaphore, #tpu.memory_space<semaphore_mem>>
      %dma_start3A_67 = arith.constant 0 : i32
      %dma_start3A_68 = arith.constant 0 : i32
      %dma_start3A_69 = tpu.memref_slice %arg8[%dma_start3A_67, %dma_start3A_68] : memref<80x128xf32, #tpu.memory_space<vmem>> -> memref<80x128xf32, #tpu.memory_space<vmem>>
      %dma_start3A_70 = arith.constant 0 : i32
      %dma_start3A_71 = tpu.memref_slice %arg10[%add3A_42, %dma_start3A_70] : memref<10240x128xf32, #tpu.memory_space<vmem_shared>> -> memref<80x128xf32, #tpu.memory_space<vmem_shared>>
      %dma_start3A_72 = arith.constant 0 : i32
      %dma_start3A_73 = tpu.memref_slice %arg10[%add3A_42, %dma_start3A_72] : memref<10240x128xf32, #tpu.memory_space<vmem_shared>> -> memref<80x128xf32, #tpu.memory_space<vmem_shared>>
      %dma_start3A_74 = arith.constant 0 : i32
      %dma_start3A_75 = arith.constant 0 : i32
      %dma_start3A_76 = tpu.memref_slice %arg8[%dma_start3A_74, %dma_start3A_75] : memref<80x128xf32, #tpu.memory_space<vmem>> -> memref<80x128xf32, #tpu.memory_space<vmem>>
      tpu.enqueue_dma source(%dma_start3A_76 : memref<80x128xf32, #tpu.memory_space<vmem>>) target(%dma_start3A_73 : memref<80x128xf32, #tpu.memory_space<vmem_shared>>) target_semaphore(%run_scoped3A : memref<!tpu.dma_semaphore, #tpu.memory_space<semaphore_mem>>)
      %dma_wait3A_77 = arith.constant 0 : i32
      %dma_wait3A_78 = arith.constant 0 : i32
      %dma_wait3A_79 = tpu.memref_slice %arg8[%dma_wait3A_77, %dma_wait3A_78] : memref<80x128xf32, #tpu.memory_space<vmem>> -> memref<80x128xf32, #tpu.memory_space<vmem>>
      %dma_wait3A_80 = arith.constant 0 : i32
      %dma_wait3A_81 = tpu.memref_slice %arg10[%add3A_42, %dma_wait3A_80] : memref<10240x128xf32, #tpu.memory_space<vmem_shared>> -> memref<80x128xf32, #tpu.memory_space<vmem_shared>>
      %dma_wait3A_82 = arith.constant 0 : i32
      %dma_wait3A_83 = tpu.memref_slice %arg10[%add3A_42, %dma_wait3A_82] : memref<10240x128xf32, #tpu.memory_space<vmem_shared>> -> memref<80x128xf32, #tpu.memory_space<vmem_shared>>
      %dma_wait3A_84 = arith.constant 0 : i32
      %dma_wait3A_85 = arith.constant 0 : i32
      %dma_wait3A_86 = tpu.memref_slice %arg8[%dma_wait3A_84, %dma_wait3A_85] : memref<80x128xf32, #tpu.memory_space<vmem>> -> memref<80x128xf32, #tpu.memory_space<vmem>>
      tpu.wait_dma2 semaphore(%run_scoped3A : memref<!tpu.dma_semaphore, #tpu.memory_space<semaphore_mem>>) src(%dma_wait3A_86 : memref<80x128xf32, #tpu.memory_space<vmem>>) dst(%dma_wait3A_83 : memref<80x128xf32, #tpu.memory_space<vmem_shared>>)
      tpu.yield
    }) : () -> ()
    %barrier3A = arith.constant 0 : index
    tpu.barrier barrier_id(%barrier3A)
    %dma_start3A = arith.constant 0 : i32
    %dma_start3A_43 = tpu.memref_slice %arg6[%dma_start3A] : memref<10000xi32, #tpu.memory_space<vmem>> -> memref<80xi32, #tpu.memory_space<vmem>>
    %dma_start3A_44 = arith.constant 0 : i32
    %dma_start3A_45 = arith.constant 0 : i32
    %dma_start3A_46 = tpu.memref_slice %arg2[%dma_start3A_44, %dma_start3A_45] : memref<10240x128xf32, #tpu.memory_space<hbm>> -> memref<10240x128xf32, #tpu.memory_space<hbm>>
    tpu.enqueue_indirect_dma source(%dma_start3A_46 : memref<10240x128xf32, #tpu.memory_space<hbm>>) target(%arg8 : memref<80x128xf32, #tpu.memory_space<vmem>>) offsets(%dma_start3A_43 : memref<80xi32, #tpu.memory_space<vmem>>) semaphore(%arg11 : memref<!tpu.dma_semaphore, #tpu.memory_space<semaphore_mem>>)
    %dma_start3A_47 = arith.constant 80 : i32
    %dma_start3A_48 = tpu.memref_slice %arg6[%dma_start3A_47] : memref<10000xi32, #tpu.memory_space<vmem>> -> memref<80xi32, #tpu.memory_space<vmem>>
    %dma_start3A_49 = arith.constant 0 : i32
    %dma_start3A_50 = arith.constant 0 : i32
    %dma_start3A_51 = tpu.memref_slice %arg2[%dma_start3A_49, %dma_start3A_50] : memref<10240x128xf32, #tpu.memory_space<hbm>> -> memref<10240x128xf32, #tpu.memory_space<hbm>>
    tpu.enqueue_indirect_dma source(%dma_start3A_51 : memref<10240x128xf32, #tpu.memory_space<hbm>>) target(%arg9 : memref<80x128xf32, #tpu.memory_space<vmem>>) offsets(%dma_start3A_48 : memref<80xi32, #tpu.memory_space<vmem>>) semaphore(%arg12 : memref<!tpu.dma_semaphore, #tpu.memory_space<semaphore_mem>>)
    %scan3A_52 = arith.constant 0 : i32
    %scan3A_53 = arith.constant 0 : i32
    %scan3A_54 = arith.constant 62 : i32
    %scan3A_55 = arith.addi %scan3A_53, %scan3A_54 : i32
    %scan3A_56 = arith.constant 1 : i32
    scf.for %scan3A_67 = %scan3A_53 to %scan3A_55 step %scan3A_56  : i32 {
      %mul3A_68 = arith.constant 2 : i32
      %mul3A_69 = arith.muli %mul3A_68, %scan3A_67 : i32
      %dma_wait3A_70 = arith.constant 0 : i32
      %dma_wait3A_71 = tpu.memref_slice %arg6[%dma_wait3A_70] : memref<10000xi32, #tpu.memory_space<vmem>> -> memref<80xi32, #tpu.memory_space<vmem>>
      %dma_wait3A_72 = arith.constant 0 : i32
      %dma_wait3A_73 = arith.constant 0 : i32
      %dma_wait3A_74 = tpu.memref_slice %arg2[%dma_wait3A_72, %dma_wait3A_73] : memref<10240x128xf32, #tpu.memory_space<hbm>> -> memref<10240x128xf32, #tpu.memory_space<hbm>>
      tpu.wait_indirect_dma semaphore(%arg11 : memref<!tpu.dma_semaphore, #tpu.memory_space<semaphore_mem>>) src(%dma_wait3A_74 : memref<10240x128xf32, #tpu.memory_space<hbm>>) dst(%arg8 : memref<80x128xf32, #tpu.memory_space<vmem>>)
      %mul3A_75 = arith.constant 80 : i32
      %mul3A_76 = arith.muli %mul3A_69, %mul3A_75 : i32
      "tpu.region"() ({
        %run_scoped3A = tpu.sem_alloc : memref<!tpu.dma_semaphore, #tpu.memory_space<semaphore_mem>>
        %dma_start3A_97 = tpu.memref_slice %arg7[%mul3A_76] : memref<10000xi32, #tpu.memory_space<vmem>> -> memref<80xi32, #tpu.memory_space<vmem>>
        %dma_start3A_98 = arith.constant 0 : i32
        %dma_start3A_99 = arith.constant 0 : i32
        %dma_start3A_100 = tpu.memref_slice %arg10[%dma_start3A_98, %dma_start3A_99] : memref<10240x128xf32, #tpu.memory_space<vmem_shared>> -> memref<10240x128xf32, #tpu.memory_space<vmem_shared>>
        tpu.enqueue_indirect_dma source(%arg8 : memref<80x128xf32, #tpu.memory_space<vmem>>) target(%dma_start3A_100 : memref<10240x128xf32, #tpu.memory_space<vmem_shared>>) offsets(%dma_start3A_97 : memref<80xi32, #tpu.memory_space<vmem>>) semaphore(%run_scoped3A : memref<!tpu.dma_semaphore, #tpu.memory_space<semaphore_mem>>) {add = true}
        %dma_wait3A_101 = tpu.memref_slice %arg7[%mul3A_76] : memref<10000xi32, #tpu.memory_space<vmem>> -> memref<80xi32, #tpu.memory_space<vmem>>
        %dma_wait3A_102 = arith.constant 0 : i32
        %dma_wait3A_103 = arith.constant 0 : i32
        %dma_wait3A_104 = tpu.memref_slice %arg10[%dma_wait3A_102, %dma_wait3A_103] : memref<10240x128xf32, #tpu.memory_space<vmem_shared>> -> memref<10240x128xf32, #tpu.memory_space<vmem_shared>>
        tpu.wait_indirect_dma semaphore(%run_scoped3A : memref<!tpu.dma_semaphore, #tpu.memory_space<semaphore_mem>>) src(%arg8 : memref<80x128xf32, #tpu.memory_space<vmem>>) dst(%dma_wait3A_104 : memref<10240x128xf32, #tpu.memory_space<vmem_shared>>)
        tpu.yield
      }) : () -> ()
      %add3A_77 = arith.constant 2 : i32
      %add3A_78 = arith.addi %mul3A_69, %add3A_77 : i32
      %lt3A = arith.constant 125 : i32
      %lt3A_79 = arith.cmpi slt, %add3A_78, %lt3A : i32
      %convert_element_type3A = arith.extui %lt3A_79 : i1 to i32
      %cond3A = arith.constant 0 : i32
      %cond3A_80 = arith.cmpi ne, %convert_element_type3A, %cond3A : i32
      scf.if %cond3A_80 {
        %add3A_97 = arith.constant 2 : i32
        %add3A_98 = arith.addi %mul3A_69, %add3A_97 : i32
        %mul3A_99 = arith.constant 80 : i32
        %mul3A_100 = arith.muli %add3A_98, %mul3A_99 : i32
        %dma_start3A_101 = tpu.memref_slice %arg6[%mul3A_100] : memref<10000xi32, #tpu.memory_space<vmem>> -> memref<80xi32, #tpu.memory_space<vmem>>
        %dma_start3A_102 = arith.constant 0 : i32
        %dma_start3A_103 = arith.constant 0 : i32
        %dma_start3A_104 = tpu.memref_slice %arg2[%dma_start3A_102, %dma_start3A_103] : memref<10240x128xf32, #tpu.memory_space<hbm>> -> memref<10240x128xf32, #tpu.memory_space<hbm>>
        tpu.enqueue_indirect_dma source(%dma_start3A_104 : memref<10240x128xf32, #tpu.memory_space<hbm>>) target(%arg8 : memref<80x128xf32, #tpu.memory_space<vmem>>) offsets(%dma_start3A_101 : memref<80xi32, #tpu.memory_space<vmem>>) semaphore(%arg11 : memref<!tpu.dma_semaphore, #tpu.memory_space<semaphore_mem>>)
      } else {
      }
      %dma_wait3A_81 = arith.constant 80 : i32
      %dma_wait3A_82 = tpu.memref_slice %arg6[%dma_wait3A_81] : memref<10000xi32, #tpu.memory_space<vmem>> -> memref<80xi32, #tpu.memory_space<vmem>>
      %dma_wait3A_83 = arith.constant 0 : i32
      %dma_wait3A_84 = arith.constant 0 : i32
      %dma_wait3A_85 = tpu.memref_slice %arg2[%dma_wait3A_83, %dma_wait3A_84] : memref<10240x128xf32, #tpu.memory_space<hbm>> -> memref<10240x128xf32, #tpu.memory_space<hbm>>
      tpu.wait_indirect_dma semaphore(%arg12 : memref<!tpu.dma_semaphore, #tpu.memory_space<semaphore_mem>>) src(%dma_wait3A_85 : memref<10240x128xf32, #tpu.memory_space<hbm>>) dst(%arg9 : memref<80x128xf32, #tpu.memory_space<vmem>>)
      %add3A_86 = arith.constant 1 : i32
      %add3A_87 = arith.addi %mul3A_69, %add3A_86 : i32
      %mul3A_88 = arith.constant 80 : i32
      %mul3A_89 = arith.muli %add3A_87, %mul3A_88 : i32
      "tpu.region"() ({
        %run_scoped3A = tpu.sem_alloc : memref<!tpu.dma_semaphore, #tpu.memory_space<semaphore_mem>>
        %dma_start3A_97 = tpu.memref_slice %arg7[%mul3A_89] : memref<10000xi32, #tpu.memory_space<vmem>> -> memref<80xi32, #tpu.memory_space<vmem>>
        %dma_start3A_98 = arith.constant 0 : i32
        %dma_start3A_99 = arith.constant 0 : i32
        %dma_start3A_100 = tpu.memref_slice %arg10[%dma_start3A_98, %dma_start3A_99] : memref<10240x128xf32, #tpu.memory_space<vmem_shared>> -> memref<10240x128xf32, #tpu.memory_space<vmem_shared>>
        tpu.enqueue_indirect_dma source(%arg9 : memref<80x128xf32, #tpu.memory_space<vmem>>) target(%dma_start3A_100 : memref<10240x128xf32, #tpu.memory_space<vmem_shared>>) offsets(%dma_start3A_97 : memref<80xi32, #tpu.memory_space<vmem>>) semaphore(%run_scoped3A : memref<!tpu.dma_semaphore, #tpu.memory_space<semaphore_mem>>) {add = true}
        %dma_wait3A_101 = tpu.memref_slice %arg7[%mul3A_89] : memref<10000xi32, #tpu.memory_space<vmem>> -> memref<80xi32, #tpu.memory_space<vmem>>
        %dma_wait3A_102 = arith.constant 0 : i32
        %dma_wait3A_103 = arith.constant 0 : i32
        %dma_wait3A_104 = tpu.memref_slice %arg10[%dma_wait3A_102, %dma_wait3A_103] : memref<10240x128xf32, #tpu.memory_space<vmem_shared>> -> memref<10240x128xf32, #tpu.memory_space<vmem_shared>>
        tpu.wait_indirect_dma semaphore(%run_scoped3A : memref<!tpu.dma_semaphore, #tpu.memory_space<semaphore_mem>>) src(%arg9 : memref<80x128xf32, #tpu.memory_space<vmem>>) dst(%dma_wait3A_104 : memref<10240x128xf32, #tpu.memory_space<vmem_shared>>)
        tpu.yield
      }) : () -> ()
      %add3A_90 = arith.constant 3 : i32
      %add3A_91 = arith.addi %mul3A_69, %add3A_90 : i32
      %lt3A_92 = arith.constant 125 : i32
      %lt3A_93 = arith.cmpi slt, %add3A_91, %lt3A_92 : i32
      %convert_element_type3A_94 = arith.extui %lt3A_93 : i1 to i32
      %cond3A_95 = arith.constant 0 : i32
      %cond3A_96 = arith.cmpi ne, %convert_element_type3A_94, %cond3A_95 : i32
      scf.if %cond3A_96 {
        %add3A_97 = arith.constant 3 : i32
        %add3A_98 = arith.addi %mul3A_69, %add3A_97 : i32
        %mul3A_99 = arith.constant 80 : i32
        %mul3A_100 = arith.muli %add3A_98, %mul3A_99 : i32
        %dma_start3A_101 = tpu.memref_slice %arg6[%mul3A_100] : memref<10000xi32, #tpu.memory_space<vmem>> -> memref<80xi32, #tpu.memory_space<vmem>>
        %dma_start3A_102 = arith.constant 0 : i32
        %dma_start3A_103 = arith.constant 0 : i32
        %dma_start3A_104 = tpu.memref_slice %arg2[%dma_start3A_102, %dma_start3A_103] : memref<10240x128xf32, #tpu.memory_space<hbm>> -> memref<10240x128xf32, #tpu.memory_space<hbm>>
        tpu.enqueue_indirect_dma source(%dma_start3A_104 : memref<10240x128xf32, #tpu.memory_space<hbm>>) target(%arg9 : memref<80x128xf32, #tpu.memory_space<vmem>>) offsets(%dma_start3A_101 : memref<80xi32, #tpu.memory_space<vmem>>) semaphore(%arg12 : memref<!tpu.dma_semaphore, #tpu.memory_space<semaphore_mem>>)
      } else {
      }
    }
    %scan3A_57 = arith.constant 62 : i32
    %dma_wait3A = arith.constant 0 : i32
    %dma_wait3A_58 = tpu.memref_slice %arg6[%dma_wait3A] : memref<10000xi32, #tpu.memory_space<vmem>> -> memref<80xi32, #tpu.memory_space<vmem>>
    %dma_wait3A_59 = arith.constant 0 : i32
    %dma_wait3A_60 = arith.constant 0 : i32
    %dma_wait3A_61 = tpu.memref_slice %arg2[%dma_wait3A_59, %dma_wait3A_60] : memref<10240x128xf32, #tpu.memory_space<hbm>> -> memref<10240x128xf32, #tpu.memory_space<hbm>>
    tpu.wait_indirect_dma semaphore(%arg11 : memref<!tpu.dma_semaphore, #tpu.memory_space<semaphore_mem>>) src(%dma_wait3A_61 : memref<10240x128xf32, #tpu.memory_space<hbm>>) dst(%arg8 : memref<80x128xf32, #tpu.memory_space<vmem>>)
    "tpu.region"() ({
      %run_scoped3A = tpu.sem_alloc : memref<!tpu.dma_semaphore, #tpu.memory_space<semaphore_mem>>
      %dma_start3A_67 = arith.constant 9920 : i32
      %dma_start3A_68 = tpu.memref_slice %arg7[%dma_start3A_67] : memref<10000xi32, #tpu.memory_space<vmem>> -> memref<80xi32, #tpu.memory_space<vmem>>
      %dma_start3A_69 = arith.constant 0 : i32
      %dma_start3A_70 = arith.constant 0 : i32
      %dma_start3A_71 = tpu.memref_slice %arg10[%dma_start3A_69, %dma_start3A_70] : memref<10240x128xf32, #tpu.memory_space<vmem_shared>> -> memref<10240x128xf32, #tpu.memory_space<vmem_shared>>
      tpu.enqueue_indirect_dma source(%arg8 : memref<80x128xf32, #tpu.memory_space<vmem>>) target(%dma_start3A_71 : memref<10240x128xf32, #tpu.memory_space<vmem_shared>>) offsets(%dma_start3A_68 : memref<80xi32, #tpu.memory_space<vmem>>) semaphore(%run_scoped3A : memref<!tpu.dma_semaphore, #tpu.memory_space<semaphore_mem>>) {add = true}
      %dma_wait3A_72 = arith.constant 9920 : i32
      %dma_wait3A_73 = tpu.memref_slice %arg7[%dma_wait3A_72] : memref<10000xi32, #tpu.memory_space<vmem>> -> memref<80xi32, #tpu.memory_space<vmem>>
      %dma_wait3A_74 = arith.constant 0 : i32
      %dma_wait3A_75 = arith.constant 0 : i32
      %dma_wait3A_76 = tpu.memref_slice %arg10[%dma_wait3A_74, %dma_wait3A_75] : memref<10240x128xf32, #tpu.memory_space<vmem_shared>> -> memref<10240x128xf32, #tpu.memory_space<vmem_shared>>
      tpu.wait_indirect_dma semaphore(%run_scoped3A : memref<!tpu.dma_semaphore, #tpu.memory_space<semaphore_mem>>) src(%arg8 : memref<80x128xf32, #tpu.memory_space<vmem>>) dst(%dma_wait3A_76 : memref<10240x128xf32, #tpu.memory_space<vmem_shared>>)
      tpu.yield
    }) : () -> ()
    %barrier3A_62 = arith.constant 0 : index
    tpu.barrier barrier_id(%barrier3A_62)
    %mul3A_63 = arith.constant 640 : i32
    %mul3A_64 = arith.muli %arg1, %mul3A_63 : i32
    %mul3A_65 = arith.constant 640 : i32
    %mul3A_66 = arith.muli %arg1, %mul3A_65 : i32
    "tpu.region"() ({
      %run_scoped3A = tpu.sem_alloc : memref<!tpu.dma_semaphore, #tpu.memory_space<semaphore_mem>>
      %dma_start3A_67 = arith.constant 0 : i32
      %dma_start3A_68 = tpu.memref_slice %arg5[%arg0, %mul3A_66, %dma_start3A_67] : memref<2x10240x128xf32, #tpu.memory_space<hbm>> -> memref<1x640x128xf32, #tpu.memory_space<hbm>>
      %dma_start3A_69 = tpu.memref_squeeze %dma_start3A_68 : memref<1x640x128xf32, #tpu.memory_space<hbm>> -> memref<640x128xf32, #tpu.memory_space<hbm>>
      %dma_start3A_70 = arith.constant 0 : i32
      %dma_start3A_71 = tpu.memref_slice %arg10[%mul3A_64, %dma_start3A_70] : memref<10240x128xf32, #tpu.memory_space<vmem_shared>> -> memref<640x128xf32, #tpu.memory_space<vmem_shared>>
      tpu.enqueue_dma source(%dma_start3A_71 : memref<640x128xf32, #tpu.memory_space<vmem_shared>>) target(%dma_start3A_69 : memref<640x128xf32, #tpu.memory_space<hbm>>) target_semaphore(%run_scoped3A : memref<!tpu.dma_semaphore, #tpu.memory_space<semaphore_mem>>)
      %dma_wait3A_72 = arith.constant 0 : i32
      %dma_wait3A_73 = tpu.memref_slice %arg5[%arg0, %mul3A_66, %dma_wait3A_72] : memref<2x10240x128xf32, #tpu.memory_space<hbm>> -> memref<1x640x128xf32, #tpu.memory_space<hbm>>
      %dma_wait3A_74 = tpu.memref_squeeze %dma_wait3A_73 : memref<1x640x128xf32, #tpu.memory_space<hbm>> -> memref<640x128xf32, #tpu.memory_space<hbm>>
      %dma_wait3A_75 = arith.constant 0 : i32
      %dma_wait3A_76 = tpu.memref_slice %arg10[%mul3A_64, %dma_wait3A_75] : memref<10240x128xf32, #tpu.memory_space<vmem_shared>> -> memref<640x128xf32, #tpu.memory_space<vmem_shared>>
      tpu.wait_dma2 semaphore(%run_scoped3A : memref<!tpu.dma_semaphore, #tpu.memory_space<semaphore_mem>>) src(%dma_wait3A_76 : memref<640x128xf32, #tpu.memory_space<vmem_shared>>) dst(%dma_wait3A_74 : memref<640x128xf32, #tpu.memory_space<hbm>>)
      tpu.yield
    }) : () -> ()
    return
  }
}

#map = affine_map<(d0, d1) -> (0, 0)>
#map1 = affine_map<(d0, d1) -> (0)>
#map2 = affine_map<(d0, d1) -> (0, 0, 0)>
module attributes {stable_mosaic.version = 14 : i64} {
  func.func @scatter_add(%arg0: i32, %arg1: i32, %arg2: memref<10240x128xf32, #tpu.memory_space<hbm>>, %arg3: memref<10240xi32, #tpu.memory_space<hbm>>, %arg4: memref<10240xi32, #tpu.memory_space<hbm>>, %arg5: memref<2x256x128xf32, #tpu.memory_space<hbm>>, %arg6: memref<320xi32, #tpu.memory_space<vmem>>, %arg7: memref<320xi32, #tpu.memory_space<vmem>>, %arg8: memref<80x128xf32, #tpu.memory_space<vmem>>, %arg9: memref<80x128xf32, #tpu.memory_space<vmem>>, %arg10: memref<256x128xf32, #tpu.memory_space<vmem_shared>>, %arg11: memref<!tpu.dma_semaphore, #tpu.memory_space<semaphore_mem>>, %arg12: memref<!tpu.dma_semaphore, #tpu.memory_space<semaphore_mem>>) attributes {dimension_semantics = [#tpu.dimension_semantics<core_parallel>, #tpu.dimension_semantics<subcore_parallel>], iteration_bounds = array<i64: 2, 16>, scalar_prefetch = 0 : i64, scratch_operands = 7 : i64, tpu.core_type = #tpu.core_type<sc_vector_subcore>, window_params = [{transform_indices = #map}, {transform_indices = #map1}, {transform_indices = #map1}, {transform_indices = #map2}]} {
    %mul3A = arith.constant 16 : i32
    %mul3A_0 = arith.muli %arg0, %mul3A : i32
    %add3A = arith.addi %mul3A_0, %arg1 : i32
    %mul3A_1 = arith.constant 320 : i32
    %mul3A_2 = arith.muli %add3A, %mul3A_1 : i32
    "tpu.region"() ({
      %run_scoped3A = tpu.sem_alloc : memref<!tpu.dma_semaphore, #tpu.memory_space<semaphore_mem>>
      %dma_start3A_35 = tpu.memref_slice %arg3[%mul3A_2] : memref<10240xi32, #tpu.memory_space<hbm>> -> memref<320xi32, #tpu.memory_space<hbm>>
      %dma_start3A_36 = tpu.memref_slice %arg3[%mul3A_2] : memref<10240xi32, #tpu.memory_space<hbm>> -> memref<320xi32, #tpu.memory_space<hbm>>
      tpu.enqueue_dma source(%dma_start3A_36 : memref<320xi32, #tpu.memory_space<hbm>>) target(%arg6 : memref<320xi32, #tpu.memory_space<vmem>>) target_semaphore(%run_scoped3A : memref<!tpu.dma_semaphore, #tpu.memory_space<semaphore_mem>>)
      %dma_wait3A = tpu.memref_slice %arg3[%mul3A_2] : memref<10240xi32, #tpu.memory_space<hbm>> -> memref<320xi32, #tpu.memory_space<hbm>>
      %dma_wait3A_37 = tpu.memref_slice %arg3[%mul3A_2] : memref<10240xi32, #tpu.memory_space<hbm>> -> memref<320xi32, #tpu.memory_space<hbm>>
      tpu.wait_dma2 semaphore(%run_scoped3A : memref<!tpu.dma_semaphore, #tpu.memory_space<semaphore_mem>>) src(%dma_wait3A_37 : memref<320xi32, #tpu.memory_space<hbm>>) dst(%arg6 : memref<320xi32, #tpu.memory_space<vmem>>)
      tpu.yield
    }) : () -> ()
    %mul3A_3 = arith.constant 320 : i32
    %mul3A_4 = arith.muli %add3A, %mul3A_3 : i32
    "tpu.region"() ({
      %run_scoped3A = tpu.sem_alloc : memref<!tpu.dma_semaphore, #tpu.memory_space<semaphore_mem>>
      %dma_start3A_35 = tpu.memref_slice %arg4[%mul3A_4] : memref<10240xi32, #tpu.memory_space<hbm>> -> memref<320xi32, #tpu.memory_space<hbm>>
      %dma_start3A_36 = tpu.memref_slice %arg4[%mul3A_4] : memref<10240xi32, #tpu.memory_space<hbm>> -> memref<320xi32, #tpu.memory_space<hbm>>
      tpu.enqueue_dma source(%dma_start3A_36 : memref<320xi32, #tpu.memory_space<hbm>>) target(%arg7 : memref<320xi32, #tpu.memory_space<vmem>>) target_semaphore(%run_scoped3A : memref<!tpu.dma_semaphore, #tpu.memory_space<semaphore_mem>>)
      %dma_wait3A = tpu.memref_slice %arg4[%mul3A_4] : memref<10240xi32, #tpu.memory_space<hbm>> -> memref<320xi32, #tpu.memory_space<hbm>>
      %dma_wait3A_37 = tpu.memref_slice %arg4[%mul3A_4] : memref<10240xi32, #tpu.memory_space<hbm>> -> memref<320xi32, #tpu.memory_space<hbm>>
      tpu.wait_dma2 semaphore(%run_scoped3A : memref<!tpu.dma_semaphore, #tpu.memory_space<semaphore_mem>>) src(%dma_wait3A_37 : memref<320xi32, #tpu.memory_space<hbm>>) dst(%arg7 : memref<320xi32, #tpu.memory_space<vmem>>)
      tpu.yield
    }) : () -> ()
    %broadcast_in_dim3A = arith.constant 0.000000e+00 : f32
    %broadcast_in_dim3A_5 = vector.broadcast %broadcast_in_dim3A : f32 to vector<16xf32>
    %scan3A = arith.constant 0 : i32
    %scan3A_6 = arith.constant 0 : i32
    %scan3A_7 = arith.constant 640 : i32
    %scan3A_8 = arith.addi %scan3A_6, %scan3A_7 : i32
    %scan3A_9 = arith.constant 1 : i32
    scf.for %scan3A_35 = %scan3A_6 to %scan3A_8 step %scan3A_9  : i32 {
      %jit3A = arith.constant 8 : i32
      %div3A = arith.divsi %scan3A_35, %jit3A : i32
      %sign3A = arith.constant 0 : i32
      %sign3A_36 = arith.cmpi sgt, %scan3A_35, %sign3A : i32
      %sign3A_37 = arith.extui %sign3A_36 : i1 to i32
      %sign3A_38 = arith.constant 0 : i32
      %sign3A_39 = arith.cmpi slt, %scan3A_35, %sign3A_38 : i32
      %sign3A_40 = arith.extui %sign3A_39 : i1 to i32
      %sign3A_41 = arith.subi %sign3A_37, %sign3A_40 : i32
      %sign3A_42 = arith.constant 0 : i32
      %sign3A_43 = arith.cmpi sgt, %jit3A, %sign3A_42 : i32
      %sign3A_44 = arith.extui %sign3A_43 : i1 to i32
      %sign3A_45 = arith.constant 0 : i32
      %sign3A_46 = arith.cmpi slt, %jit3A, %sign3A_45 : i32
      %sign3A_47 = arith.extui %sign3A_46 : i1 to i32
      %sign3A_48 = arith.subi %sign3A_44, %sign3A_47 : i32
      %ne3A = arith.cmpi ne, %sign3A_41, %sign3A_48 : i32
      %rem3A = arith.remsi %scan3A_35, %jit3A : i32
      %ne3A_49 = arith.constant 0 : i32
      %ne3A_50 = arith.cmpi ne, %rem3A, %ne3A_49 : i32
      %and3A = arith.andi %ne3A, %ne3A_50 : i1
      %sub3A = arith.constant 1 : i32
      %sub3A_51 = arith.subi %div3A, %sub3A : i32
      %select_n3A = arith.select %and3A, %sub3A_51, %div3A : i32
      %jit3A_52 = arith.constant 8 : i32
      %eq3A = arith.constant 0 : i32
      %eq3A_53 = arith.cmpi eq, %jit3A_52, %eq3A : i32
      %jit3A_54 = arith.constant 1 : i32
      %select_n3A_55 = arith.select %eq3A_53, %jit3A_54, %jit3A_52 : i32
      %rem3A_56 = arith.remsi %scan3A_35, %select_n3A_55 : i32
      %ne3A_57 = arith.constant 0 : i32
      %ne3A_58 = arith.cmpi ne, %rem3A_56, %ne3A_57 : i32
      %lt3A = arith.constant 0 : i32
      %lt3A_59 = arith.cmpi slt, %rem3A_56, %lt3A : i32
      %lt3A_60 = arith.constant 0 : i32
      %lt3A_61 = arith.cmpi slt, %select_n3A_55, %lt3A_60 : i32
      %ne3A_62 = arith.xori %lt3A_59, %lt3A_61 : i1
      %and3A_63 = arith.andi %ne3A_62, %ne3A_58 : i1
      %add3A_64 = arith.addi %rem3A_56, %select_n3A_55 : i32
      %select_n3A_65 = arith.select %and3A_63, %add3A_64, %rem3A_56 : i32
      %mul3A_66 = arith.constant 16 : i32
      %mul3A_67 = arith.muli %select_n3A_65, %mul3A_66 : i32
      %swap3A = arith.index_cast %select_n3A : i32 to index
      %swap3A_68 = arith.index_cast %mul3A_67 : i32 to index
      %swap3A_69 = tpu.vector_load %arg8[%swap3A, %swap3A_68] {strides = array<i32>} : memref<80x128xf32, #tpu.memory_space<vmem>>, vector<1x16xf32>,
      %swap3A_70 = vector.shape_cast %swap3A_69 : vector<1x16xf32> to vector<16xf32>
      %swap3A_71 = vector.shape_cast %broadcast_in_dim3A_5 : vector<16xf32> to vector<1x16xf32>
      tpu.vector_store %arg8[%swap3A, %swap3A_68], %swap3A_71 {strides = array<i32>} : memref<80x128xf32, #tpu.memory_space<vmem>>, vector<1x16xf32>,
    }
    %scan3A_10 = arith.constant 640 : i32
    %mul3A_11 = arith.constant 16 : i32
    %mul3A_12 = arith.muli %arg1, %mul3A_11 : i32
    %add3A_13 = arith.constant 0 : i32
    %add3A_14 = arith.addi %mul3A_12, %add3A_13 : i32
    "tpu.region"() ({
      %run_scoped3A = tpu.sem_alloc : memref<!tpu.dma_semaphore, #tpu.memory_space<semaphore_mem>>
      %dma_start3A_35 = arith.constant 0 : i32
      %dma_start3A_36 = arith.constant 0 : i32
      %dma_start3A_37 = tpu.memref_slice %arg8[%dma_start3A_35, %dma_start3A_36] : memref<80x128xf32, #tpu.memory_space<vmem>> -> memref<16x128xf32, #tpu.memory_space<vmem>>
      %dma_start3A_38 = arith.constant 0 : i32
      %dma_start3A_39 = tpu.memref_slice %arg10[%add3A_14, %dma_start3A_38] : memref<256x128xf32, #tpu.memory_space<vmem_shared>> -> memref<16x128xf32, #tpu.memory_space<vmem_shared>>
      %dma_start3A_40 = arith.constant 0 : i32
      %dma_start3A_41 = tpu.memref_slice %arg10[%add3A_14, %dma_start3A_40] : memref<256x128xf32, #tpu.memory_space<vmem_shared>> -> memref<16x128xf32, #tpu.memory_space<vmem_shared>>
      %dma_start3A_42 = arith.constant 0 : i32
      %dma_start3A_43 = arith.constant 0 : i32
      %dma_start3A_44 = tpu.memref_slice %arg8[%dma_start3A_42, %dma_start3A_43] : memref<80x128xf32, #tpu.memory_space<vmem>> -> memref<16x128xf32, #tpu.memory_space<vmem>>
      tpu.enqueue_dma source(%dma_start3A_44 : memref<16x128xf32, #tpu.memory_space<vmem>>) target(%dma_start3A_41 : memref<16x128xf32, #tpu.memory_space<vmem_shared>>) target_semaphore(%run_scoped3A : memref<!tpu.dma_semaphore, #tpu.memory_space<semaphore_mem>>)
      %dma_wait3A = arith.constant 0 : i32
      %dma_wait3A_45 = arith.constant 0 : i32
      %dma_wait3A_46 = tpu.memref_slice %arg8[%dma_wait3A, %dma_wait3A_45] : memref<80x128xf32, #tpu.memory_space<vmem>> -> memref<16x128xf32, #tpu.memory_space<vmem>>
      %dma_wait3A_47 = arith.constant 0 : i32
      %dma_wait3A_48 = tpu.memref_slice %arg10[%add3A_14, %dma_wait3A_47] : memref<256x128xf32, #tpu.memory_space<vmem_shared>> -> memref<16x128xf32, #tpu.memory_space<vmem_shared>>
      %dma_wait3A_49 = arith.constant 0 : i32
      %dma_wait3A_50 = tpu.memref_slice %arg10[%add3A_14, %dma_wait3A_49] : memref<256x128xf32, #tpu.memory_space<vmem_shared>> -> memref<16x128xf32, #tpu.memory_space<vmem_shared>>
      %dma_wait3A_51 = arith.constant 0 : i32
      %dma_wait3A_52 = arith.constant 0 : i32
      %dma_wait3A_53 = tpu.memref_slice %arg8[%dma_wait3A_51, %dma_wait3A_52] : memref<80x128xf32, #tpu.memory_space<vmem>> -> memref<16x128xf32, #tpu.memory_space<vmem>>
      tpu.wait_dma2 semaphore(%run_scoped3A : memref<!tpu.dma_semaphore, #tpu.memory_space<semaphore_mem>>) src(%dma_wait3A_53 : memref<16x128xf32, #tpu.memory_space<vmem>>) dst(%dma_wait3A_50 : memref<16x128xf32, #tpu.memory_space<vmem_shared>>)
      tpu.yield
    }) : () -> ()
    %barrier3A = arith.constant 0 : index
    tpu.barrier barrier_id(%barrier3A)
    %dma_start3A = arith.constant 0 : i32
    %dma_start3A_15 = tpu.memref_slice %arg6[%dma_start3A] : memref<320xi32, #tpu.memory_space<vmem>> -> memref<80xi32, #tpu.memory_space<vmem>>
    %dma_start3A_16 = arith.constant 0 : i32
    %dma_start3A_17 = arith.constant 0 : i32
    %dma_start3A_18 = tpu.memref_slice %arg2[%dma_start3A_16, %dma_start3A_17] : memref<10240x128xf32, #tpu.memory_space<hbm>> -> memref<10240x128xf32, #tpu.memory_space<hbm>>
    tpu.enqueue_indirect_dma source(%dma_start3A_18 : memref<10240x128xf32, #tpu.memory_space<hbm>>) target(%arg8 : memref<80x128xf32, #tpu.memory_space<vmem>>) offsets(%dma_start3A_15 : memref<80xi32, #tpu.memory_space<vmem>>) semaphore(%arg11 : memref<!tpu.dma_semaphore, #tpu.memory_space<semaphore_mem>>)
    %dma_start3A_19 = arith.constant 80 : i32
    %dma_start3A_20 = tpu.memref_slice %arg6[%dma_start3A_19] : memref<320xi32, #tpu.memory_space<vmem>> -> memref<80xi32, #tpu.memory_space<vmem>>
    %dma_start3A_21 = arith.constant 0 : i32
    %dma_start3A_22 = arith.constant 0 : i32
    %dma_start3A_23 = tpu.memref_slice %arg2[%dma_start3A_21, %dma_start3A_22] : memref<10240x128xf32, #tpu.memory_space<hbm>> -> memref<10240x128xf32, #tpu.memory_space<hbm>>
    tpu.enqueue_indirect_dma source(%dma_start3A_23 : memref<10240x128xf32, #tpu.memory_space<hbm>>) target(%arg9 : memref<80x128xf32, #tpu.memory_space<vmem>>) offsets(%dma_start3A_20 : memref<80xi32, #tpu.memory_space<vmem>>) semaphore(%arg12 : memref<!tpu.dma_semaphore, #tpu.memory_space<semaphore_mem>>)
    %scan3A_24 = arith.constant 0 : i32
    %scan3A_25 = arith.constant 0 : i32
    %scan3A_26 = arith.constant 2 : i32
    %scan3A_27 = arith.addi %scan3A_25, %scan3A_26 : i32
    %scan3A_28 = arith.constant 1 : i32
    scf.for %scan3A_35 = %scan3A_25 to %scan3A_27 step %scan3A_28  : i32 {
      %mul3A_36 = arith.constant 2 : i32
      %mul3A_37 = arith.muli %mul3A_36, %scan3A_35 : i32
      %dma_wait3A = arith.constant 0 : i32
      %dma_wait3A_38 = tpu.memref_slice %arg6[%dma_wait3A] : memref<320xi32, #tpu.memory_space<vmem>> -> memref<80xi32, #tpu.memory_space<vmem>>
      %dma_wait3A_39 = arith.constant 0 : i32
      %dma_wait3A_40 = arith.constant 0 : i32
      %dma_wait3A_41 = tpu.memref_slice %arg2[%dma_wait3A_39, %dma_wait3A_40] : memref<10240x128xf32, #tpu.memory_space<hbm>> -> memref<10240x128xf32, #tpu.memory_space<hbm>>
      tpu.wait_indirect_dma semaphore(%arg11 : memref<!tpu.dma_semaphore, #tpu.memory_space<semaphore_mem>>) src(%dma_wait3A_41 : memref<10240x128xf32, #tpu.memory_space<hbm>>) dst(%arg8 : memref<80x128xf32, #tpu.memory_space<vmem>>)
      %mul3A_42 = arith.constant 80 : i32
      %mul3A_43 = arith.muli %mul3A_37, %mul3A_42 : i32
      "tpu.region"() ({
        %run_scoped3A = tpu.sem_alloc : memref<!tpu.dma_semaphore, #tpu.memory_space<semaphore_mem>>
        %dma_start3A_64 = tpu.memref_slice %arg7[%mul3A_43] : memref<320xi32, #tpu.memory_space<vmem>> -> memref<80xi32, #tpu.memory_space<vmem>>
        %dma_start3A_65 = arith.constant 0 : i32
        %dma_start3A_66 = arith.constant 0 : i32
        %dma_start3A_67 = tpu.memref_slice %arg10[%dma_start3A_65, %dma_start3A_66] : memref<256x128xf32, #tpu.memory_space<vmem_shared>> -> memref<256x128xf32, #tpu.memory_space<vmem_shared>>
        tpu.enqueue_indirect_dma source(%arg8 : memref<80x128xf32, #tpu.memory_space<vmem>>) target(%dma_start3A_67 : memref<256x128xf32, #tpu.memory_space<vmem_shared>>) offsets(%dma_start3A_64 : memref<80xi32, #tpu.memory_space<vmem>>) semaphore(%run_scoped3A : memref<!tpu.dma_semaphore, #tpu.memory_space<semaphore_mem>>) {add = true}
        %dma_wait3A_68 = tpu.memref_slice %arg7[%mul3A_43] : memref<320xi32, #tpu.memory_space<vmem>> -> memref<80xi32, #tpu.memory_space<vmem>>
        %dma_wait3A_69 = arith.constant 0 : i32
        %dma_wait3A_70 = arith.constant 0 : i32
        %dma_wait3A_71 = tpu.memref_slice %arg10[%dma_wait3A_69, %dma_wait3A_70] : memref<256x128xf32, #tpu.memory_space<vmem_shared>> -> memref<256x128xf32, #tpu.memory_space<vmem_shared>>
        tpu.wait_indirect_dma semaphore(%run_scoped3A : memref<!tpu.dma_semaphore, #tpu.memory_space<semaphore_mem>>) src(%arg8 : memref<80x128xf32, #tpu.memory_space<vmem>>) dst(%dma_wait3A_71 : memref<256x128xf32, #tpu.memory_space<vmem_shared>>)
        tpu.yield
      }) : () -> ()
      %add3A_44 = arith.constant 2 : i32
      %add3A_45 = arith.addi %mul3A_37, %add3A_44 : i32
      %lt3A = arith.constant 4 : i32
      %lt3A_46 = arith.cmpi slt, %add3A_45, %lt3A : i32
      %convert_element_type3A = arith.extui %lt3A_46 : i1 to i32
      %cond3A = arith.constant 0 : i32
      %cond3A_47 = arith.cmpi ne, %convert_element_type3A, %cond3A : i32
      scf.if %cond3A_47 {
        %add3A_64 = arith.constant 2 : i32
        %add3A_65 = arith.addi %mul3A_37, %add3A_64 : i32
        %mul3A_66 = arith.constant 80 : i32
        %mul3A_67 = arith.muli %add3A_65, %mul3A_66 : i32
        %dma_start3A_68 = tpu.memref_slice %arg6[%mul3A_67] : memref<320xi32, #tpu.memory_space<vmem>> -> memref<80xi32, #tpu.memory_space<vmem>>
        %dma_start3A_69 = arith.constant 0 : i32
        %dma_start3A_70 = arith.constant 0 : i32
        %dma_start3A_71 = tpu.memref_slice %arg2[%dma_start3A_69, %dma_start3A_70] : memref<10240x128xf32, #tpu.memory_space<hbm>> -> memref<10240x128xf32, #tpu.memory_space<hbm>>
        tpu.enqueue_indirect_dma source(%dma_start3A_71 : memref<10240x128xf32, #tpu.memory_space<hbm>>) target(%arg8 : memref<80x128xf32, #tpu.memory_space<vmem>>) offsets(%dma_start3A_68 : memref<80xi32, #tpu.memory_space<vmem>>) semaphore(%arg11 : memref<!tpu.dma_semaphore, #tpu.memory_space<semaphore_mem>>)
      } else {
      }
      %dma_wait3A_48 = arith.constant 80 : i32
      %dma_wait3A_49 = tpu.memref_slice %arg6[%dma_wait3A_48] : memref<320xi32, #tpu.memory_space<vmem>> -> memref<80xi32, #tpu.memory_space<vmem>>
      %dma_wait3A_50 = arith.constant 0 : i32
      %dma_wait3A_51 = arith.constant 0 : i32
      %dma_wait3A_52 = tpu.memref_slice %arg2[%dma_wait3A_50, %dma_wait3A_51] : memref<10240x128xf32, #tpu.memory_space<hbm>> -> memref<10240x128xf32, #tpu.memory_space<hbm>>
      tpu.wait_indirect_dma semaphore(%arg12 : memref<!tpu.dma_semaphore, #tpu.memory_space<semaphore_mem>>) src(%dma_wait3A_52 : memref<10240x128xf32, #tpu.memory_space<hbm>>) dst(%arg9 : memref<80x128xf32, #tpu.memory_space<vmem>>)
      %add3A_53 = arith.constant 1 : i32
      %add3A_54 = arith.addi %mul3A_37, %add3A_53 : i32
      %mul3A_55 = arith.constant 80 : i32
      %mul3A_56 = arith.muli %add3A_54, %mul3A_55 : i32
      "tpu.region"() ({
        %run_scoped3A = tpu.sem_alloc : memref<!tpu.dma_semaphore, #tpu.memory_space<semaphore_mem>>
        %dma_start3A_64 = tpu.memref_slice %arg7[%mul3A_56] : memref<320xi32, #tpu.memory_space<vmem>> -> memref<80xi32, #tpu.memory_space<vmem>>
        %dma_start3A_65 = arith.constant 0 : i32
        %dma_start3A_66 = arith.constant 0 : i32
        %dma_start3A_67 = tpu.memref_slice %arg10[%dma_start3A_65, %dma_start3A_66] : memref<256x128xf32, #tpu.memory_space<vmem_shared>> -> memref<256x128xf32, #tpu.memory_space<vmem_shared>>
        tpu.enqueue_indirect_dma source(%arg9 : memref<80x128xf32, #tpu.memory_space<vmem>>) target(%dma_start3A_67 : memref<256x128xf32, #tpu.memory_space<vmem_shared>>) offsets(%dma_start3A_64 : memref<80xi32, #tpu.memory_space<vmem>>) semaphore(%run_scoped3A : memref<!tpu.dma_semaphore, #tpu.memory_space<semaphore_mem>>) {add = true}
        %dma_wait3A_68 = tpu.memref_slice %arg7[%mul3A_56] : memref<320xi32, #tpu.memory_space<vmem>> -> memref<80xi32, #tpu.memory_space<vmem>>
        %dma_wait3A_69 = arith.constant 0 : i32
        %dma_wait3A_70 = arith.constant 0 : i32
        %dma_wait3A_71 = tpu.memref_slice %arg10[%dma_wait3A_69, %dma_wait3A_70] : memref<256x128xf32, #tpu.memory_space<vmem_shared>> -> memref<256x128xf32, #tpu.memory_space<vmem_shared>>
        tpu.wait_indirect_dma semaphore(%run_scoped3A : memref<!tpu.dma_semaphore, #tpu.memory_space<semaphore_mem>>) src(%arg9 : memref<80x128xf32, #tpu.memory_space<vmem>>) dst(%dma_wait3A_71 : memref<256x128xf32, #tpu.memory_space<vmem_shared>>)
        tpu.yield
      }) : () -> ()
      %add3A_57 = arith.constant 3 : i32
      %add3A_58 = arith.addi %mul3A_37, %add3A_57 : i32
      %lt3A_59 = arith.constant 4 : i32
      %lt3A_60 = arith.cmpi slt, %add3A_58, %lt3A_59 : i32
      %convert_element_type3A_61 = arith.extui %lt3A_60 : i1 to i32
      %cond3A_62 = arith.constant 0 : i32
      %cond3A_63 = arith.cmpi ne, %convert_element_type3A_61, %cond3A_62 : i32
      scf.if %cond3A_63 {
        %add3A_64 = arith.constant 3 : i32
        %add3A_65 = arith.addi %mul3A_37, %add3A_64 : i32
        %mul3A_66 = arith.constant 80 : i32
        %mul3A_67 = arith.muli %add3A_65, %mul3A_66 : i32
        %dma_start3A_68 = tpu.memref_slice %arg6[%mul3A_67] : memref<320xi32, #tpu.memory_space<vmem>> -> memref<80xi32, #tpu.memory_space<vmem>>
        %dma_start3A_69 = arith.constant 0 : i32
        %dma_start3A_70 = arith.constant 0 : i32
        %dma_start3A_71 = tpu.memref_slice %arg2[%dma_start3A_69, %dma_start3A_70] : memref<10240x128xf32, #tpu.memory_space<hbm>> -> memref<10240x128xf32, #tpu.memory_space<hbm>>
        tpu.enqueue_indirect_dma source(%dma_start3A_71 : memref<10240x128xf32, #tpu.memory_space<hbm>>) target(%arg9 : memref<80x128xf32, #tpu.memory_space<vmem>>) offsets(%dma_start3A_68 : memref<80xi32, #tpu.memory_space<vmem>>) semaphore(%arg12 : memref<!tpu.dma_semaphore, #tpu.memory_space<semaphore_mem>>)
      } else {
      }
    }
    %scan3A_29 = arith.constant 2 : i32
    %barrier3A_30 = arith.constant 0 : index
    tpu.barrier barrier_id(%barrier3A_30)
    %mul3A_31 = arith.constant 16 : i32
    %mul3A_32 = arith.muli %arg1, %mul3A_31 : i32
    %mul3A_33 = arith.constant 16 : i32
    %mul3A_34 = arith.muli %arg1, %mul3A_33 : i32
    "tpu.region"() ({
      %run_scoped3A = tpu.sem_alloc : memref<!tpu.dma_semaphore, #tpu.memory_space<semaphore_mem>>
      %dma_start3A_35 = arith.constant 0 : i32
      %dma_start3A_36 = tpu.memref_slice %arg5[%arg0, %mul3A_34, %dma_start3A_35] : memref<2x256x128xf32, #tpu.memory_space<hbm>> -> memref<1x16x128xf32, #tpu.memory_space<hbm>>
      %dma_start3A_37 = tpu.memref_squeeze %dma_start3A_36 : memref<1x16x128xf32, #tpu.memory_space<hbm>> -> memref<16x128xf32, #tpu.memory_space<hbm>>
      %dma_start3A_38 = arith.constant 0 : i32
      %dma_start3A_39 = tpu.memref_slice %arg10[%mul3A_32, %dma_start3A_38] : memref<256x128xf32, #tpu.memory_space<vmem_shared>> -> memref<16x128xf32, #tpu.memory_space<vmem_shared>>
      tpu.enqueue_dma source(%dma_start3A_39 : memref<16x128xf32, #tpu.memory_space<vmem_shared>>) target(%dma_start3A_37 : memref<16x128xf32, #tpu.memory_space<hbm>>) target_semaphore(%run_scoped3A : memref<!tpu.dma_semaphore, #tpu.memory_space<semaphore_mem>>)
      %dma_wait3A = arith.constant 0 : i32
      %dma_wait3A_40 = tpu.memref_slice %arg5[%arg0, %mul3A_34, %dma_wait3A] : memref<2x256x128xf32, #tpu.memory_space<hbm>> -> memref<1x16x128xf32, #tpu.memory_space<hbm>>
      %dma_wait3A_41 = tpu.memref_squeeze %dma_wait3A_40 : memref<1x16x128xf32, #tpu.memory_space<hbm>> -> memref<16x128xf32, #tpu.memory_space<hbm>>
      %dma_wait3A_42 = arith.constant 0 : i32
      %dma_wait3A_43 = tpu.memref_slice %arg10[%mul3A_32, %dma_wait3A_42] : memref<256x128xf32, #tpu.memory_space<vmem_shared>> -> memref<16x128xf32, #tpu.memory_space<vmem_shared>>
      tpu.wait_dma2 semaphore(%run_scoped3A : memref<!tpu.dma_semaphore, #tpu.memory_space<semaphore_mem>>) src(%dma_wait3A_43 : memref<16x128xf32, #tpu.memory_space<vmem_shared>>) dst(%dma_wait3A_41 : memref<16x128xf32, #tpu.memory_space<hbm>>)
      tpu.yield
    }) : () -> ()
    return
  }
}

#map = affine_map<(d0, d1) -> (0, 0)>
#map1 = affine_map<(d0, d1) -> (0)>
#map2 = affine_map<(d0, d1) -> (0, 0, 0)>
module attributes {stable_mosaic.version = 14 : i64} {
  func.func @scatter_add(%arg0: i32, %arg1: i32, %arg2: memref<10240x128xf32, #tpu.memory_space<hbm>>, %arg3: memref<320000xi32, #tpu.memory_space<hbm>>, %arg4: memref<320000xi32, #tpu.memory_space<hbm>>, %arg5: memref<2x10240x128xf32, #tpu.memory_space<hbm>>, %arg6: memref<10000xi32, #tpu.memory_space<vmem>>, %arg7: memref<10000xi32, #tpu.memory_space<vmem>>, %arg8: memref<80x128xf32, #tpu.memory_space<vmem>>, %arg9: memref<80x128xf32, #tpu.memory_space<vmem>>, %arg10: memref<10240x128xf32, #tpu.memory_space<vmem_shared>>, %arg11: memref<!tpu.dma_semaphore, #tpu.memory_space<semaphore_mem>>, %arg12: memref<!tpu.dma_semaphore, #tpu.memory_space<semaphore_mem>>) attributes {dimension_semantics = [#tpu.dimension_semantics<core_parallel>, #tpu.dimension_semantics<subcore_parallel>], iteration_bounds = array<i64: 2, 16>, scalar_prefetch = 0 : i64, scratch_operands = 7 : i64, tpu.core_type = #tpu.core_type<sc_vector_subcore>, window_params = [{transform_indices = #map}, {transform_indices = #map1}, {transform_indices = #map1}, {transform_indices = #map2}]} {
    %mul3A = arith.constant 16 : i32
    %mul3A_0 = arith.muli %arg0, %mul3A : i32
    %add3A = arith.addi %mul3A_0, %arg1 : i32
    %mul3A_1 = arith.constant 10000 : i32
    %mul3A_2 = arith.muli %add3A, %mul3A_1 : i32
    "tpu.region"() ({
      %run_scoped3A = tpu.sem_alloc : memref<!tpu.dma_semaphore, #tpu.memory_space<semaphore_mem>>
      %dma_start3A_67 = tpu.memref_slice %arg3[%mul3A_2] : memref<320000xi32, #tpu.memory_space<hbm>> -> memref<10000xi32, #tpu.memory_space<hbm>>
      %dma_start3A_68 = tpu.memref_slice %arg3[%mul3A_2] : memref<320000xi32, #tpu.memory_space<hbm>> -> memref<10000xi32, #tpu.memory_space<hbm>>
      tpu.enqueue_dma source(%dma_start3A_68 : memref<10000xi32, #tpu.memory_space<hbm>>) target(%arg6 : memref<10000xi32, #tpu.memory_space<vmem>>) target_semaphore(%run_scoped3A : memref<!tpu.dma_semaphore, #tpu.memory_space<semaphore_mem>>)
      %dma_wait3A_69 = tpu.memref_slice %arg3[%mul3A_2] : memref<320000xi32, #tpu.memory_space<hbm>> -> memref<10000xi32, #tpu.memory_space<hbm>>
      %dma_wait3A_70 = tpu.memref_slice %arg3[%mul3A_2] : memref<320000xi32, #tpu.memory_space<hbm>> -> memref<10000xi32, #tpu.memory_space<hbm>>
      tpu.wait_dma2 semaphore(%run_scoped3A : memref<!tpu.dma_semaphore, #tpu.memory_space<semaphore_mem>>) src(%dma_wait3A_70 : memref<10000xi32, #tpu.memory_space<hbm>>) dst(%arg6 : memref<10000xi32, #tpu.memory_space<vmem>>)
      tpu.yield
    }) : () -> ()
    %mul3A_3 = arith.constant 10000 : i32
    %mul3A_4 = arith.muli %add3A, %mul3A_3 : i32
    "tpu.region"() ({
      %run_scoped3A = tpu.sem_alloc : memref<!tpu.dma_semaphore, #tpu.memory_space<semaphore_mem>>
      %dma_start3A_67 = tpu.memref_slice %arg4[%mul3A_4] : memref<320000xi32, #tpu.memory_space<hbm>> -> memref<10000xi32, #tpu.memory_space<hbm>>
      %dma_start3A_68 = tpu.memref_slice %arg4[%mul3A_4] : memref<320000xi32, #tpu.memory_space<hbm>> -> memref<10000xi32, #tpu.memory_space<hbm>>
      tpu.enqueue_dma source(%dma_start3A_68 : memref<10000xi32, #tpu.memory_space<hbm>>) target(%arg7 : memref<10000xi32, #tpu.memory_space<vmem>>) target_semaphore(%run_scoped3A : memref<!tpu.dma_semaphore, #tpu.memory_space<semaphore_mem>>)
      %dma_wait3A_69 = tpu.memref_slice %arg4[%mul3A_4] : memref<320000xi32, #tpu.memory_space<hbm>> -> memref<10000xi32, #tpu.memory_space<hbm>>
      %dma_wait3A_70 = tpu.memref_slice %arg4[%mul3A_4] : memref<320000xi32, #tpu.memory_space<hbm>> -> memref<10000xi32, #tpu.memory_space<hbm>>
      tpu.wait_dma2 semaphore(%run_scoped3A : memref<!tpu.dma_semaphore, #tpu.memory_space<semaphore_mem>>) src(%dma_wait3A_70 : memref<10000xi32, #tpu.memory_space<hbm>>) dst(%arg7 : memref<10000xi32, #tpu.memory_space<vmem>>)
      tpu.yield
    }) : () -> ()
    %broadcast_in_dim3A = arith.constant 0.000000e+00 : f32
    %broadcast_in_dim3A_5 = vector.broadcast %broadcast_in_dim3A : f32 to vector<16xf32>
    %scan3A = arith.constant 0 : i32
    %scan3A_6 = arith.constant 0 : i32
    %scan3A_7 = arith.constant 640 : i32
    %scan3A_8 = arith.addi %scan3A_6, %scan3A_7 : i32
    %scan3A_9 = arith.constant 1 : i32
    scf.for %scan3A_67 = %scan3A_6 to %scan3A_8 step %scan3A_9  : i32 {
      %jit3A = arith.constant 8 : i32
      %div3A = arith.divsi %scan3A_67, %jit3A : i32
      %sign3A = arith.constant 0 : i32
      %sign3A_68 = arith.cmpi sgt, %scan3A_67, %sign3A : i32
      %sign3A_69 = arith.extui %sign3A_68 : i1 to i32
      %sign3A_70 = arith.constant 0 : i32
      %sign3A_71 = arith.cmpi slt, %scan3A_67, %sign3A_70 : i32
      %sign3A_72 = arith.extui %sign3A_71 : i1 to i32
      %sign3A_73 = arith.subi %sign3A_69, %sign3A_72 : i32
      %sign3A_74 = arith.constant 0 : i32
      %sign3A_75 = arith.cmpi sgt, %jit3A, %sign3A_74 : i32
      %sign3A_76 = arith.extui %sign3A_75 : i1 to i32
      %sign3A_77 = arith.constant 0 : i32
      %sign3A_78 = arith.cmpi slt, %jit3A, %sign3A_77 : i32
      %sign3A_79 = arith.extui %sign3A_78 : i1 to i32
      %sign3A_80 = arith.subi %sign3A_76, %sign3A_79 : i32
      %ne3A = arith.cmpi ne, %sign3A_73, %sign3A_80 : i32
      %rem3A = arith.remsi %scan3A_67, %jit3A : i32
      %ne3A_81 = arith.constant 0 : i32
      %ne3A_82 = arith.cmpi ne, %rem3A, %ne3A_81 : i32
      %and3A = arith.andi %ne3A, %ne3A_82 : i1
      %sub3A = arith.constant 1 : i32
      %sub3A_83 = arith.subi %div3A, %sub3A : i32
      %select_n3A = arith.select %and3A, %sub3A_83, %div3A : i32
      %jit3A_84 = arith.constant 8 : i32
      %eq3A = arith.constant 0 : i32
      %eq3A_85 = arith.cmpi eq, %jit3A_84, %eq3A : i32
      %jit3A_86 = arith.constant 1 : i32
      %select_n3A_87 = arith.select %eq3A_85, %jit3A_86, %jit3A_84 : i32
      %rem3A_88 = arith.remsi %scan3A_67, %select_n3A_87 : i32
      %ne3A_89 = arith.constant 0 : i32
      %ne3A_90 = arith.cmpi ne, %rem3A_88, %ne3A_89 : i32
      %lt3A = arith.constant 0 : i32
      %lt3A_91 = arith.cmpi slt, %rem3A_88, %lt3A : i32
      %lt3A_92 = arith.constant 0 : i32
      %lt3A_93 = arith.cmpi slt, %select_n3A_87, %lt3A_92 : i32
      %ne3A_94 = arith.xori %lt3A_91, %lt3A_93 : i1
      %and3A_95 = arith.andi %ne3A_94, %ne3A_90 : i1
      %add3A_96 = arith.addi %rem3A_88, %select_n3A_87 : i32
      %select_n3A_97 = arith.select %and3A_95, %add3A_96, %rem3A_88 : i32
      %mul3A_98 = arith.constant 16 : i32
      %mul3A_99 = arith.muli %select_n3A_97, %mul3A_98 : i32
      %swap3A = arith.index_cast %select_n3A : i32 to index
      %swap3A_100 = arith.index_cast %mul3A_99 : i32 to index
      %swap3A_101 = tpu.vector_load %arg8[%swap3A, %swap3A_100] {strides = array<i32>} : memref<80x128xf32, #tpu.memory_space<vmem>>, vector<1x16xf32>,
      %swap3A_102 = vector.shape_cast %swap3A_101 : vector<1x16xf32> to vector<16xf32>
      %swap3A_103 = vector.shape_cast %broadcast_in_dim3A_5 : vector<16xf32> to vector<1x16xf32>
      tpu.vector_store %arg8[%swap3A, %swap3A_100], %swap3A_103 {strides = array<i32>} : memref<80x128xf32, #tpu.memory_space<vmem>>, vector<1x16xf32>,
    }
    %scan3A_10 = arith.constant 640 : i32
    %mul3A_11 = arith.constant 640 : i32
    %mul3A_12 = arith.muli %arg1, %mul3A_11 : i32
    %add3A_13 = arith.constant 0 : i32
    %add3A_14 = arith.addi %mul3A_12, %add3A_13 : i32
    "tpu.region"() ({
      %run_scoped3A = tpu.sem_alloc : memref<!tpu.dma_semaphore, #tpu.memory_space<semaphore_mem>>
      %dma_start3A_67 = arith.constant 0 : i32
      %dma_start3A_68 = arith.constant 0 : i32
      %dma_start3A_69 = tpu.memref_slice %arg8[%dma_start3A_67, %dma_start3A_68] : memref<80x128xf32, #tpu.memory_space<vmem>> -> memref<80x128xf32, #tpu.memory_space<vmem>>
      %dma_start3A_70 = arith.constant 0 : i32
      %dma_start3A_71 = tpu.memref_slice %arg10[%add3A_14, %dma_start3A_70] : memref<10240x128xf32, #tpu.memory_space<vmem_shared>> -> memref<80x128xf32, #tpu.memory_space<vmem_shared>>
      %dma_start3A_72 = arith.constant 0 : i32
      %dma_start3A_73 = tpu.memref_slice %arg10[%add3A_14, %dma_start3A_72] : memref<10240x128xf32, #tpu.memory_space<vmem_shared>> -> memref<80x128xf32, #tpu.memory_space<vmem_shared>>
      %dma_start3A_74 = arith.constant 0 : i32
      %dma_start3A_75 = arith.constant 0 : i32
      %dma_start3A_76 = tpu.memref_slice %arg8[%dma_start3A_74, %dma_start3A_75] : memref<80x128xf32, #tpu.memory_space<vmem>> -> memref<80x128xf32, #tpu.memory_space<vmem>>
      tpu.enqueue_dma source(%dma_start3A_76 : memref<80x128xf32, #tpu.memory_space<vmem>>) target(%dma_start3A_73 : memref<80x128xf32, #tpu.memory_space<vmem_shared>>) target_semaphore(%run_scoped3A : memref<!tpu.dma_semaphore, #tpu.memory_space<semaphore_mem>>)
      %dma_wait3A_77 = arith.constant 0 : i32
      %dma_wait3A_78 = arith.constant 0 : i32
      %dma_wait3A_79 = tpu.memref_slice %arg8[%dma_wait3A_77, %dma_wait3A_78] : memref<80x128xf32, #tpu.memory_space<vmem>> -> memref<80x128xf32, #tpu.memory_space<vmem>>
      %dma_wait3A_80 = arith.constant 0 : i32
      %dma_wait3A_81 = tpu.memref_slice %arg10[%add3A_14, %dma_wait3A_80] : memref<10240x128xf32, #tpu.memory_space<vmem_shared>> -> memref<80x128xf32, #tpu.memory_space<vmem_shared>>
      %dma_wait3A_82 = arith.constant 0 : i32
      %dma_wait3A_83 = tpu.memref_slice %arg10[%add3A_14, %dma_wait3A_82] : memref<10240x128xf32, #tpu.memory_space<vmem_shared>> -> memref<80x128xf32, #tpu.memory_space<vmem_shared>>
      %dma_wait3A_84 = arith.constant 0 : i32
      %dma_wait3A_85 = arith.constant 0 : i32
      %dma_wait3A_86 = tpu.memref_slice %arg8[%dma_wait3A_84, %dma_wait3A_85] : memref<80x128xf32, #tpu.memory_space<vmem>> -> memref<80x128xf32, #tpu.memory_space<vmem>>
      tpu.wait_dma2 semaphore(%run_scoped3A : memref<!tpu.dma_semaphore, #tpu.memory_space<semaphore_mem>>) src(%dma_wait3A_86 : memref<80x128xf32, #tpu.memory_space<vmem>>) dst(%dma_wait3A_83 : memref<80x128xf32, #tpu.memory_space<vmem_shared>>)
      tpu.yield
    }) : () -> ()
    %mul3A_15 = arith.constant 640 : i32
    %mul3A_16 = arith.muli %arg1, %mul3A_15 : i32
    %add3A_17 = arith.constant 80 : i32
    %add3A_18 = arith.addi %mul3A_16, %add3A_17 : i32
    "tpu.region"() ({
      %run_scoped3A = tpu.sem_alloc : memref<!tpu.dma_semaphore, #tpu.memory_space<semaphore_mem>>
      %dma_start3A_67 = arith.constant 0 : i32
      %dma_start3A_68 = arith.constant 0 : i32
      %dma_start3A_69 = tpu.memref_slice %arg8[%dma_start3A_67, %dma_start3A_68] : memref<80x128xf32, #tpu.memory_space<vmem>> -> memref<80x128xf32, #tpu.memory_space<vmem>>
      %dma_start3A_70 = arith.constant 0 : i32
      %dma_start3A_71 = tpu.memref_slice %arg10[%add3A_18, %dma_start3A_70] : memref<10240x128xf32, #tpu.memory_space<vmem_shared>> -> memref<80x128xf32, #tpu.memory_space<vmem_shared>>
      %dma_start3A_72 = arith.constant 0 : i32
      %dma_start3A_73 = tpu.memref_slice %arg10[%add3A_18, %dma_start3A_72] : memref<10240x128xf32, #tpu.memory_space<vmem_shared>> -> memref<80x128xf32, #tpu.memory_space<vmem_shared>>
      %dma_start3A_74 = arith.constant 0 : i32
      %dma_start3A_75 = arith.constant 0 : i32
      %dma_start3A_76 = tpu.memref_slice %arg8[%dma_start3A_74, %dma_start3A_75] : memref<80x128xf32, #tpu.memory_space<vmem>> -> memref<80x128xf32, #tpu.memory_space<vmem>>
      tpu.enqueue_dma source(%dma_start3A_76 : memref<80x128xf32, #tpu.memory_space<vmem>>) target(%dma_start3A_73 : memref<80x128xf32, #tpu.memory_space<vmem_shared>>) target_semaphore(%run_scoped3A : memref<!tpu.dma_semaphore, #tpu.memory_space<semaphore_mem>>)
      %dma_wait3A_77 = arith.constant 0 : i32
      %dma_wait3A_78 = arith.constant 0 : i32
      %dma_wait3A_79 = tpu.memref_slice %arg8[%dma_wait3A_77, %dma_wait3A_78] : memref<80x128xf32, #tpu.memory_space<vmem>> -> memref<80x128xf32, #tpu.memory_space<vmem>>
      %dma_wait3A_80 = arith.constant 0 : i32
      %dma_wait3A_81 = tpu.memref_slice %arg10[%add3A_18, %dma_wait3A_80] : memref<10240x128xf32, #tpu.memory_space<vmem_shared>> -> memref<80x128xf32, #tpu.memory_space<vmem_shared>>
      %dma_wait3A_82 = arith.constant 0 : i32
      %dma_wait3A_83 = tpu.memref_slice %arg10[%add3A_18, %dma_wait3A_82] : memref<10240x128xf32, #tpu.memory_space<vmem_shared>> -> memref<80x128xf32, #tpu.memory_space<vmem_shared>>
      %dma_wait3A_84 = arith.constant 0 : i32
      %dma_wait3A_85 = arith.constant 0 : i32
      %dma_wait3A_86 = tpu.memref_slice %arg8[%dma_wait3A_84, %dma_wait3A_85] : memref<80x128xf32, #tpu.memory_space<vmem>> -> memref<80x128xf32, #tpu.memory_space<vmem>>
      tpu.wait_dma2 semaphore(%run_scoped3A : memref<!tpu.dma_semaphore, #tpu.memory_space<semaphore_mem>>) src(%dma_wait3A_86 : memref<80x128xf32, #tpu.memory_space<vmem>>) dst(%dma_wait3A_83 : memref<80x128xf32, #tpu.memory_space<vmem_shared>>)
      tpu.yield
    }) : () -> ()
    %mul3A_19 = arith.constant 640 : i32
    %mul3A_20 = arith.muli %arg1, %mul3A_19 : i32
    %add3A_21 = arith.constant 160 : i32
    %add3A_22 = arith.addi %mul3A_20, %add3A_21 : i32
    "tpu.region"() ({
      %run_scoped3A = tpu.sem_alloc : memref<!tpu.dma_semaphore, #tpu.memory_space<semaphore_mem>>
      %dma_start3A_67 = arith.constant 0 : i32
      %dma_start3A_68 = arith.constant 0 : i32
      %dma_start3A_69 = tpu.memref_slice %arg8[%dma_start3A_67, %dma_start3A_68] : memref<80x128xf32, #tpu.memory_space<vmem>> -> memref<80x128xf32, #tpu.memory_space<vmem>>
      %dma_start3A_70 = arith.constant 0 : i32
      %dma_start3A_71 = tpu.memref_slice %arg10[%add3A_22, %dma_start3A_70] : memref<10240x128xf32, #tpu.memory_space<vmem_shared>> -> memref<80x128xf32, #tpu.memory_space<vmem_shared>>
      %dma_start3A_72 = arith.constant 0 : i32
      %dma_start3A_73 = tpu.memref_slice %arg10[%add3A_22, %dma_start3A_72] : memref<10240x128xf32, #tpu.memory_space<vmem_shared>> -> memref<80x128xf32, #tpu.memory_space<vmem_shared>>
      %dma_start3A_74 = arith.constant 0 : i32
      %dma_start3A_75 = arith.constant 0 : i32
      %dma_start3A_76 = tpu.memref_slice %arg8[%dma_start3A_74, %dma_start3A_75] : memref<80x128xf32, #tpu.memory_space<vmem>> -> memref<80x128xf32, #tpu.memory_space<vmem>>
      tpu.enqueue_dma source(%dma_start3A_76 : memref<80x128xf32, #tpu.memory_space<vmem>>) target(%dma_start3A_73 : memref<80x128xf32, #tpu.memory_space<vmem_shared>>) target_semaphore(%run_scoped3A : memref<!tpu.dma_semaphore, #tpu.memory_space<semaphore_mem>>)
      %dma_wait3A_77 = arith.constant 0 : i32
      %dma_wait3A_78 = arith.constant 0 : i32
      %dma_wait3A_79 = tpu.memref_slice %arg8[%dma_wait3A_77, %dma_wait3A_78] : memref<80x128xf32, #tpu.memory_space<vmem>> -> memref<80x128xf32, #tpu.memory_space<vmem>>
      %dma_wait3A_80 = arith.constant 0 : i32
      %dma_wait3A_81 = tpu.memref_slice %arg10[%add3A_22, %dma_wait3A_80] : memref<10240x128xf32, #tpu.memory_space<vmem_shared>> -> memref<80x128xf32, #tpu.memory_space<vmem_shared>>
      %dma_wait3A_82 = arith.constant 0 : i32
      %dma_wait3A_83 = tpu.memref_slice %arg10[%add3A_22, %dma_wait3A_82] : memref<10240x128xf32, #tpu.memory_space<vmem_shared>> -> memref<80x128xf32, #tpu.memory_space<vmem_shared>>
      %dma_wait3A_84 = arith.constant 0 : i32
      %dma_wait3A_85 = arith.constant 0 : i32
      %dma_wait3A_86 = tpu.memref_slice %arg8[%dma_wait3A_84, %dma_wait3A_85] : memref<80x128xf32, #tpu.memory_space<vmem>> -> memref<80x128xf32, #tpu.memory_space<vmem>>
      tpu.wait_dma2 semaphore(%run_scoped3A : memref<!tpu.dma_semaphore, #tpu.memory_space<semaphore_mem>>) src(%dma_wait3A_86 : memref<80x128xf32, #tpu.memory_space<vmem>>) dst(%dma_wait3A_83 : memref<80x128xf32, #tpu.memory_space<vmem_shared>>)
      tpu.yield
    }) : () -> ()
    %mul3A_23 = arith.constant 640 : i32
    %mul3A_24 = arith.muli %arg1, %mul3A_23 : i32
    %add3A_25 = arith.constant 240 : i32
    %add3A_26 = arith.addi %mul3A_24, %add3A_25 : i32
    "tpu.region"() ({
      %run_scoped3A = tpu.sem_alloc : memref<!tpu.dma_semaphore, #tpu.memory_space<semaphore_mem>>
      %dma_start3A_67 = arith.constant 0 : i32
      %dma_start3A_68 = arith.constant 0 : i32
      %dma_start3A_69 = tpu.memref_slice %arg8[%dma_start3A_67, %dma_start3A_68] : memref<80x128xf32, #tpu.memory_space<vmem>> -> memref<80x128xf32, #tpu.memory_space<vmem>>
      %dma_start3A_70 = arith.constant 0 : i32
      %dma_start3A_71 = tpu.memref_slice %arg10[%add3A_26, %dma_start3A_70] : memref<10240x128xf32, #tpu.memory_space<vmem_shared>> -> memref<80x128xf32, #tpu.memory_space<vmem_shared>>
      %dma_start3A_72 = arith.constant 0 : i32
      %dma_start3A_73 = tpu.memref_slice %arg10[%add3A_26, %dma_start3A_72] : memref<10240x128xf32, #tpu.memory_space<vmem_shared>> -> memref<80x128xf32, #tpu.memory_space<vmem_shared>>
      %dma_start3A_74 = arith.constant 0 : i32
      %dma_start3A_75 = arith.constant 0 : i32
      %dma_start3A_76 = tpu.memref_slice %arg8[%dma_start3A_74, %dma_start3A_75] : memref<80x128xf32, #tpu.memory_space<vmem>> -> memref<80x128xf32, #tpu.memory_space<vmem>>
      tpu.enqueue_dma source(%dma_start3A_76 : memref<80x128xf32, #tpu.memory_space<vmem>>) target(%dma_start3A_73 : memref<80x128xf32, #tpu.memory_space<vmem_shared>>) target_semaphore(%run_scoped3A : memref<!tpu.dma_semaphore, #tpu.memory_space<semaphore_mem>>)
      %dma_wait3A_77 = arith.constant 0 : i32
      %dma_wait3A_78 = arith.constant 0 : i32
      %dma_wait3A_79 = tpu.memref_slice %arg8[%dma_wait3A_77, %dma_wait3A_78] : memref<80x128xf32, #tpu.memory_space<vmem>> -> memref<80x128xf32, #tpu.memory_space<vmem>>
      %dma_wait3A_80 = arith.constant 0 : i32
      %dma_wait3A_81 = tpu.memref_slice %arg10[%add3A_26, %dma_wait3A_80] : memref<10240x128xf32, #tpu.memory_space<vmem_shared>> -> memref<80x128xf32, #tpu.memory_space<vmem_shared>>
      %dma_wait3A_82 = arith.constant 0 : i32
      %dma_wait3A_83 = tpu.memref_slice %arg10[%add3A_26, %dma_wait3A_82] : memref<10240x128xf32, #tpu.memory_space<vmem_shared>> -> memref<80x128xf32, #tpu.memory_space<vmem_shared>>
      %dma_wait3A_84 = arith.constant 0 : i32
      %dma_wait3A_85 = arith.constant 0 : i32
      %dma_wait3A_86 = tpu.memref_slice %arg8[%dma_wait3A_84, %dma_wait3A_85] : memref<80x128xf32, #tpu.memory_space<vmem>> -> memref<80x128xf32, #tpu.memory_space<vmem>>
      tpu.wait_dma2 semaphore(%run_scoped3A : memref<!tpu.dma_semaphore, #tpu.memory_space<semaphore_mem>>) src(%dma_wait3A_86 : memref<80x128xf32, #tpu.memory_space<vmem>>) dst(%dma_wait3A_83 : memref<80x128xf32, #tpu.memory_space<vmem_shared>>)
      tpu.yield
    }) : () -> ()
    %mul3A_27 = arith.constant 640 : i32
    %mul3A_28 = arith.muli %arg1, %mul3A_27 : i32
    %add3A_29 = arith.constant 320 : i32
    %add3A_30 = arith.addi %mul3A_28, %add3A_29 : i32
    "tpu.region"() ({
      %run_scoped3A = tpu.sem_alloc : memref<!tpu.dma_semaphore, #tpu.memory_space<semaphore_mem>>
      %dma_start3A_67 = arith.constant 0 : i32
      %dma_start3A_68 = arith.constant 0 : i32
      %dma_start3A_69 = tpu.memref_slice %arg8[%dma_start3A_67, %dma_start3A_68] : memref<80x128xf32, #tpu.memory_space<vmem>> -> memref<80x128xf32, #tpu.memory_space<vmem>>
      %dma_start3A_70 = arith.constant 0 : i32
      %dma_start3A_71 = tpu.memref_slice %arg10[%add3A_30, %dma_start3A_70] : memref<10240x128xf32, #tpu.memory_space<vmem_shared>> -> memref<80x128xf32, #tpu.memory_space<vmem_shared>>
      %dma_start3A_72 = arith.constant 0 : i32
      %dma_start3A_73 = tpu.memref_slice %arg10[%add3A_30, %dma_start3A_72] : memref<10240x128xf32, #tpu.memory_space<vmem_shared>> -> memref<80x128xf32, #tpu.memory_space<vmem_shared>>
      %dma_start3A_74 = arith.constant 0 : i32
      %dma_start3A_75 = arith.constant 0 : i32
      %dma_start3A_76 = tpu.memref_slice %arg8[%dma_start3A_74, %dma_start3A_75] : memref<80x128xf32, #tpu.memory_space<vmem>> -> memref<80x128xf32, #tpu.memory_space<vmem>>
      tpu.enqueue_dma source(%dma_start3A_76 : memref<80x128xf32, #tpu.memory_space<vmem>>) target(%dma_start3A_73 : memref<80x128xf32, #tpu.memory_space<vmem_shared>>) target_semaphore(%run_scoped3A : memref<!tpu.dma_semaphore, #tpu.memory_space<semaphore_mem>>)
      %dma_wait3A_77 = arith.constant 0 : i32
      %dma_wait3A_78 = arith.constant 0 : i32
      %dma_wait3A_79 = tpu.memref_slice %arg8[%dma_wait3A_77, %dma_wait3A_78] : memref<80x128xf32, #tpu.memory_space<vmem>> -> memref<80x128xf32, #tpu.memory_space<vmem>>
      %dma_wait3A_80 = arith.constant 0 : i32
      %dma_wait3A_81 = tpu.memref_slice %arg10[%add3A_30, %dma_wait3A_80] : memref<10240x128xf32, #tpu.memory_space<vmem_shared>> -> memref<80x128xf32, #tpu.memory_space<vmem_shared>>
      %dma_wait3A_82 = arith.constant 0 : i32
      %dma_wait3A_83 = tpu.memref_slice %arg10[%add3A_30, %dma_wait3A_82] : memref<10240x128xf32, #tpu.memory_space<vmem_shared>> -> memref<80x128xf32, #tpu.memory_space<vmem_shared>>
      %dma_wait3A_84 = arith.constant 0 : i32
      %dma_wait3A_85 = arith.constant 0 : i32
      %dma_wait3A_86 = tpu.memref_slice %arg8[%dma_wait3A_84, %dma_wait3A_85] : memref<80x128xf32, #tpu.memory_space<vmem>> -> memref<80x128xf32, #tpu.memory_space<vmem>>
      tpu.wait_dma2 semaphore(%run_scoped3A : memref<!tpu.dma_semaphore, #tpu.memory_space<semaphore_mem>>) src(%dma_wait3A_86 : memref<80x128xf32, #tpu.memory_space<vmem>>) dst(%dma_wait3A_83 : memref<80x128xf32, #tpu.memory_space<vmem_shared>>)
      tpu.yield
    }) : () -> ()
    %mul3A_31 = arith.constant 640 : i32
    %mul3A_32 = arith.muli %arg1, %mul3A_31 : i32
    %add3A_33 = arith.constant 400 : i32
    %add3A_34 = arith.addi %mul3A_32, %add3A_33 : i32
    "tpu.region"() ({
      %run_scoped3A = tpu.sem_alloc : memref<!tpu.dma_semaphore, #tpu.memory_space<semaphore_mem>>
      %dma_start3A_67 = arith.constant 0 : i32
      %dma_start3A_68 = arith.constant 0 : i32
      %dma_start3A_69 = tpu.memref_slice %arg8[%dma_start3A_67, %dma_start3A_68] : memref<80x128xf32, #tpu.memory_space<vmem>> -> memref<80x128xf32, #tpu.memory_space<vmem>>
      %dma_start3A_70 = arith.constant 0 : i32
      %dma_start3A_71 = tpu.memref_slice %arg10[%add3A_34, %dma_start3A_70] : memref<10240x128xf32, #tpu.memory_space<vmem_shared>> -> memref<80x128xf32, #tpu.memory_space<vmem_shared>>
      %dma_start3A_72 = arith.constant 0 : i32
      %dma_start3A_73 = tpu.memref_slice %arg10[%add3A_34, %dma_start3A_72] : memref<10240x128xf32, #tpu.memory_space<vmem_shared>> -> memref<80x128xf32, #tpu.memory_space<vmem_shared>>
      %dma_start3A_74 = arith.constant 0 : i32
      %dma_start3A_75 = arith.constant 0 : i32
      %dma_start3A_76 = tpu.memref_slice %arg8[%dma_start3A_74, %dma_start3A_75] : memref<80x128xf32, #tpu.memory_space<vmem>> -> memref<80x128xf32, #tpu.memory_space<vmem>>
      tpu.enqueue_dma source(%dma_start3A_76 : memref<80x128xf32, #tpu.memory_space<vmem>>) target(%dma_start3A_73 : memref<80x128xf32, #tpu.memory_space<vmem_shared>>) target_semaphore(%run_scoped3A : memref<!tpu.dma_semaphore, #tpu.memory_space<semaphore_mem>>)
      %dma_wait3A_77 = arith.constant 0 : i32
      %dma_wait3A_78 = arith.constant 0 : i32
      %dma_wait3A_79 = tpu.memref_slice %arg8[%dma_wait3A_77, %dma_wait3A_78] : memref<80x128xf32, #tpu.memory_space<vmem>> -> memref<80x128xf32, #tpu.memory_space<vmem>>
      %dma_wait3A_80 = arith.constant 0 : i32
      %dma_wait3A_81 = tpu.memref_slice %arg10[%add3A_34, %dma_wait3A_80] : memref<10240x128xf32, #tpu.memory_space<vmem_shared>> -> memref<80x128xf32, #tpu.memory_space<vmem_shared>>
      %dma_wait3A_82 = arith.constant 0 : i32
      %dma_wait3A_83 = tpu.memref_slice %arg10[%add3A_34, %dma_wait3A_82] : memref<10240x128xf32, #tpu.memory_space<vmem_shared>> -> memref<80x128xf32, #tpu.memory_space<vmem_shared>>
      %dma_wait3A_84 = arith.constant 0 : i32
      %dma_wait3A_85 = arith.constant 0 : i32
      %dma_wait3A_86 = tpu.memref_slice %arg8[%dma_wait3A_84, %dma_wait3A_85] : memref<80x128xf32, #tpu.memory_space<vmem>> -> memref<80x128xf32, #tpu.memory_space<vmem>>
      tpu.wait_dma2 semaphore(%run_scoped3A : memref<!tpu.dma_semaphore, #tpu.memory_space<semaphore_mem>>) src(%dma_wait3A_86 : memref<80x128xf32, #tpu.memory_space<vmem>>) dst(%dma_wait3A_83 : memref<80x128xf32, #tpu.memory_space<vmem_shared>>)
      tpu.yield
    }) : () -> ()
    %mul3A_35 = arith.constant 640 : i32
    %mul3A_36 = arith.muli %arg1, %mul3A_35 : i32
    %add3A_37 = arith.constant 480 : i32
    %add3A_38 = arith.addi %mul3A_36, %add3A_37 : i32
    "tpu.region"() ({
      %run_scoped3A = tpu.sem_alloc : memref<!tpu.dma_semaphore, #tpu.memory_space<semaphore_mem>>
      %dma_start3A_67 = arith.constant 0 : i32
      %dma_start3A_68 = arith.constant 0 : i32
      %dma_start3A_69 = tpu.memref_slice %arg8[%dma_start3A_67, %dma_start3A_68] : memref<80x128xf32, #tpu.memory_space<vmem>> -> memref<80x128xf32, #tpu.memory_space<vmem>>
      %dma_start3A_70 = arith.constant 0 : i32
      %dma_start3A_71 = tpu.memref_slice %arg10[%add3A_38, %dma_start3A_70] : memref<10240x128xf32, #tpu.memory_space<vmem_shared>> -> memref<80x128xf32, #tpu.memory_space<vmem_shared>>
      %dma_start3A_72 = arith.constant 0 : i32
      %dma_start3A_73 = tpu.memref_slice %arg10[%add3A_38, %dma_start3A_72] : memref<10240x128xf32, #tpu.memory_space<vmem_shared>> -> memref<80x128xf32, #tpu.memory_space<vmem_shared>>
      %dma_start3A_74 = arith.constant 0 : i32
      %dma_start3A_75 = arith.constant 0 : i32
      %dma_start3A_76 = tpu.memref_slice %arg8[%dma_start3A_74, %dma_start3A_75] : memref<80x128xf32, #tpu.memory_space<vmem>> -> memref<80x128xf32, #tpu.memory_space<vmem>>
      tpu.enqueue_dma source(%dma_start3A_76 : memref<80x128xf32, #tpu.memory_space<vmem>>) target(%dma_start3A_73 : memref<80x128xf32, #tpu.memory_space<vmem_shared>>) target_semaphore(%run_scoped3A : memref<!tpu.dma_semaphore, #tpu.memory_space<semaphore_mem>>)
      %dma_wait3A_77 = arith.constant 0 : i32
      %dma_wait3A_78 = arith.constant 0 : i32
      %dma_wait3A_79 = tpu.memref_slice %arg8[%dma_wait3A_77, %dma_wait3A_78] : memref<80x128xf32, #tpu.memory_space<vmem>> -> memref<80x128xf32, #tpu.memory_space<vmem>>
      %dma_wait3A_80 = arith.constant 0 : i32
      %dma_wait3A_81 = tpu.memref_slice %arg10[%add3A_38, %dma_wait3A_80] : memref<10240x128xf32, #tpu.memory_space<vmem_shared>> -> memref<80x128xf32, #tpu.memory_space<vmem_shared>>
      %dma_wait3A_82 = arith.constant 0 : i32
      %dma_wait3A_83 = tpu.memref_slice %arg10[%add3A_38, %dma_wait3A_82] : memref<10240x128xf32, #tpu.memory_space<vmem_shared>> -> memref<80x128xf32, #tpu.memory_space<vmem_shared>>
      %dma_wait3A_84 = arith.constant 0 : i32
      %dma_wait3A_85 = arith.constant 0 : i32
      %dma_wait3A_86 = tpu.memref_slice %arg8[%dma_wait3A_84, %dma_wait3A_85] : memref<80x128xf32, #tpu.memory_space<vmem>> -> memref<80x128xf32, #tpu.memory_space<vmem>>
      tpu.wait_dma2 semaphore(%run_scoped3A : memref<!tpu.dma_semaphore, #tpu.memory_space<semaphore_mem>>) src(%dma_wait3A_86 : memref<80x128xf32, #tpu.memory_space<vmem>>) dst(%dma_wait3A_83 : memref<80x128xf32, #tpu.memory_space<vmem_shared>>)
      tpu.yield
    }) : () -> ()
    %mul3A_39 = arith.constant 640 : i32
    %mul3A_40 = arith.muli %arg1, %mul3A_39 : i32
    %add3A_41 = arith.constant 560 : i32
    %add3A_42 = arith.addi %mul3A_40, %add3A_41 : i32
    "tpu.region"() ({
      %run_scoped3A = tpu.sem_alloc : memref<!tpu.dma_semaphore, #tpu.memory_space<semaphore_mem>>
      %dma_start3A_67 = arith.constant 0 : i32
      %dma_start3A_68 = arith.constant 0 : i32
      %dma_start3A_69 = tpu.memref_slice %arg8[%dma_start3A_67, %dma_start3A_68] : memref<80x128xf32, #tpu.memory_space<vmem>> -> memref<80x128xf32, #tpu.memory_space<vmem>>
      %dma_start3A_70 = arith.constant 0 : i32
      %dma_start3A_71 = tpu.memref_slice %arg10[%add3A_42, %dma_start3A_70] : memref<10240x128xf32, #tpu.memory_space<vmem_shared>> -> memref<80x128xf32, #tpu.memory_space<vmem_shared>>
      %dma_start3A_72 = arith.constant 0 : i32
      %dma_start3A_73 = tpu.memref_slice %arg10[%add3A_42, %dma_start3A_72] : memref<10240x128xf32, #tpu.memory_space<vmem_shared>> -> memref<80x128xf32, #tpu.memory_space<vmem_shared>>
      %dma_start3A_74 = arith.constant 0 : i32
      %dma_start3A_75 = arith.constant 0 : i32
      %dma_start3A_76 = tpu.memref_slice %arg8[%dma_start3A_74, %dma_start3A_75] : memref<80x128xf32, #tpu.memory_space<vmem>> -> memref<80x128xf32, #tpu.memory_space<vmem>>
      tpu.enqueue_dma source(%dma_start3A_76 : memref<80x128xf32, #tpu.memory_space<vmem>>) target(%dma_start3A_73 : memref<80x128xf32, #tpu.memory_space<vmem_shared>>) target_semaphore(%run_scoped3A : memref<!tpu.dma_semaphore, #tpu.memory_space<semaphore_mem>>)
      %dma_wait3A_77 = arith.constant 0 : i32
      %dma_wait3A_78 = arith.constant 0 : i32
      %dma_wait3A_79 = tpu.memref_slice %arg8[%dma_wait3A_77, %dma_wait3A_78] : memref<80x128xf32, #tpu.memory_space<vmem>> -> memref<80x128xf32, #tpu.memory_space<vmem>>
      %dma_wait3A_80 = arith.constant 0 : i32
      %dma_wait3A_81 = tpu.memref_slice %arg10[%add3A_42, %dma_wait3A_80] : memref<10240x128xf32, #tpu.memory_space<vmem_shared>> -> memref<80x128xf32, #tpu.memory_space<vmem_shared>>
      %dma_wait3A_82 = arith.constant 0 : i32
      %dma_wait3A_83 = tpu.memref_slice %arg10[%add3A_42, %dma_wait3A_82] : memref<10240x128xf32, #tpu.memory_space<vmem_shared>> -> memref<80x128xf32, #tpu.memory_space<vmem_shared>>
      %dma_wait3A_84 = arith.constant 0 : i32
      %dma_wait3A_85 = arith.constant 0 : i32
      %dma_wait3A_86 = tpu.memref_slice %arg8[%dma_wait3A_84, %dma_wait3A_85] : memref<80x128xf32, #tpu.memory_space<vmem>> -> memref<80x128xf32, #tpu.memory_space<vmem>>
      tpu.wait_dma2 semaphore(%run_scoped3A : memref<!tpu.dma_semaphore, #tpu.memory_space<semaphore_mem>>) src(%dma_wait3A_86 : memref<80x128xf32, #tpu.memory_space<vmem>>) dst(%dma_wait3A_83 : memref<80x128xf32, #tpu.memory_space<vmem_shared>>)
      tpu.yield
    }) : () -> ()
    %barrier3A = arith.constant 0 : index
    tpu.barrier barrier_id(%barrier3A)
    %dma_start3A = arith.constant 0 : i32
    %dma_start3A_43 = tpu.memref_slice %arg6[%dma_start3A] : memref<10000xi32, #tpu.memory_space<vmem>> -> memref<80xi32, #tpu.memory_space<vmem>>
    %dma_start3A_44 = arith.constant 0 : i32
    %dma_start3A_45 = arith.constant 0 : i32
    %dma_start3A_46 = tpu.memref_slice %arg2[%dma_start3A_44, %dma_start3A_45] : memref<10240x128xf32, #tpu.memory_space<hbm>> -> memref<10240x128xf32, #tpu.memory_space<hbm>>
    tpu.enqueue_indirect_dma source(%dma_start3A_46 : memref<10240x128xf32, #tpu.memory_space<hbm>>) target(%arg8 : memref<80x128xf32, #tpu.memory_space<vmem>>) offsets(%dma_start3A_43 : memref<80xi32, #tpu.memory_space<vmem>>) semaphore(%arg11 : memref<!tpu.dma_semaphore, #tpu.memory_space<semaphore_mem>>)
    %dma_start3A_47 = arith.constant 80 : i32
    %dma_start3A_48 = tpu.memref_slice %arg6[%dma_start3A_47] : memref<10000xi32, #tpu.memory_space<vmem>> -> memref<80xi32, #tpu.memory_space<vmem>>
    %dma_start3A_49 = arith.constant 0 : i32
    %dma_start3A_50 = arith.constant 0 : i32
    %dma_start3A_51 = tpu.memref_slice %arg2[%dma_start3A_49, %dma_start3A_50] : memref<10240x128xf32, #tpu.memory_space<hbm>> -> memref<10240x128xf32, #tpu.memory_space<hbm>>
    tpu.enqueue_indirect_dma source(%dma_start3A_51 : memref<10240x128xf32, #tpu.memory_space<hbm>>) target(%arg9 : memref<80x128xf32, #tpu.memory_space<vmem>>) offsets(%dma_start3A_48 : memref<80xi32, #tpu.memory_space<vmem>>) semaphore(%arg12 : memref<!tpu.dma_semaphore, #tpu.memory_space<semaphore_mem>>)
    %scan3A_52 = arith.constant 0 : i32
    %scan3A_53 = arith.constant 0 : i32
    %scan3A_54 = arith.constant 62 : i32
    %scan3A_55 = arith.addi %scan3A_53, %scan3A_54 : i32
    %scan3A_56 = arith.constant 1 : i32
    scf.for %scan3A_67 = %scan3A_53 to %scan3A_55 step %scan3A_56  : i32 {
      %mul3A_68 = arith.constant 2 : i32
      %mul3A_69 = arith.muli %mul3A_68, %scan3A_67 : i32
      %dma_wait3A_70 = arith.constant 0 : i32
      %dma_wait3A_71 = tpu.memref_slice %arg6[%dma_wait3A_70] : memref<10000xi32, #tpu.memory_space<vmem>> -> memref<80xi32, #tpu.memory_space<vmem>>
      %dma_wait3A_72 = arith.constant 0 : i32
      %dma_wait3A_73 = arith.constant 0 : i32
      %dma_wait3A_74 = tpu.memref_slice %arg2[%dma_wait3A_72, %dma_wait3A_73] : memref<10240x128xf32, #tpu.memory_space<hbm>> -> memref<10240x128xf32, #tpu.memory_space<hbm>>
      tpu.wait_indirect_dma semaphore(%arg11 : memref<!tpu.dma_semaphore, #tpu.memory_space<semaphore_mem>>) src(%dma_wait3A_74 : memref<10240x128xf32, #tpu.memory_space<hbm>>) dst(%arg8 : memref<80x128xf32, #tpu.memory_space<vmem>>)
      %mul3A_75 = arith.constant 80 : i32
      %mul3A_76 = arith.muli %mul3A_69, %mul3A_75 : i32
      "tpu.region"() ({
        %run_scoped3A = tpu.sem_alloc : memref<!tpu.dma_semaphore, #tpu.memory_space<semaphore_mem>>
        %dma_start3A_97 = tpu.memref_slice %arg7[%mul3A_76] : memref<10000xi32, #tpu.memory_space<vmem>> -> memref<80xi32, #tpu.memory_space<vmem>>
        %dma_start3A_98 = arith.constant 0 : i32
        %dma_start3A_99 = arith.constant 0 : i32
        %dma_start3A_100 = tpu.memref_slice %arg10[%dma_start3A_98, %dma_start3A_99] : memref<10240x128xf32, #tpu.memory_space<vmem_shared>> -> memref<10240x128xf32, #tpu.memory_space<vmem_shared>>
        tpu.enqueue_indirect_dma source(%arg8 : memref<80x128xf32, #tpu.memory_space<vmem>>) target(%dma_start3A_100 : memref<10240x128xf32, #tpu.memory_space<vmem_shared>>) offsets(%dma_start3A_97 : memref<80xi32, #tpu.memory_space<vmem>>) semaphore(%run_scoped3A : memref<!tpu.dma_semaphore, #tpu.memory_space<semaphore_mem>>) {add = true}
        %dma_wait3A_101 = tpu.memref_slice %arg7[%mul3A_76] : memref<10000xi32, #tpu.memory_space<vmem>> -> memref<80xi32, #tpu.memory_space<vmem>>
        %dma_wait3A_102 = arith.constant 0 : i32
        %dma_wait3A_103 = arith.constant 0 : i32
        %dma_wait3A_104 = tpu.memref_slice %arg10[%dma_wait3A_102, %dma_wait3A_103] : memref<10240x128xf32, #tpu.memory_space<vmem_shared>> -> memref<10240x128xf32, #tpu.memory_space<vmem_shared>>
        tpu.wait_indirect_dma semaphore(%run_scoped3A : memref<!tpu.dma_semaphore, #tpu.memory_space<semaphore_mem>>) src(%arg8 : memref<80x128xf32, #tpu.memory_space<vmem>>) dst(%dma_wait3A_104 : memref<10240x128xf32, #tpu.memory_space<vmem_shared>>)
        tpu.yield
      }) : () -> ()
      %add3A_77 = arith.constant 2 : i32
      %add3A_78 = arith.addi %mul3A_69, %add3A_77 : i32
      %lt3A = arith.constant 125 : i32
      %lt3A_79 = arith.cmpi slt, %add3A_78, %lt3A : i32
      %convert_element_type3A = arith.extui %lt3A_79 : i1 to i32
      %cond3A = arith.constant 0 : i32
      %cond3A_80 = arith.cmpi ne, %convert_element_type3A, %cond3A : i32
      scf.if %cond3A_80 {
        %add3A_97 = arith.constant 2 : i32
        %add3A_98 = arith.addi %mul3A_69, %add3A_97 : i32
        %mul3A_99 = arith.constant 80 : i32
        %mul3A_100 = arith.muli %add3A_98, %mul3A_99 : i32
        %dma_start3A_101 = tpu.memref_slice %arg6[%mul3A_100] : memref<10000xi32, #tpu.memory_space<vmem>> -> memref<80xi32, #tpu.memory_space<vmem>>
        %dma_start3A_102 = arith.constant 0 : i32
        %dma_start3A_103 = arith.constant 0 : i32
        %dma_start3A_104 = tpu.memref_slice %arg2[%dma_start3A_102, %dma_start3A_103] : memref<10240x128xf32, #tpu.memory_space<hbm>> -> memref<10240x128xf32, #tpu.memory_space<hbm>>
        tpu.enqueue_indirect_dma source(%dma_start3A_104 : memref<10240x128xf32, #tpu.memory_space<hbm>>) target(%arg8 : memref<80x128xf32, #tpu.memory_space<vmem>>) offsets(%dma_start3A_101 : memref<80xi32, #tpu.memory_space<vmem>>) semaphore(%arg11 : memref<!tpu.dma_semaphore, #tpu.memory_space<semaphore_mem>>)
      } else {
      }
      %dma_wait3A_81 = arith.constant 80 : i32
      %dma_wait3A_82 = tpu.memref_slice %arg6[%dma_wait3A_81] : memref<10000xi32, #tpu.memory_space<vmem>> -> memref<80xi32, #tpu.memory_space<vmem>>
      %dma_wait3A_83 = arith.constant 0 : i32
      %dma_wait3A_84 = arith.constant 0 : i32
      %dma_wait3A_85 = tpu.memref_slice %arg2[%dma_wait3A_83, %dma_wait3A_84] : memref<10240x128xf32, #tpu.memory_space<hbm>> -> memref<10240x128xf32, #tpu.memory_space<hbm>>
      tpu.wait_indirect_dma semaphore(%arg12 : memref<!tpu.dma_semaphore, #tpu.memory_space<semaphore_mem>>) src(%dma_wait3A_85 : memref<10240x128xf32, #tpu.memory_space<hbm>>) dst(%arg9 : memref<80x128xf32, #tpu.memory_space<vmem>>)
      %add3A_86 = arith.constant 1 : i32
      %add3A_87 = arith.addi %mul3A_69, %add3A_86 : i32
      %mul3A_88 = arith.constant 80 : i32
      %mul3A_89 = arith.muli %add3A_87, %mul3A_88 : i32
      "tpu.region"() ({
        %run_scoped3A = tpu.sem_alloc : memref<!tpu.dma_semaphore, #tpu.memory_space<semaphore_mem>>
        %dma_start3A_97 = tpu.memref_slice %arg7[%mul3A_89] : memref<10000xi32, #tpu.memory_space<vmem>> -> memref<80xi32, #tpu.memory_space<vmem>>
        %dma_start3A_98 = arith.constant 0 : i32
        %dma_start3A_99 = arith.constant 0 : i32
        %dma_start3A_100 = tpu.memref_slice %arg10[%dma_start3A_98, %dma_start3A_99] : memref<10240x128xf32, #tpu.memory_space<vmem_shared>> -> memref<10240x128xf32, #tpu.memory_space<vmem_shared>>
        tpu.enqueue_indirect_dma source(%arg9 : memref<80x128xf32, #tpu.memory_space<vmem>>) target(%dma_start3A_100 : memref<10240x128xf32, #tpu.memory_space<vmem_shared>>) offsets(%dma_start3A_97 : memref<80xi32, #tpu.memory_space<vmem>>) semaphore(%run_scoped3A : memref<!tpu.dma_semaphore, #tpu.memory_space<semaphore_mem>>) {add = true}
        %dma_wait3A_101 = tpu.memref_slice %arg7[%mul3A_89] : memref<10000xi32, #tpu.memory_space<vmem>> -> memref<80xi32, #tpu.memory_space<vmem>>
        %dma_wait3A_102 = arith.constant 0 : i32
        %dma_wait3A_103 = arith.constant 0 : i32
        %dma_wait3A_104 = tpu.memref_slice %arg10[%dma_wait3A_102, %dma_wait3A_103] : memref<10240x128xf32, #tpu.memory_space<vmem_shared>> -> memref<10240x128xf32, #tpu.memory_space<vmem_shared>>
        tpu.wait_indirect_dma semaphore(%run_scoped3A : memref<!tpu.dma_semaphore, #tpu.memory_space<semaphore_mem>>) src(%arg9 : memref<80x128xf32, #tpu.memory_space<vmem>>) dst(%dma_wait3A_104 : memref<10240x128xf32, #tpu.memory_space<vmem_shared>>)
        tpu.yield
      }) : () -> ()
      %add3A_90 = arith.constant 3 : i32
      %add3A_91 = arith.addi %mul3A_69, %add3A_90 : i32
      %lt3A_92 = arith.constant 125 : i32
      %lt3A_93 = arith.cmpi slt, %add3A_91, %lt3A_92 : i32
      %convert_element_type3A_94 = arith.extui %lt3A_93 : i1 to i32
      %cond3A_95 = arith.constant 0 : i32
      %cond3A_96 = arith.cmpi ne, %convert_element_type3A_94, %cond3A_95 : i32
      scf.if %cond3A_96 {
        %add3A_97 = arith.constant 3 : i32
        %add3A_98 = arith.addi %mul3A_69, %add3A_97 : i32
        %mul3A_99 = arith.constant 80 : i32
        %mul3A_100 = arith.muli %add3A_98, %mul3A_99 : i32
        %dma_start3A_101 = tpu.memref_slice %arg6[%mul3A_100] : memref<10000xi32, #tpu.memory_space<vmem>> -> memref<80xi32, #tpu.memory_space<vmem>>
        %dma_start3A_102 = arith.constant 0 : i32
        %dma_start3A_103 = arith.constant 0 : i32
        %dma_start3A_104 = tpu.memref_slice %arg2[%dma_start3A_102, %dma_start3A_103] : memref<10240x128xf32, #tpu.memory_space<hbm>> -> memref<10240x128xf32, #tpu.memory_space<hbm>>
        tpu.enqueue_indirect_dma source(%dma_start3A_104 : memref<10240x128xf32, #tpu.memory_space<hbm>>) target(%arg9 : memref<80x128xf32, #tpu.memory_space<vmem>>) offsets(%dma_start3A_101 : memref<80xi32, #tpu.memory_space<vmem>>) semaphore(%arg12 : memref<!tpu.dma_semaphore, #tpu.memory_space<semaphore_mem>>)
      } else {
      }
    }
    %scan3A_57 = arith.constant 62 : i32
    %dma_wait3A = arith.constant 0 : i32
    %dma_wait3A_58 = tpu.memref_slice %arg6[%dma_wait3A] : memref<10000xi32, #tpu.memory_space<vmem>> -> memref<80xi32, #tpu.memory_space<vmem>>
    %dma_wait3A_59 = arith.constant 0 : i32
    %dma_wait3A_60 = arith.constant 0 : i32
    %dma_wait3A_61 = tpu.memref_slice %arg2[%dma_wait3A_59, %dma_wait3A_60] : memref<10240x128xf32, #tpu.memory_space<hbm>> -> memref<10240x128xf32, #tpu.memory_space<hbm>>
    tpu.wait_indirect_dma semaphore(%arg11 : memref<!tpu.dma_semaphore, #tpu.memory_space<semaphore_mem>>) src(%dma_wait3A_61 : memref<10240x128xf32, #tpu.memory_space<hbm>>) dst(%arg8 : memref<80x128xf32, #tpu.memory_space<vmem>>)
    "tpu.region"() ({
      %run_scoped3A = tpu.sem_alloc : memref<!tpu.dma_semaphore, #tpu.memory_space<semaphore_mem>>
      %dma_start3A_67 = arith.constant 9920 : i32
      %dma_start3A_68 = tpu.memref_slice %arg7[%dma_start3A_67] : memref<10000xi32, #tpu.memory_space<vmem>> -> memref<80xi32, #tpu.memory_space<vmem>>
      %dma_start3A_69 = arith.constant 0 : i32
      %dma_start3A_70 = arith.constant 0 : i32
      %dma_start3A_71 = tpu.memref_slice %arg10[%dma_start3A_69, %dma_start3A_70] : memref<10240x128xf32, #tpu.memory_space<vmem_shared>> -> memref<10240x128xf32, #tpu.memory_space<vmem_shared>>
      tpu.enqueue_indirect_dma source(%arg8 : memref<80x128xf32, #tpu.memory_space<vmem>>) target(%dma_start3A_71 : memref<10240x128xf32, #tpu.memory_space<vmem_shared>>) offsets(%dma_start3A_68 : memref<80xi32, #tpu.memory_space<vmem>>) semaphore(%run_scoped3A : memref<!tpu.dma_semaphore, #tpu.memory_space<semaphore_mem>>) {add = true}
      %dma_wait3A_72 = arith.constant 9920 : i32
      %dma_wait3A_73 = tpu.memref_slice %arg7[%dma_wait3A_72] : memref<10000xi32, #tpu.memory_space<vmem>> -> memref<80xi32, #tpu.memory_space<vmem>>
      %dma_wait3A_74 = arith.constant 0 : i32
      %dma_wait3A_75 = arith.constant 0 : i32
      %dma_wait3A_76 = tpu.memref_slice %arg10[%dma_wait3A_74, %dma_wait3A_75] : memref<10240x128xf32, #tpu.memory_space<vmem_shared>> -> memref<10240x128xf32, #tpu.memory_space<vmem_shared>>
      tpu.wait_indirect_dma semaphore(%run_scoped3A : memref<!tpu.dma_semaphore, #tpu.memory_space<semaphore_mem>>) src(%arg8 : memref<80x128xf32, #tpu.memory_space<vmem>>) dst(%dma_wait3A_76 : memref<10240x128xf32, #tpu.memory_space<vmem_shared>>)
      tpu.yield
    }) : () -> ()
    %barrier3A_62 = arith.constant 0 : index
    tpu.barrier barrier_id(%barrier3A_62)
    %mul3A_63 = arith.constant 640 : i32
    %mul3A_64 = arith.muli %arg1, %mul3A_63 : i32
    %mul3A_65 = arith.constant 640 : i32
    %mul3A_66 = arith.muli %arg1, %mul3A_65 : i32
    "tpu.region"() ({
      %run_scoped3A = tpu.sem_alloc : memref<!tpu.dma_semaphore, #tpu.memory_space<semaphore_mem>>
      %dma_start3A_67 = arith.constant 0 : i32
      %dma_start3A_68 = tpu.memref_slice %arg5[%arg0, %mul3A_66, %dma_start3A_67] : memref<2x10240x128xf32, #tpu.memory_space<hbm>> -> memref<1x640x128xf32, #tpu.memory_space<hbm>>
      %dma_start3A_69 = tpu.memref_squeeze %dma_start3A_68 : memref<1x640x128xf32, #tpu.memory_space<hbm>> -> memref<640x128xf32, #tpu.memory_space<hbm>>
      %dma_start3A_70 = arith.constant 0 : i32
      %dma_start3A_71 = tpu.memref_slice %arg10[%mul3A_64, %dma_start3A_70] : memref<10240x128xf32, #tpu.memory_space<vmem_shared>> -> memref<640x128xf32, #tpu.memory_space<vmem_shared>>
      tpu.enqueue_dma source(%dma_start3A_71 : memref<640x128xf32, #tpu.memory_space<vmem_shared>>) target(%dma_start3A_69 : memref<640x128xf32, #tpu.memory_space<hbm>>) target_semaphore(%run_scoped3A : memref<!tpu.dma_semaphore, #tpu.memory_space<semaphore_mem>>)
      %dma_wait3A_72 = arith.constant 0 : i32
      %dma_wait3A_73 = tpu.memref_slice %arg5[%arg0, %mul3A_66, %dma_wait3A_72] : memref<2x10240x128xf32, #tpu.memory_space<hbm>> -> memref<1x640x128xf32, #tpu.memory_space<hbm>>
      %dma_wait3A_74 = tpu.memref_squeeze %dma_wait3A_73 : memref<1x640x128xf32, #tpu.memory_space<hbm>> -> memref<640x128xf32, #tpu.memory_space<hbm>>
      %dma_wait3A_75 = arith.constant 0 : i32
      %dma_wait3A_76 = tpu.memref_slice %arg10[%mul3A_64, %dma_wait3A_75] : memref<10240x128xf32, #tpu.memory_space<vmem_shared>> -> memref<640x128xf32, #tpu.memory_space<vmem_shared>>
      tpu.wait_dma2 semaphore(%run_scoped3A : memref<!tpu.dma_semaphore, #tpu.memory_space<semaphore_mem>>) src(%dma_wait3A_76 : memref<640x128xf32, #tpu.memory_space<vmem_shared>>) dst(%dma_wait3A_74 : memref<640x128xf32, #tpu.memory_space<hbm>>)
      tpu.yield
    }) : () -> ()
    return
  }
}

module attributes {stable_mosaic.version = 14 : i64} {
  func.func @_mlp_body(%arg0: i32, %arg1: memref<1xf32, #tpu.memory_space<smem>>, %arg2: memref<1024x128xf32, #tpu.memory_space<vmem>>, %arg3: memref<1024x128xf32, #tpu.memory_space<vmem>>, %arg4: memref<1024x128xf32, #tpu.memory_space<vmem>>, %arg5: memref<128x256xf32, #tpu.memory_space<vmem>>, %arg6: memref<1x256xf32, #tpu.memory_space<vmem>>, %arg7: memref<256x128xf32, #tpu.memory_space<vmem>>, %arg8: memref<1x128xf32, #tpu.memory_space<vmem>>, %arg9: memref<1024x128xf32, #tpu.memory_space<vmem>>) attributes {dimension_semantics = [#tpu.dimension_semantics<arbitrary>], iteration_bounds = array<i64: 10>, scalar_prefetch = 0 : i64, scratch_operands = 0 : i64, tpu.core_type = #tpu.core_type<tc>, window_params = [{transform_indices = @transform_0, window_bounds = array<i64: 1>}, {transform_indices = @transform_1, window_bounds = array<i64: 1024, 128>}, {transform_indices = @transform_2, window_bounds = array<i64: 1024, 128>}, {transform_indices = @transform_3, window_bounds = array<i64: 1024, 128>}, {pipeline_mode = #tpu.pipeline_mode<synchronous>, transform_indices = @transform_4, window_bounds = array<i64: 128, 256>}, {pipeline_mode = #tpu.pipeline_mode<synchronous>, transform_indices = @transform_5, window_bounds = array<i64: 1, 256>}, {pipeline_mode = #tpu.pipeline_mode<synchronous>, transform_indices = @transform_6, window_bounds = array<i64: 256, 128>}, {pipeline_mode = #tpu.pipeline_mode<synchronous>, transform_indices = @transform_7, window_bounds = array<i64: 1, 128>}, {transform_indices = @transform_8, window_bounds = array<i64: 1024, 128>}]} {
    %get3A = arith.constant 0 : index
    %get3A_0 = arith.constant 0 : index
    %get3A_1 = vector.load %arg2[%get3A, %get3A_0] : memref<1024x128xf32, #tpu.memory_space<vmem>>, vector<1024x128xf32>
    %get3A_2 = arith.constant 0 : index
    %get3A_3 = memref.load %arg1[%get3A_2] : memref<1xf32, #tpu.memory_space<smem>>
    %mul3A = vector.broadcast %get3A_3 : f32 to vector<1024x128xf32>
    %mul3A_4 = arith.mulf %get3A_1, %mul3A : vector<1024x128xf32>
    %get3A_5 = arith.constant 0 : index
    %get3A_6 = arith.constant 0 : index
    %get3A_7 = vector.load %arg3[%get3A_5, %get3A_6] : memref<1024x128xf32, #tpu.memory_space<vmem>>, vector<1024x128xf32>
    %add3A = arith.addf %mul3A_4, %get3A_7 : vector<1024x128xf32>
    %get3A_8 = arith.constant 0 : index
    %get3A_9 = arith.constant 0 : index
    %get3A_10 = vector.load %arg4[%get3A_8, %get3A_9] : memref<1024x128xf32, #tpu.memory_space<vmem>>, vector<1024x128xf32>
    %add3A_11 = arith.addf %add3A, %get3A_10 : vector<1024x128xf32>
    %get3A_12 = arith.constant 0 : index
    %get3A_13 = arith.constant 0 : index
    %get3A_14 = vector.load %arg5[%get3A_12, %get3A_13] : memref<128x256xf32, #tpu.memory_space<vmem>>, vector<128x256xf32>
    %dot_general3A = arith.constant dense<0.000000e+00> : vector<1024x256xf32>
    %dot_general3A_15 = tpu.matmul %add3A_11, %get3A_14, %dot_general3A {dimension_numbers = #tpu.dot_dimension_numbers<[1], [0], [0], [1], [0, 0, 1, 1], [], []>, transpose_lhs_hint = false} : vector<1024x128xf32>, vector<128x256xf32>, vector<1024x256xf32> -> vector<1024x256xf32>
    %get3A_16 = arith.constant 0 : index
    %get3A_17 = arith.constant 0 : index
    %get3A_18 = vector.load %arg6[%get3A_16, %get3A_17] : memref<1x256xf32, #tpu.memory_space<vmem>>, vector<1x256xf32>
    %add3A_19 = vector.broadcast %get3A_18 : vector<1x256xf32> to vector<1024x256xf32>
    %add3A_20 = arith.addf %dot_general3A_15, %add3A_19 : vector<1024x256xf32>
    %max3A = arith.constant 0.000000e+00 : f32
    %max3A_21 = vector.broadcast %max3A : f32 to vector<1024x256xf32>
    %max3A_22 = arith.maximumf %add3A_20, %max3A_21 : vector<1024x256xf32>
    %get3A_23 = arith.constant 0 : index
    %get3A_24 = arith.constant 0 : index
    %get3A_25 = vector.load %arg7[%get3A_23, %get3A_24] : memref<256x128xf32, #tpu.memory_space<vmem>>, vector<256x128xf32>
    %dot_general3A_26 = arith.constant dense<0.000000e+00> : vector<1024x128xf32>
    %dot_general3A_27 = tpu.matmul %max3A_22, %get3A_25, %dot_general3A_26 {dimension_numbers = #tpu.dot_dimension_numbers<[1], [0], [0], [1], [0, 0, 1, 1], [], []>, transpose_lhs_hint = false} : vector<1024x256xf32>, vector<256x128xf32>, vector<1024x128xf32> -> vector<1024x128xf32>
    %get3A_28 = arith.constant 0 : index
    %get3A_29 = arith.constant 0 : index
    %get3A_30 = vector.load %arg8[%get3A_28, %get3A_29] : memref<1x128xf32, #tpu.memory_space<vmem>>, vector<1x128xf32>
    %add3A_31 = vector.broadcast %get3A_30 : vector<1x128xf32> to vector<1024x128xf32>
    %add3A_32 = arith.addf %dot_general3A_27, %add3A_31 : vector<1024x128xf32>
    %max3A_33 = arith.constant 0.000000e+00 : f32
    %max3A_34 = vector.broadcast %max3A_33 : f32 to vector<1024x128xf32>
    %max3A_35 = arith.maximumf %add3A_32, %max3A_34 : vector<1024x128xf32>
    %swap3A = arith.constant 0 : index
    %swap3A_36 = arith.constant 0 : index
    %swap3A_37 = vector.load %arg9[%swap3A, %swap3A_36] : memref<1024x128xf32, #tpu.memory_space<vmem>>, vector<1024x128xf32>
    tpu.vector_store %arg9[%swap3A, %swap3A_36], %max3A_35 {strides = array<i32>} : memref<1024x128xf32, #tpu.memory_space<vmem>>, vector<1024x128xf32>,
    return
  }
  func.func @transform_0(%arg0: i32) -> i32 {
    %c0_i32 = arith.constant 0 : i32
    %c0_i32_0 = arith.constant 0 : i32
    return %c0_i32 : i32
  }
  func.func @transform_1(%arg0: i32) -> (i32, i32) {
    %c0_i32 = arith.constant 0 : i32
    %c0_i32_0 = arith.constant 0 : i32
    return %arg0, %c0_i32 : i32, i32
  }
  func.func @transform_2(%arg0: i32) -> (i32, i32) {
    %c0_i32 = arith.constant 0 : i32
    %c0_i32_0 = arith.constant 0 : i32
    return %arg0, %c0_i32 : i32, i32
  }
  func.func @transform_3(%arg0: i32) -> (i32, i32) {
    %c0_i32 = arith.constant 0 : i32
    %c0_i32_0 = arith.constant 0 : i32
    return %arg0, %c0_i32 : i32, i32
  }
  func.func @transform_4(%arg0: i32) -> (i32, i32) {
    %c0_i32 = arith.constant 0 : i32
    %c0_i32_0 = arith.constant 0 : i32
    %c0_i32_1 = arith.constant 0 : i32
    return %c0_i32, %c0_i32_0 : i32, i32
  }
  func.func @transform_5(%arg0: i32) -> (i32, i32) {
    %c0_i32 = arith.constant 0 : i32
    %c0_i32_0 = arith.constant 0 : i32
    %c0_i32_1 = arith.constant 0 : i32
    return %c0_i32, %c0_i32_0 : i32, i32
  }
  func.func @transform_6(%arg0: i32) -> (i32, i32) {
    %c0_i32 = arith.constant 0 : i32
    %c0_i32_0 = arith.constant 0 : i32
    %c0_i32_1 = arith.constant 0 : i32
    return %c0_i32, %c0_i32_0 : i32, i32
  }
  func.func @transform_7(%arg0: i32) -> (i32, i32) {
    %c0_i32 = arith.constant 0 : i32
    %c0_i32_0 = arith.constant 0 : i32
    %c0_i32_1 = arith.constant 0 : i32
    return %c0_i32, %c0_i32_0 : i32, i32
  }
  func.func @transform_8(%arg0: i32) -> (i32, i32) {
    %c0_i32 = arith.constant 0 : i32
    %c0_i32_0 = arith.constant 0 : i32
    return %arg0, %c0_i32 : i32, i32
  }
}

module attributes {stable_mosaic.version = 14 : i64} {
  func.func @_final_body(%arg0: memref<128x128xf32, #tpu.memory_space<vmem>>, %arg1: memref<128x128xf32, #tpu.memory_space<vmem>>, %arg2: memref<128x128xf32, #tpu.memory_space<vmem>>, %arg3: memref<1x128xf32, #tpu.memory_space<vmem>>, %arg4: memref<128x1xf32, #tpu.memory_space<vmem>>, %arg5: memref<1x1xf32, #tpu.memory_space<vmem>>, %arg6: memref<128x1xf32, #tpu.memory_space<vmem>>) attributes {dimension_semantics = [], scalar_prefetch = 0 : i64, scratch_operands = 0 : i64, tpu.core_type = #tpu.core_type<tc>} {
    %get3A = arith.constant 0 : index
    %get3A_0 = arith.constant 0 : index
    %get3A_1 = vector.load %arg0[%get3A, %get3A_0] : memref<128x128xf32, #tpu.memory_space<vmem>>, vector<128x128xf32>
    %get3A_2 = arith.constant 0 : index
    %get3A_3 = arith.constant 0 : index
    %get3A_4 = vector.load %arg1[%get3A_2, %get3A_3] : memref<128x128xf32, #tpu.memory_space<vmem>>, vector<128x128xf32>
    %add3A = arith.addf %get3A_1, %get3A_4 : vector<128x128xf32>
    %get3A_5 = arith.constant 0 : index
    %get3A_6 = arith.constant 0 : index
    %get3A_7 = vector.load %arg2[%get3A_5, %get3A_6] : memref<128x128xf32, #tpu.memory_space<vmem>>, vector<128x128xf32>
    %dot_general3A = arith.constant dense<0.000000e+00> : vector<128x128xf32>
    %dot_general3A_8 = tpu.matmul %add3A, %get3A_7, %dot_general3A {dimension_numbers = #tpu.dot_dimension_numbers<[1], [0], [0], [1], [0, 0, 1, 1], [], []>, transpose_lhs_hint = false} : vector<128x128xf32>, vector<128x128xf32>, vector<128x128xf32> -> vector<128x128xf32>
    %get3A_9 = arith.constant 0 : index
    %get3A_10 = arith.constant 0 : index
    %get3A_11 = vector.load %arg3[%get3A_9, %get3A_10] : memref<1x128xf32, #tpu.memory_space<vmem>>, vector<1x128xf32>
    %add3A_12 = vector.broadcast %get3A_11 : vector<1x128xf32> to vector<128x128xf32>
    %add3A_13 = arith.addf %dot_general3A_8, %add3A_12 : vector<128x128xf32>
    %max3A = arith.constant 0.000000e+00 : f32
    %max3A_14 = vector.broadcast %max3A : f32 to vector<128x128xf32>
    %max3A_15 = arith.maximumf %add3A_13, %max3A_14 : vector<128x128xf32>
    %get3A_16 = arith.constant 0 : index
    %get3A_17 = arith.constant 0 : index
    %get3A_18 = vector.load %arg4[%get3A_16, %get3A_17] : memref<128x1xf32, #tpu.memory_space<vmem>>, vector<128x1xf32>
    %dot_general3A_19 = arith.constant dense<0.000000e+00> : vector<128x1xf32>
    %dot_general3A_20 = tpu.matmul %max3A_15, %get3A_18, %dot_general3A_19 {dimension_numbers = #tpu.dot_dimension_numbers<[1], [0], [0], [1], [0, 0, 1, 1], [], []>, transpose_lhs_hint = false} : vector<128x128xf32>, vector<128x1xf32>, vector<128x1xf32> -> vector<128x1xf32>
    %get3A_21 = arith.constant 0 : index
    %get3A_22 = arith.constant 0 : index
    %get3A_23 = vector.load %arg5[%get3A_21, %get3A_22] : memref<1x1xf32, #tpu.memory_space<vmem>>, vector<1x1xf32>
    %add3A_24 = vector.broadcast %get3A_23 : vector<1x1xf32> to vector<128x1xf32>
    %add3A_25 = arith.addf %dot_general3A_20, %add3A_24 : vector<128x1xf32>
    %swap3A = arith.constant 0 : index
    %swap3A_26 = arith.constant 0 : index
    %swap3A_27 = vector.load %arg6[%swap3A, %swap3A_26] : memref<128x1xf32, #tpu.memory_space<vmem>>, vector<128x1xf32>
    tpu.vector_store %arg6[%swap3A, %swap3A_26], %add3A_25 {strides = array<i32>} : memref<128x1xf32, #tpu.memory_space<vmem>>, vector<128x1xf32>,
    return
  }
}

</mosaic_0001>

<sc_bundles>
// kernel: kernel.10.cloned.1.call-start
scs
__scs_entry_jumppad:
0x0: {  	(pc) =	sbr.rel $0x88, $3  }
0x1: {  	(tag) =	ssettag $0x0;
	lr =	simm.s32 $0x1  }
0x2: {  	[smem:$0x3F8B] =	sst lr;
	_ =	strace $0xD0000000  }
0x3: {  	_ = 	snop  }
0x4: {  	_ = 	snop  }
0x5: {  	_ = 	snop  }
0x6: {  	_ = 	snop  }
0x7: {  	_ = 	snop  }
__scs_overlays_trampoline_lowered:
0x8: {  	[smem:$0x3F9A] =	sst s0  }
0x9: {  	[smem:$0x3F9B] =	sst s1  }
0xa: {  	[smem:$0x3F9C] =	sst s2  }
0xb: {  	[smem:$0x3F9D] =	sst s3  }
0xc: {  	[smem:$0x3F9E] =	sst s4  }
0xd: {  	[smem:$0x3F9F] =	sst s5  }
0xe: {  	[smem:$0x3FA0] =	sst s6  }
0xf: {  	[smem:$0x3FA1] =	sst s7  }
0x10: {  	[smem:$0x3FA2] =	sst s8  }
0x11: {  	[smem:$0x3FA3] =	sst s9;
	s0 =	simm.s32 @!p0 $0x0  }
0x12: {  	s1 =	sld [smem:$0x3F89];
	s0 =	simm.s32 @p0 $0x1  }
0x13: {  	[smem:$0x3FA4] =	sst s0;
	s0 =	simm.s32 @!p1 $0x0  }
0x14: {  	s2 =	sld [smem:$0x3F88];
	s0 =	simm.s32 @p1 $0x1  }
0x15: {  	[smem:$0x3FA5] =	sst s0;
	s0 =	simm.s32 @!p2 $0x0  }
0x16: {  	s3 =	sld [smem:$0x3FDB];
	s0 =	simm.s32 @p2 $0x1  }
0x17: {  	s4 =	simm.s32 $0x1BF5;
	[smem:$0x3FA7] =	sst s0  }
0x18: {  	s0 =	sld [smem:$0x3F8A];
	_ =	swait.ge [sflag:s4], $0x0  }
0x19: {  	s7 =	sld [smem:$0x3F8B]  }
0x1a: {  	s8 =	sadd.s32 $0xFFFFE003, lr  }
0x1b: {  	s9 =	sadd.s32 $0xFFFFFEF7, lr;
	s5 =	simm.s32 $0xFFFFFFFF;
	p2 =	slt.u32 s8, $0xFFFFF086  }
0x1c: {  	p1 =	slt.u32 s9, $0xF7A;
	s5 =	simm.s32 @!p2 $0x0  }
0x1d: {  	s5 =	simm.s32 @p1 $0x1;
	p0 =	seq.s32 s7, s2  }
0x1e: {  	s7 =	smul.u32 @!p0 $0xF7A, s2;
	p2 =	seq.s32 @!p0 s5, $0x0  }
0x1f: {  	s9 =	smul.u32 $0xF7A, s1;
	s8 =	simm.s32 @!p0 $0x1BF5;
	p2 =	por !p2, p0  }
0x20: {  	[sflag:s8] =	ssyncset.s32 @!p0 $0xFFFFF086;
	s6 =	sadd.s32 @!p0 s3, s7;
	s7 =	simm.s32 @!p0 $0x108  }
0x21: {  	s3 =	sadd.s32 s3, s9;
	s6 =	sadd.s32 @!p0 $0x88, s6;
	s7 =	simm.s32 @p2 $0x1082  }
0x22: {  	[simem:s7], [sflag:s8] =	dma.local @!p0 [hbm:s6], $0xF7A  }
0x23: {  	s9 =	sor.u32 $0xD0000000, s2;
	s6 =	simm.s32 $0x108;
	_ =	swait.ge @!p0 [sflag:s8], $0x0  }
0x24: {  	s3 =	sadd.s32 $0x88, s3;
	s6 =	simm.s32 @!p1 $0x1082;
	[sflag:s4] =	ssyncset.s32 $0xFFFFF086  }
0x25: {  	[simem:s6], [sflag:s4] =	dma.local [hbm:s3], $0xF7A  }
0x26: {  	[smem:$0x3F8B] =	sst s1;
	(tag) =	ssettag s2;
	_ =	strace s9  }
0x27: {  	s1 =	sld [smem:$0x3F9B]  }
0x28: {  	s2 =	sld [smem:$0x3F9C]  }
0x29: {  	s4 =	sld [smem:$0x3F9E]  }
0x2a: {  	p0 =	seq.s32 s5, $0x0;
	s5 =	sld [smem:$0x3F9F]  }
0x2b: {  	s6 =	sld [smem:$0x3FA0]  }
0x2c: {  	s7 =	sld [smem:$0x3FA1]  }
0x2d: {  	s3 =	simm.s32 $0x108;
	s8 =	sld [smem:$0x3FA2]  }
0x2e: {  	s3 =	simm.s32 @!p0 $0x1082;
	s9 =	sld [smem:$0x3FA3]  }
0x2f: {  	lr =	sadd.s32 s0, s3;
	s0 =	sld [smem:$0x3F9A]  }
0x30: {  	s3 =	sld [smem:$0x3F9D]  }
0x31: {  	[smem:$0x3FA6] =	sst s10  }
0x32: {  	s10 =	sld [smem:$0x3FA4];
	_ =	sdelay $0x3  }
0x33: {  	p0 =	seq.s32 s10, $0x1;
	s10 =	sld [smem:$0x3FA6];
	_ =	sdelay $0x3  }
0x34: {  	[smem:$0x3FA6] =	sst s10  }
0x35: {  	s10 =	sld [smem:$0x3FA5];
	_ =	sdelay $0x3  }
0x36: {  	p1 =	seq.s32 s10, $0x1;
	s10 =	sld [smem:$0x3FA6];
	_ =	sdelay $0x3  }
0x37: {  	[smem:$0x3FA6] =	sst s10  }
0x38: {  	s10 =	sld [smem:$0x3FA7]  }
0x39: {  	_ = 	snop;
	(pc) =	sbr.ind lr, $3  }
0x3a: {  	_ = 	snop  }
0x3b: {  	_ = 	snop  }
0x3c: {  	p2 =	seq.s32 s10, $0x1;
	s10 =	sld [smem:$0x3FA6]  }
0x3d: {  	_ =	shalt  }
0x3e: {  	_ =	shalt  }
0x3f: {  	_ =	shalt  }
0x40: {  	_ =	shalt  }
0x41: {  	_ =	shalt  }
0x42: {  	_ =	shalt  }
0x43: {  	_ =	shalt  }
0x44: {  	_ =	shalt  }
0x45: {  	_ =	shalt  }
0x46: {  	_ =	shalt  }
0x47: {  	_ =	shalt  }
0x48: {  	_ =	shalt  }
0x49: {  	_ =	shalt  }
0x4a: {  	_ =	shalt  }
0x4b: {  	_ =	shalt  }
0x4c: {  	_ =	shalt  }
0x4d: {  	_ =	shalt  }
0x4e: {  	_ =	shalt  }
0x4f: {  	_ =	shalt  }
0x50: {  	_ =	shalt  }
0x51: {  	_ =	shalt  }
0x52: {  	_ =	shalt  }
0x53: {  	_ =	shalt  }
0x54: {  	_ =	shalt  }
0x55: {  	_ =	shalt  }
0x56: {  	_ =	shalt  }
0x57: {  	_ =	shalt  }
0x58: {  	_ =	shalt  }
0x59: {  	_ =	shalt  }
0x5a: {  	_ =	shalt  }
0x5b: {  	_ =	shalt  }
0x5c: {  	_ =	shalt  }
0x5d: {  	_ =	shalt  }
0x5e: {  	_ =	shalt  }
0x5f: {  	_ =	shalt  }
0x60: {  	_ =	shalt  }
0x61: {  	_ =	shalt  }
0x62: {  	_ =	shalt  }
0x63: {  	_ =	shalt  }
0x64: {  	_ =	shalt  }
0x65: {  	_ =	shalt  }
0x66: {  	_ =	shalt  }
0x67: {  	_ =	shalt  }
0x68: {  	_ =	shalt  }
0x69: {  	_ =	shalt  }
0x6a: {  	_ =	shalt  }
0x6b: {  	_ =	shalt  }
0x6c: {  	_ =	shalt  }
0x6d: {  	_ =	shalt  }
0x6e: {  	_ =	shalt  }
0x6f: {  	_ =	shalt  }
0x70: {  	_ =	shalt  }
0x71: {  	_ =	shalt  }
0x72: {  	_ =	shalt  }
0x73: {  	_ =	shalt  }
0x74: {  	_ =	shalt  }
0x75: {  	_ =	shalt  }
0x76: {  	_ =	shalt  }
0x77: {  	_ =	shalt  }
0x78: {  	_ =	shalt  }
0x79: {  	_ =	shalt  }
0x7a: {  	_ =	shalt  }
0x7b: {  	_ =	shalt  }
0x7c: {  	_ =	shalt  }
0x7d: {  	_ =	shalt  }
0x7e: {  	_ =	shalt  }
0x7f: {  	_ =	shalt  }
0x80: {  	_ =	shalt  }
0x81: {  	_ =	shalt  }
0x82: {  	_ =	shalt  }
0x83: {  	_ =	shalt  }
0x84: {  	_ =	shalt  }
0x85: {  	_ =	shalt  }
0x86: {  	_ =	shalt  }
0x87: {  	_ =	shalt  }
.Lfunc_end0:
.L_simem_size_0:
called_computation_lowered:
.L_overlay_start_0:
0x88: {  	s2 =	sld [smem:$0x3FD9]  }
0x89: {  	s3 =	sld [smem:$0x3FFE];
	_ =	sdelay $0x1  }
0x8a: {  	s1 =	srdreg.scid  }
0x8b: {  	s0 =	sand.u32 $0x1, s1  }
0x8c: {  	s16 =	sshll.u32 s0, $0xA;
	s2 =	sadd.s32 s3, s2  }
0x8d: {  	s2 =	sadd.s32 s2, s16  }
0x8e: {  	[smem:$0x3FB2] =	sst s2  }
0x8f: {  	_ = 	snop  }
0x90: {  	(tm) =	ssettm $0x1  }
0x91: {  	s17 =	sld [smem:$0x3FFB];
	_ =	sdelay $0x3  }
0x92: {  	_ =	strace s17  }
0x93: {  	s2 =	sld [smem:$0x3FFC];
	_ =	sdelay $0x3  }
0x94: {  	_ =	strace s2  }
0x95: {  	s2 =	sld [smem:$0x3FFD];
	_ =	sdelay $0x3  }
0x96: {  	_ =	strace s2  }
0x97: {  	_ =	strace $0x8FFFFFFF  }
0x98: {  	s18 =	sld [smem:$0x3FDB];
	_ =	sdelay $0x1  }
0x99: {  	s19 =	simm.s32 $_scs_section_size  }
0x9a: {  	s4 =	simm.s32 $_size__tile_overlayer_lowered;
	s5 =	simm.s32 $_tile_overlayer_lowered  }
0x9b: {  	s22 =	simm.s32 $0x1BFF;
	s21 =	sshll.u32 s5, $0x1;
	s2 =	sadd.s32 s19, s18  }
0x9c: {  	s6 =	simm.s32 $0x0;
	s20 =	sshll.u32 s4, $0x1;
	s4 =	sadd.s32 s21, s2  }
0x9d: {  	[timem:s6], [sflag:s22] =	dma.local [hbm:s4], s20  }
0x9e: {  	_ =	swait.ge [sflag:s22], s20  }
0x9f: {  	s3 =	ssub.s32 $0x0, s20;
	[sflag:s22] =	ssyncset.done $0x0  }
0xa0: {  	[sflag:s22] =	ssyncadd.s32 s3;
	_ =	sdelay $0x1  }
0xa1: {  	s23 =	simm.s32 $0x1B8B  }
0xa2: {  	_ =	swait.ge [sflag:s23], $0x1  }
0xa3: {  	[sflag:s23] =	ssyncset.done $0x0  }
0xa4: {  	s25 =	simm.s32 $0x1B8E;
	s24 =	sld [smem:$0x3FFE];
	[sflag:s23] =	ssyncadd.s32 $0xFFFFFFFF  }
0xa5: {  	s26 =	simm.s32 $execute0_lowered;
	[smem:$0x3FD2] =	sst s25  }
0xa6: {  	s4 =	sshll.u32 s26, $0x1;
	_ =	strace $0x80000046;
	[dreg:$0x1] =	wrdreg $0xFFFFFFFF  }
0xa7: {  	s28 =	simm.s32 $_size_execute0_lowered;
	s2 =	sadd.s32 s2, s4;
	[dreg:$0x0] =	wrdreg $0x0  }
0xa8: {  	s4 =	sshll.u32 s28, $0x1;
	[dreg:$0x2] =	wrdreg s2  }
0xa9: {  	[dreg:$0x3] =	wrdreg s4  }
0xaa: {  	[dreg:$0x4] =	wrdreg $0xC0  }
0xab: {  	_ =	task [dreg:s6], $0x5FFFF  }
0xac: {  	[dreg:$0x1] =	wrdreg $0xFFFFFFFF  }
0xad: {  	[dreg:$0x0] =	wrdreg $0x60  }
0xae: {  	[dreg:$0x2] =	wrdreg s24  }
0xaf: {  	[dreg:$0x3] =	wrdreg $0x9F000  }
0xb0: {  	[dreg:$0x4] =	wrdreg $0x9  }
0xb1: {  	_ =	task.clear_ibuf [dreg:s6], $0x5FFFF;
	_ =	strace $0x90000046  }
0xb2: {  	s29 =	simm.s32 $0x9;
	_ =	strace $0x80000048  }
0xb3: {  	_ =	swait.ge [sflag:s29], $0x1  }
0xb4: {  	[sflag:s29] =	ssyncadd.s32 $0xFFFFFFFF  }
0xb5: {  	_ =	strace $0x90000048  }
0xb6: {  	_ =	sfence  }
0xb7: {  	s30 =	sld [smem:$0x0];
	_ =	sdelay $0x2  }
0xb8: {  	s31 =	sshll.u32 s1, $0xD;
	s1 =	sshrl.u32 s1, $0x2  }
0xb9: {  	s3 =	sand.u32 $0x4000, s31;
	s1 =	sadd.s32 s1, s30  }
0xba: {  	s0 =	sor.u32 s3, s0;
	s1 =	sshll.u32 s1, $0x11  }
0xbb: {  	s0 =	sor.u32 s1, s0  }
0xbc: {  	s0 =	sadd.s32 $0x8F2B, s0  }
0xbd: {  	[sflag:s0] =	ssyncadd.remote.s32 $0x1  }
0xbe: {  	_ =	sfence.sel $0xFFFF  }
0xbf: {  	[dreg:$0x0] =	wrdreg $0xFFFFFFFF;
	(pc) =	sbr.abs _section_cstart, $3  }
0xc0: {  	[dreg:$0x1] =	wrdreg $0xFFFFFFFF  }
0xc1: {  	_ =	task.clear_ibuf [dreg:s6], $0x2FFFF;
	_ =	strace $0x9FFFFFFF  }
0xc2: {  	(tm) =	ssettm $0x7FFFFFFF  }
0xc3: {  	_ =	shalt  }
tec
execute0_lowered:
.L_overlay_start_1:
0x0: {  	(tag) =	ssettag $0x1  }
0x1: {  	s0 =	rddreg [dreg:$0x0]  }
0x2: {  	s1 =	rddreg [dreg:$0x1]  }
0x3: {  	s2 =	srdreg.scid;
	s3 =	simm.s32 $0x0;
	s30 =	stileid.u32  }
0x4: {  	s17 =	simm.s32 $0x3;
	s18 =	simm.s32 $0x2780;
	s19 =	simm.s32 $0x4F00  }
0x5: {  	s20 =	simm.s32 $0x50;
	s21 =	simm.s32 $0x7700;
	s22 =	simm.s32 $0x1  }
0x6: {  	s23 =	simm.s32 $0x2;
	s24 =	simm.s32 $0x4DA0;
	s25 =	simm.s32 $0x26C0  }
0x7: {  	s26 =	simm.s32 $0x4DF0;
	s28 =	simm.s32 $0x4E40;
	s8 =	smul.u32 $0x14000, s30  }
0x8: {  	s29 =	simm.s32 $0x0;
	s5 =	sand.u32 $0x1, s2;
	s31 =	smul.u32 $0x50000, s30  }
0x9: {  	[smem:$0x7FF] =	sst s3;
	s4 =	sshll.u32 s5, $0x4;
	s6 =	smul.u32 $0x140000, s5  }
0xa: {  	_ =	strace $0x80000047;
	s5 =	ssub.s32 $0x2, s5;
	s7 =	sor.u32 s30, s4  }
0xb: {  	s9 =	sshrl.u32 s5, $0x1;
	s7 =	smul.u32 $0x4E2, s7;
	s6 =	sadd.s32 s8, s6  }
0xc: {  	s4 =	sadd.s32 $0x18E00, s0;
	s16 =	ssub.s32 s5, s9;
	s6 =	sshrl.u32 s6, $0x3  }
0xd: {  	s8 =	sshrl.u32 s31, $0x2;
	s7 =	sadd.s32 s7, s0;
	s0 =	sadd.s32 s6, s0  }
0xe: {  	s5 =	sadd.s32 $0xF000, s7;
	s6 =	sadd.s32 $0x5200, s7;
	s7 =	sadd.s32 s8, s1  }
0xf: {  	s16 =	smax.u32 s16, $0x1;
	s15 =	sadd.s32 $0x40E00, s0;
	s8 =	sadd.s32 $0x2800, s7  }
0x10: {  	s9 =	sadd.s32 $0x5000, s7;
	s10 =	sadd.s32 $0x7800, s7;
	s11 =	sadd.s32 $0xA000, s7  }
0x11: {  	v0 =	vimm.f32 $0.0e+00;
	s12 =	sadd.s32 $0xC800, s7;
	s13 =	sadd.s32 $0xF000, s7;
	s14 =	sadd.s32 $0x11800, s7  }
.LBB2_1:
0x12: {  	[tilespmem:s3], [sflag:$0x3] =	stream.linear.gather [hbm4b:s5+s3], $0x2710, $0x38;
	[tilespmem:$0x1DF00] =	vst v63  }
0x13: {  	_ =	swait.ge [sflag:s17], $0x2710  }
0x14: {  	[sflag:s17] =	ssyncset.done $0x0  }
0x15: {  	[sflag:s17] =	ssyncadd.s32 $0xFFFFD8F0  }
0x16: {  	[tilespmem:s18], [sflag:$0x3] =	stream.linear.gather [hbm4b:s6+s3], $0x2710, $0x38;
	[tilespmem:$0x1DF00] =	vst v63  }
0x17: {  	s0 =	sand.u32 $0xFE00, s3;
	s31 =	sand.u32 $0x70, s3;
	_ =	swait.ge [sflag:s17], $0x2710  }
0x18: {  	s30 =	simm.s32 $0x40;
	s0 =	sshrl.u32 s0, $0x2;
	[sflag:s17] =	ssyncset.done $0x0  }
0x19: {  	s0 =	sor.u32 s31, s0;
	s31 =	simm.s32 $0x0;
	[sflag:s17] =	ssyncadd.s32 $0xFFFFD8F0  }
.LBB2_2:
0x1a: {  	p0 =	sne.s32 s30, $0x9FC0  }
0x1b: {  	[tilespmem:s0+$0x4F00] =	vst v0;
	s31 =	sadd.s32 $0x10, s31;
	s0 =	smov.u32 s30;
	s30 =	sadd.s32 $0x40, s30  }
.Ltmp0:
0x1c: {  	(pc) =	sbr.rel @p0 .LBB2_2-.Ltmp0, $4  }
0x1d: {  	_ = 	snop  }
0x1e: {  	s0 =	sand.u32 $0xFE00, s0  }
0x1f: {  	s2 =	sand.u32 $0x70, s31;
	s0 =	sshrl.u32 s0, $0x2  }
0x20: {  	s0 =	sor.u32 s2, s0  }
0x21: {  	[tilespmem:s0+$0x4F00] =	vst v0  }
0x22: {  	[spmem:s7] =	stream.linear.scatter [tilespmem:s19], [sflag:$0x3], $0x2800, $0x38;
	[tilespmem:$0x1DF00] =	vst v63  }
0x23: {  	_ =	swait.ge [sflag:s17], $0x2800  }
0x24: {  	[sflag:s17] =	ssyncset.done $0x0  }
0x25: {  	[sflag:s17] =	ssyncadd.s32 $0xFFFFD800  }
0x26: {  	[spmem:s8] =	stream.linear.scatter [tilespmem:s19], [sflag:$0x3], $0x2800, $0x38;
	[tilespmem:$0x1DF00] =	vst v63  }
0x27: {  	_ =	swait.ge [sflag:s17], $0x2800  }
0x28: {  	[sflag:s17] =	ssyncset.done $0x0  }
0x29: {  	[sflag:s17] =	ssyncadd.s32 $0xFFFFD800  }
0x2a: {  	[spmem:s9] =	stream.linear.scatter [tilespmem:s19], [sflag:$0x3], $0x2800, $0x38;
	[tilespmem:$0x1DF00] =	vst v63  }
0x2b: {  	_ =	swait.ge [sflag:s17], $0x2800  }
0x2c: {  	[sflag:s17] =	ssyncset.done $0x0  }
0x2d: {  	[sflag:s17] =	ssyncadd.s32 $0xFFFFD800  }
0x2e: {  	[spmem:s10] =	stream.linear.scatter [tilespmem:s19], [sflag:$0x3], $0x2800, $0x38;
	[tilespmem:$0x1DF00] =	vst v63  }
0x2f: {  	_ =	swait.ge [sflag:s17], $0x2800  }
0x30: {  	[sflag:s17] =	ssyncset.done $0x0  }
0x31: {  	[sflag:s17] =	ssyncadd.s32 $0xFFFFD800  }
0x32: {  	[spmem:s11] =	stream.linear.scatter [tilespmem:s19], [sflag:$0x3], $0x2800, $0x38;
	[tilespmem:$0x1DF00] =	vst v63  }
0x33: {  	_ =	swait.ge [sflag:s17], $0x2800  }
0x34: {  	[sflag:s17] =	ssyncset.done $0x0  }
0x35: {  	[sflag:s17] =	ssyncadd.s32 $0xFFFFD800  }
0x36: {  	[spmem:s12] =	stream.linear.scatter [tilespmem:s19], [sflag:$0x3], $0x2800, $0x38;
	[tilespmem:$0x1DF00] =	vst v63  }
0x37: {  	_ =	swait.ge [sflag:s17], $0x2800  }
0x38: {  	[sflag:s17] =	ssyncset.done $0x0  }
0x39: {  	[sflag:s17] =	ssyncadd.s32 $0xFFFFD800  }
0x3a: {  	[spmem:s13] =	stream.linear.scatter [tilespmem:s19], [sflag:$0x3], $0x2800, $0x38;
	[tilespmem:$0x1DF00] =	vst v63  }
0x3b: {  	_ =	swait.ge [sflag:s17], $0x2800  }
0x3c: {  	[sflag:s17] =	ssyncset.done $0x0  }
0x3d: {  	[sflag:s17] =	ssyncadd.s32 $0xFFFFD800  }
0x3e: {  	[spmem:s14] =	stream.linear.scatter [tilespmem:s19], [sflag:$0x3], $0x2800, $0x38;
	[tilespmem:$0x1DF00] =	vst v63  }
0x3f: {  	_ =	swait.ge [sflag:s17], $0x2800  }
0x40: {  	[sflag:s17] =	ssyncset.done $0x0  }
0x41: {  	[sflag:s17] =	ssyncadd.s32 $0xFFFFD800  }
0x42: {  	s2 =	simm.s32 $0x0;
	[bflag:$0x0] =	sbarrier.arrive $0xFFFF  }
0x43: {  	[tilespmem:s19], [sflag:$0x1] =	stream.indirect.gather [hbm4b:s4+s20], $0x80, s2, s20, $0xb8;
	[tilespmem:$0x1DF00] =	vst v63  }
0x44: {  	_ = 	snop  }
0x45: {  	[tilespmem:s21], [sflag:$0x2] =	stream.indirect.gather [hbm4b:s4+s20], $0x80, s20, s20, $0xb8;
	[tilespmem:$0x1DF00] =	vst v63  }
0x46: {  	_ =	swait.ge [sflag:s22], $0x2800  }
0x47: {  	[sflag:s22] =	ssyncset.done $0x0  }
0x48: {  	s31 =	simm.s32 $0x2780;
	[sflag:s22] =	ssyncadd.s32 $0xFFFFD800  }
0x49: {  	[spmem:s1] =	stream.indirect.scatter.add.f32 [tilespmem:s19], [sflag:$0x3], $0x80, s31, s20, $0xb8;
	[tilespmem:$0x1DF00] =	vst v63  }
0x4a: {  	_ =	swait.ge [sflag:s17], $0x2800  }
0x4b: {  	[sflag:s17] =	ssyncset.done $0x0  }
0x4c: {  	s2 =	simm.s32 $0xA0;
	[sflag:s17] =	ssyncadd.s32 $0xFFFFD800  }
0x4d: {  	[tilespmem:s19], [sflag:$0x1] =	stream.indirect.gather [hbm4b:s4+s20], $0x80, s2, s20, $0xb8;
	[tilespmem:$0x1DF00] =	vst v63  }
0x4e: {  	_ =	swait.ge [sflag:s23], $0x2800  }
0x4f: {  	[sflag:s23] =	ssyncset.done $0x0  }
0x50: {  	s31 =	simm.s32 $0x27D0;
	[sflag:s23] =	ssyncadd.s32 $0xFFFFD800  }
0x51: {  	[spmem:s1] =	stream.indirect.scatter.add.f32 [tilespmem:s21], [sflag:$0x3], $0x80, s31, s20, $0xb8;
	[tilespmem:$0x1DF00] =	vst v63  }
0x52: {  	_ =	swait.ge [sflag:s17], $0x2800  }
0x53: {  	[sflag:s17] =	ssyncset.done $0x0  }
0x54: {  	s30 =	simm.s32 $0x280;
	s0 =	simm.s32 $0xF0;
	[sflag:s17] =	ssyncadd.s32 $0xFFFFD800  }
.LBB2_4:
0x55: {  	[tilespmem:s21], [sflag:$0x2] =	stream.indirect.gather [hbm4b:s4+s20], $0x80, s0, s20, $0xb8;
	[tilespmem:$0x1DF00] =	vst v63  }
0x56: {  	s0 =	smov.u32 s30  }
0x57: {  	p0 =	sne.s32 s30, $0x9600;
	s30 =	sadd.s32 $0x280, s30;
	_ =	swait.ge [sflag:s22], $0x2800  }
0x58: {  	s0 =	sshra.s32 s0, $0x2;
	[sflag:s22] =	ssyncset.done $0x0  }
0x59: {  	s2 =	sadd.s32 $0x2780, s0;
	[sflag:s22] =	ssyncadd.s32 $0xFFFFD800  }
0x5a: {  	[spmem:s1] =	stream.indirect.scatter.add.f32 [tilespmem:s19], [sflag:$0x3], $0x80, s2, s20, $0xb8;
	[tilespmem:$0x1DF00] =	vst v63  }
0x5b: {  	_ =	swait.ge [sflag:s17], $0x2800  }
0x5c: {  	[sflag:s17] =	ssyncset.done $0x0  }
0x5d: {  	s2 =	sadd.s32 $0xA0, s0;
	[sflag:s17] =	ssyncadd.s32 $0xFFFFD800  }
0x5e: {  	[tilespmem:s19], [sflag:$0x1] =	stream.indirect.gather [hbm4b:s4+s20], $0x80, s2, s20, $0xb8;
	[tilespmem:$0x1DF00] =	vst v63  }
0x5f: {  	_ =	swait.ge [sflag:s23], $0x2800  }
0x60: {  	[sflag:s23] =	ssyncset.done $0x0  }
.Ltmp1:
0x61: {  	s2 =	sadd.s32 $0x27D0, s0;
	[sflag:s23] =	ssyncadd.s32 $0xFFFFD800;
	(pc) =	sbr.rel @p0 .LBB2_4-.Ltmp1, $4  }
0x62: {  	[spmem:s1] =	stream.indirect.scatter.add.f32 [tilespmem:s21], [sflag:$0x3], $0x80, s2, s20, $0xb8;
	[tilespmem:$0x1DF00] =	vst v63  }
0x63: {  	_ =	swait.ge [sflag:s17], $0x2800  }
0x64: {  	[sflag:s17] =	ssyncset.done $0x0  }
0x65: {  	s0 =	sadd.s32 $0xF0, s0;
	[sflag:s17] =	ssyncadd.s32 $0xFFFFD800  }
0x66: {  	[tilespmem:s21], [sflag:$0x2] =	stream.indirect.gather [hbm4b:s4+s20], $0x80, s0, s20, $0xb8;
	[tilespmem:$0x1DF00] =	vst v63  }
0x67: {  	_ =	swait.ge [sflag:s22], $0x2800  }
0x68: {  	[sflag:s22] =	ssyncset.done $0x0  }
0x69: {  	[sflag:s22] =	ssyncadd.s32 $0xFFFFD800  }
0x6a: {  	[spmem:s1] =	stream.indirect.scatter.add.f32 [tilespmem:s19], [sflag:$0x3], $0x80, s24, s20, $0xb8;
	[tilespmem:$0x1DF00] =	vst v63  }
0x6b: {  	_ =	swait.ge [sflag:s17], $0x2800  }
0x6c: {  	[sflag:s17] =	ssyncset.done $0x0  }
0x6d: {  	[sflag:s17] =	ssyncadd.s32 $0xFFFFD800  }
0x6e: {  	[tilespmem:s19], [sflag:$0x1] =	stream.indirect.gather [hbm4b:s4+s20], $0x80, s25, s20, $0xb8;
	[tilespmem:$0x1DF00] =	vst v63  }
0x6f: {  	_ =	swait.ge [sflag:s23], $0x2800  }
0x70: {  	[sflag:s23] =	ssyncset.done $0x0  }
0x71: {  	[sflag:s23] =	ssyncadd.s32 $0xFFFFD800  }
0x72: {  	[spmem:s1] =	stream.indirect.scatter.add.f32 [tilespmem:s21], [sflag:$0x3], $0x80, s26, s20, $0xb8;
	[tilespmem:$0x1DF00] =	vst v63  }
0x73: {  	_ =	swait.ge [sflag:s17], $0x2800  }
0x74: {  	[sflag:s17] =	ssyncset.done $0x0  }
0x75: {  	[sflag:s17] =	ssyncadd.s32 $0xFFFFD800  }
0x76: {  	_ =	swait.ge [sflag:s22], $0x2800  }
0x77: {  	[sflag:s22] =	ssyncset.done $0x0  }
0x78: {  	[sflag:s22] =	ssyncadd.s32 $0xFFFFD800  }
0x79: {  	[spmem:s1] =	stream.indirect.scatter.add.f32 [tilespmem:s19], [sflag:$0x3], $0x80, s28, s20, $0xb8;
	[tilespmem:$0x1DF00] =	vst v63  }
0x7a: {  	s31 =	stileid.u32;
	_ =	swait.ge [sflag:s17], $0x2800  }
0x7b: {  	s2 =	sshrl.u32 s7, $0x3;
	s29 =	sadd.s32 $0x1, s29;
	[sflag:s17] =	ssyncset.done $0x0  }
0x7c: {  	s0 =	sshll.u32 s31, $0x6;
	p0 =	sne.s32 s29, s16;
	[sflag:s17] =	ssyncadd.s32 $0xFFFFD800  }
.Ltmp2:
0x7d: {  	s0 =	sor.u32 $0x1C03, s0;
	[bflag:$0x0] =	sbarrier.arrive $0xFFFF;
	(pc) =	sbr.rel @p0 .LBB2_1-.Ltmp2, $4  }
0x7e: {  	[hbm:s15], [sflag:s0] =	dma.local [spmem:s2], $0x2800  }
0x7f: {  	_ =	swait.ge [sflag:s17], $0x2800  }
0x80: {  	[sflag:s17] =	ssyncset.done $0x0  }
0x81: {  	[sflag:s17] =	ssyncadd.s32 $0xFFFFD800  }
0x82: {  	_ =	sfence.sel $0x180000  }
0x83: {  	[bflag:$0x0] =	sbarrier.arrive $0xFFFF  }
0x84: {  	_ =	strace $0x90000047  }
0x85: {  	s0 =	stileid.u32;
	[bflag:$0x2] =	sbarrier.arrive $0xFFFF  }
0x86: {  	p0 =	sne.s32 s0, $0x0;
	s0 =	rddreg [dreg:$0x2]  }
0x87: {  	s0 =	sadd.s32 @!p0 $0x100000, s0  }
0x88: {  	[sflag:s0] =	ssyncadd.tile.s32 @!p0 $0x1;
	_ =	shalt  }
.Lfunc_end2:
_tile_overlayer_lowered:
.L_overlay_start_2:
0x89: {  	(tag) =	ssettag $0x2  }
0x8a: {  	s0 =	rddreg [dreg:$0x0];
	s2 =	stileid.u32  }
0x8b: {  	s1 =	rddreg [dreg:$0x1];
	p0 =	sne.s32 s2, $0x0  }
0x8c: {  	s3 =	rddreg [dreg:$0x2];
	[bflag:$0x3] =	sbarrier.arrive $0xFFFF;
	s2 =	simm.s32 @!p0 $0x1C03  }
0x8d: {  	[timem:s3], [sflag:s2] =	dma.local @!p0 [hbm:s0], s1  }
0x8e: {  	s0 =	simm.s32 @!p0 $0x3  }
0x8f: {  	_ =	swait.ge @!p0 [sflag:s0], s1  }
0x90: {  	s1 =	ssub.s32 @!p0 $0x0, s1;
	[sflag:s0] =	ssyncset.done @!p0 $0x0  }
0x91: {  	[sflag:s0] =	ssyncadd.s32 @!p0 s1  }
0x92: {  	[bflag:$0x3] =	sbarrier.arrive $0xFFFF  }
0x93: {  	_ =	shalt  }

// kernel: kernel.13.cloned.1.call-start
scs
__scs_entry_jumppad:
0x0: {  	(pc) =	sbr.rel $0x88, $3  }
0x1: {  	(tag) =	ssettag $0x0;
	lr =	simm.s32 $0x1  }
0x2: {  	[smem:$0x3F8B] =	sst lr;
	_ =	strace $0xD0000000  }
0x3: {  	_ = 	snop  }
0x4: {  	_ = 	snop  }
0x5: {  	_ = 	snop  }
0x6: {  	_ = 	snop  }
0x7: {  	_ = 	snop  }
__scs_overlays_trampoline_lowered:
0x8: {  	[smem:$0x3F9A] =	sst s0  }
0x9: {  	[smem:$0x3F9B] =	sst s1  }
0xa: {  	[smem:$0x3F9C] =	sst s2  }
0xb: {  	[smem:$0x3F9D] =	sst s3  }
0xc: {  	[smem:$0x3F9E] =	sst s4  }
0xd: {  	[smem:$0x3F9F] =	sst s5  }
0xe: {  	[smem:$0x3FA0] =	sst s6  }
0xf: {  	[smem:$0x3FA1] =	sst s7  }
0x10: {  	[smem:$0x3FA2] =	sst s8  }
0x11: {  	[smem:$0x3FA3] =	sst s9;
	s0 =	simm.s32 @!p0 $0x0  }
0x12: {  	s1 =	sld [smem:$0x3F89];
	s0 =	simm.s32 @p0 $0x1  }
0x13: {  	[smem:$0x3FA4] =	sst s0;
	s0 =	simm.s32 @!p1 $0x0  }
0x14: {  	s2 =	sld [smem:$0x3F88];
	s0 =	simm.s32 @p1 $0x1  }
0x15: {  	[smem:$0x3FA5] =	sst s0;
	s0 =	simm.s32 @!p2 $0x0  }
0x16: {  	s3 =	sld [smem:$0x3FDB];
	s0 =	simm.s32 @p2 $0x1  }
0x17: {  	s4 =	simm.s32 $0x1BF5;
	[smem:$0x3FA7] =	sst s0  }
0x18: {  	s0 =	sld [smem:$0x3F8A];
	_ =	swait.ge [sflag:s4], $0x0  }
0x19: {  	s7 =	sld [smem:$0x3F8B]  }
0x1a: {  	s8 =	sadd.s32 $0xFFFFE003, lr  }
0x1b: {  	s9 =	sadd.s32 $0xFFFFFEF7, lr;
	s5 =	simm.s32 $0xFFFFFFFF;
	p2 =	slt.u32 s8, $0xFFFFF086  }
0x1c: {  	p1 =	slt.u32 s9, $0xF7A;
	s5 =	simm.s32 @!p2 $0x0  }
0x1d: {  	s5 =	simm.s32 @p1 $0x1;
	p0 =	seq.s32 s7, s2  }
0x1e: {  	s7 =	smul.u32 @!p0 $0xF7A, s2;
	p2 =	seq.s32 @!p0 s5, $0x0  }
0x1f: {  	s9 =	smul.u32 $0xF7A, s1;
	s8 =	simm.s32 @!p0 $0x1BF5;
	p2 =	por !p2, p0  }
0x20: {  	[sflag:s8] =	ssyncset.s32 @!p0 $0xFFFFF086;
	s6 =	sadd.s32 @!p0 s3, s7;
	s7 =	simm.s32 @!p0 $0x108  }
0x21: {  	s3 =	sadd.s32 s3, s9;
	s6 =	sadd.s32 @!p0 $0x88, s6;
	s7 =	simm.s32 @p2 $0x1082  }
0x22: {  	[simem:s7], [sflag:s8] =	dma.local @!p0 [hbm:s6], $0xF7A  }
0x23: {  	s9 =	sor.u32 $0xD0000000, s2;
	s6 =	simm.s32 $0x108;
	_ =	swait.ge @!p0 [sflag:s8], $0x0  }
0x24: {  	s3 =	sadd.s32 $0x88, s3;
	s6 =	simm.s32 @!p1 $0x1082;
	[sflag:s4] =	ssyncset.s32 $0xFFFFF086  }
0x25: {  	[simem:s6], [sflag:s4] =	dma.local [hbm:s3], $0xF7A  }
0x26: {  	[smem:$0x3F8B] =	sst s1;
	(tag) =	ssettag s2;
	_ =	strace s9  }
0x27: {  	s1 =	sld [smem:$0x3F9B]  }
0x28: {  	s2 =	sld [smem:$0x3F9C]  }
0x29: {  	s4 =	sld [smem:$0x3F9E]  }
0x2a: {  	p0 =	seq.s32 s5, $0x0;
	s5 =	sld [smem:$0x3F9F]  }
0x2b: {  	s6 =	sld [smem:$0x3FA0]  }
0x2c: {  	s7 =	sld [smem:$0x3FA1]  }
0x2d: {  	s3 =	simm.s32 $0x108;
	s8 =	sld [smem:$0x3FA2]  }
0x2e: {  	s3 =	simm.s32 @!p0 $0x1082;
	s9 =	sld [smem:$0x3FA3]  }
0x2f: {  	lr =	sadd.s32 s0, s3;
	s0 =	sld [smem:$0x3F9A]  }
0x30: {  	s3 =	sld [smem:$0x3F9D]  }
0x31: {  	[smem:$0x3FA6] =	sst s10  }
0x32: {  	s10 =	sld [smem:$0x3FA4];
	_ =	sdelay $0x3  }
0x33: {  	p0 =	seq.s32 s10, $0x1;
	s10 =	sld [smem:$0x3FA6];
	_ =	sdelay $0x3  }
0x34: {  	[smem:$0x3FA6] =	sst s10  }
0x35: {  	s10 =	sld [smem:$0x3FA5];
	_ =	sdelay $0x3  }
0x36: {  	p1 =	seq.s32 s10, $0x1;
	s10 =	sld [smem:$0x3FA6];
	_ =	sdelay $0x3  }
0x37: {  	[smem:$0x3FA6] =	sst s10  }
0x38: {  	s10 =	sld [smem:$0x3FA7]  }
0x39: {  	_ = 	snop;
	(pc) =	sbr.ind lr, $3  }
0x3a: {  	_ = 	snop  }
0x3b: {  	_ = 	snop  }
0x3c: {  	p2 =	seq.s32 s10, $0x1;
	s10 =	sld [smem:$0x3FA6]  }
0x3d: {  	_ =	shalt  }
0x3e: {  	_ =	shalt  }
0x3f: {  	_ =	shalt  }
0x40: {  	_ =	shalt  }
0x41: {  	_ =	shalt  }
0x42: {  	_ =	shalt  }
0x43: {  	_ =	shalt  }
0x44: {  	_ =	shalt  }
0x45: {  	_ =	shalt  }
0x46: {  	_ =	shalt  }
0x47: {  	_ =	shalt  }
0x48: {  	_ =	shalt  }
0x49: {  	_ =	shalt  }
0x4a: {  	_ =	shalt  }
0x4b: {  	_ =	shalt  }
0x4c: {  	_ =	shalt  }
0x4d: {  	_ =	shalt  }
0x4e: {  	_ =	shalt  }
0x4f: {  	_ =	shalt  }
0x50: {  	_ =	shalt  }
0x51: {  	_ =	shalt  }
0x52: {  	_ =	shalt  }
0x53: {  	_ =	shalt  }
0x54: {  	_ =	shalt  }
0x55: {  	_ =	shalt  }
0x56: {  	_ =	shalt  }
0x57: {  	_ =	shalt  }
0x58: {  	_ =	shalt  }
0x59: {  	_ =	shalt  }
0x5a: {  	_ =	shalt  }
0x5b: {  	_ =	shalt  }
0x5c: {  	_ =	shalt  }
0x5d: {  	_ =	shalt  }
0x5e: {  	_ =	shalt  }
0x5f: {  	_ =	shalt  }
0x60: {  	_ =	shalt  }
0x61: {  	_ =	shalt  }
0x62: {  	_ =	shalt  }
0x63: {  	_ =	shalt  }
0x64: {  	_ =	shalt  }
0x65: {  	_ =	shalt  }
0x66: {  	_ =	shalt  }
0x67: {  	_ =	shalt  }
0x68: {  	_ =	shalt  }
0x69: {  	_ =	shalt  }
0x6a: {  	_ =	shalt  }
0x6b: {  	_ =	shalt  }
0x6c: {  	_ =	shalt  }
0x6d: {  	_ =	shalt  }
0x6e: {  	_ =	shalt  }
0x6f: {  	_ =	shalt  }
0x70: {  	_ =	shalt  }
0x71: {  	_ =	shalt  }
0x72: {  	_ =	shalt  }
0x73: {  	_ =	shalt  }
0x74: {  	_ =	shalt  }
0x75: {  	_ =	shalt  }
0x76: {  	_ =	shalt  }
0x77: {  	_ =	shalt  }
0x78: {  	_ =	shalt  }
0x79: {  	_ =	shalt  }
0x7a: {  	_ =	shalt  }
0x7b: {  	_ =	shalt  }
0x7c: {  	_ =	shalt  }
0x7d: {  	_ =	shalt  }
0x7e: {  	_ =	shalt  }
0x7f: {  	_ =	shalt  }
0x80: {  	_ =	shalt  }
0x81: {  	_ =	shalt  }
0x82: {  	_ =	shalt  }
0x83: {  	_ =	shalt  }
0x84: {  	_ =	shalt  }
0x85: {  	_ =	shalt  }
0x86: {  	_ =	shalt  }
0x87: {  	_ =	shalt  }
.Lfunc_end0:
.L_simem_size_0:
called_computation.1_lowered:
.L_overlay_start_0:
0x88: {  	s2 =	sld [smem:$0x3FD9]  }
0x89: {  	s3 =	sld [smem:$0x3FFE];
	_ =	sdelay $0x1  }
0x8a: {  	s1 =	srdreg.scid  }
0x8b: {  	s0 =	sand.u32 $0x1, s1  }
0x8c: {  	s16 =	sshll.u32 s0, $0xA;
	s2 =	sadd.s32 s3, s2  }
0x8d: {  	s2 =	sadd.s32 s2, s16  }
0x8e: {  	[smem:$0x3FB2] =	sst s2  }
0x8f: {  	_ = 	snop  }
0x90: {  	(tm) =	ssettm $0x1  }
0x91: {  	s17 =	sld [smem:$0x3FFB];
	_ =	sdelay $0x3  }
0x92: {  	_ =	strace s17  }
0x93: {  	s2 =	sld [smem:$0x3FFC];
	_ =	sdelay $0x3  }
0x94: {  	_ =	strace s2  }
0x95: {  	s2 =	sld [smem:$0x3FFD];
	_ =	sdelay $0x3  }
0x96: {  	_ =	strace s2  }
0x97: {  	_ =	strace $0x8FFFFFFF  }
0x98: {  	s18 =	sld [smem:$0x3FDB];
	_ =	sdelay $0x1  }
0x99: {  	s19 =	simm.s32 $_scs_section_size  }
0x9a: {  	s4 =	simm.s32 $_size__tile_overlayer_lowered;
	s5 =	simm.s32 $_tile_overlayer_lowered  }
0x9b: {  	s22 =	simm.s32 $0x1BFF;
	s21 =	sshll.u32 s5, $0x1;
	s2 =	sadd.s32 s19, s18  }
0x9c: {  	s6 =	simm.s32 $0x0;
	s20 =	sshll.u32 s4, $0x1;
	s4 =	sadd.s32 s21, s2  }
0x9d: {  	[timem:s6], [sflag:s22] =	dma.local [hbm:s4], s20  }
0x9e: {  	_ =	swait.ge [sflag:s22], s20  }
0x9f: {  	s3 =	ssub.s32 $0x0, s20;
	[sflag:s22] =	ssyncset.done $0x0  }
0xa0: {  	[sflag:s22] =	ssyncadd.s32 s3;
	_ =	sdelay $0x1  }
0xa1: {  	s23 =	simm.s32 $0x1B8B  }
0xa2: {  	_ =	swait.ge [sflag:s23], $0x1  }
0xa3: {  	[sflag:s23] =	ssyncset.done $0x0  }
0xa4: {  	s25 =	simm.s32 $0x1B8E;
	s24 =	sld [smem:$0x3FFE];
	[sflag:s23] =	ssyncadd.s32 $0xFFFFFFFF  }
0xa5: {  	s26 =	simm.s32 $execute0_lowered;
	[smem:$0x3FD2] =	sst s25  }
0xa6: {  	s4 =	sshll.u32 s26, $0x1;
	_ =	strace $0x80000049;
	[dreg:$0x1] =	wrdreg $0xFFFFFFFF  }
0xa7: {  	s28 =	simm.s32 $_size_execute0_lowered;
	s2 =	sadd.s32 s2, s4;
	[dreg:$0x0] =	wrdreg $0x0  }
0xa8: {  	s4 =	sshll.u32 s28, $0x1;
	[dreg:$0x2] =	wrdreg s2  }
0xa9: {  	[dreg:$0x3] =	wrdreg s4  }
0xaa: {  	[dreg:$0x4] =	wrdreg $0xC0  }
0xab: {  	_ =	task [dreg:s6], $0x5FFFF  }
0xac: {  	[dreg:$0x1] =	wrdreg $0xFFFFFFFF  }
0xad: {  	[dreg:$0x0] =	wrdreg $0x60  }
0xae: {  	[dreg:$0x2] =	wrdreg s24  }
0xaf: {  	[dreg:$0x3] =	wrdreg $0x9F000  }
0xb0: {  	[dreg:$0x4] =	wrdreg $0x9  }
0xb1: {  	_ =	task.clear_ibuf [dreg:s6], $0x5FFFF;
	_ =	strace $0x90000049  }
0xb2: {  	s29 =	simm.s32 $0x9;
	_ =	strace $0x8000004B  }
0xb3: {  	_ =	swait.ge [sflag:s29], $0x1  }
0xb4: {  	[sflag:s29] =	ssyncadd.s32 $0xFFFFFFFF  }
0xb5: {  	_ =	strace $0x9000004B  }
0xb6: {  	_ =	sfence  }
0xb7: {  	s30 =	sld [smem:$0x0];
	_ =	sdelay $0x2  }
0xb8: {  	s31 =	sshll.u32 s1, $0xD;
	s1 =	sshrl.u32 s1, $0x2  }
0xb9: {  	s3 =	sand.u32 $0x4000, s31;
	s1 =	sadd.s32 s1, s30  }
0xba: {  	s0 =	sor.u32 s3, s0;
	s1 =	sshll.u32 s1, $0x11  }
0xbb: {  	s0 =	sor.u32 s1, s0  }
0xbc: {  	s0 =	sadd.s32 $0x8F2B, s0  }
0xbd: {  	[sflag:s0] =	ssyncadd.remote.s32 $0x1  }
0xbe: {  	_ =	sfence.sel $0xFFFF  }
0xbf: {  	[dreg:$0x0] =	wrdreg $0xFFFFFFFF;
	(pc) =	sbr.abs _section_cstart, $3  }
0xc0: {  	[dreg:$0x1] =	wrdreg $0xFFFFFFFF  }
0xc1: {  	_ =	task.clear_ibuf [dreg:s6], $0x2FFFF;
	_ =	strace $0x9FFFFFFF  }
0xc2: {  	(tm) =	ssettm $0x7FFFFFFF  }
0xc3: {  	_ =	shalt  }
tec
execute0_lowered:
.L_overlay_start_1:
0x0: {  	(tag) =	ssettag $0x1  }
0x1: {  	s0 =	rddreg [dreg:$0x0]  }
0x2: {  	s1 =	rddreg [dreg:$0x1]  }
0x3: {  	s2 =	srdreg.scid;
	s3 =	simm.s32 $0x0;
	s30 =	stileid.u32  }
0x4: {  	s17 =	simm.s32 $0x3;
	s18 =	simm.s32 $0x2780;
	s19 =	simm.s32 $0x4F00  }
0x5: {  	s20 =	simm.s32 $0x50;
	s21 =	simm.s32 $0x7700;
	s22 =	simm.s32 $0x1  }
0x6: {  	s23 =	simm.s32 $0x2;
	s24 =	simm.s32 $0x4DA0;
	s25 =	simm.s32 $0x26C0  }
0x7: {  	s26 =	simm.s32 $0x4DF0;
	s28 =	simm.s32 $0x4E40;
	s8 =	smul.u32 $0x14000, s30  }
0x8: {  	s29 =	simm.s32 $0x0;
	s5 =	sand.u32 $0x1, s2;
	s31 =	smul.u32 $0x50000, s30  }
0x9: {  	[smem:$0x7FF] =	sst s3;
	s4 =	sshll.u32 s5, $0x4;
	s6 =	smul.u32 $0x140000, s5  }
0xa: {  	_ =	strace $0x8000004A;
	s5 =	ssub.s32 $0x2, s5;
	s7 =	sor.u32 s30, s4  }
0xb: {  	s9 =	sshrl.u32 s5, $0x1;
	s7 =	smul.u32 $0x4E2, s7;
	s6 =	sadd.s32 s8, s6  }
0xc: {  	s4 =	sadd.s32 $0x18E00, s0;
	s16 =	ssub.s32 s5, s9;
	s6 =	sshrl.u32 s6, $0x3  }
0xd: {  	s8 =	sshrl.u32 s31, $0x2;
	s7 =	sadd.s32 s7, s0;
	s0 =	sadd.s32 s6, s0  }
0xe: {  	s5 =	sadd.s32 $0xF000, s7;
	s6 =	sadd.s32 $0x5200, s7;
	s7 =	sadd.s32 s8, s1  }
0xf: {  	s16 =	smax.u32 s16, $0x1;
	s15 =	sadd.s32 $0x40E00, s0;
	s8 =	sadd.s32 $0x2800, s7  }
0x10: {  	s9 =	sadd.s32 $0x5000, s7;
	s10 =	sadd.s32 $0x7800, s7;
	s11 =	sadd.s32 $0xA000, s7  }
0x11: {  	v0 =	vimm.f32 $0.0e+00;
	s12 =	sadd.s32 $0xC800, s7;
	s13 =	sadd.s32 $0xF000, s7;
	s14 =	sadd.s32 $0x11800, s7  }
.LBB2_1:
0x12: {  	[tilespmem:s3], [sflag:$0x3] =	stream.linear.gather [hbm4b:s5+s3], $0x2710, $0x38;
	[tilespmem:$0x1DF00] =	vst v63  }
0x13: {  	_ =	swait.ge [sflag:s17], $0x2710  }
0x14: {  	[sflag:s17] =	ssyncset.done $0x0  }
0x15: {  	[sflag:s17] =	ssyncadd.s32 $0xFFFFD8F0  }
0x16: {  	[tilespmem:s18], [sflag:$0x3] =	stream.linear.gather [hbm4b:s6+s3], $0x2710, $0x38;
	[tilespmem:$0x1DF00] =	vst v63  }
0x17: {  	s0 =	sand.u32 $0xFE00, s3;
	s31 =	sand.u32 $0x70, s3;
	_ =	swait.ge [sflag:s17], $0x2710  }
0x18: {  	s30 =	simm.s32 $0x40;
	s0 =	sshrl.u32 s0, $0x2;
	[sflag:s17] =	ssyncset.done $0x0  }
0x19: {  	s0 =	sor.u32 s31, s0;
	s31 =	simm.s32 $0x0;
	[sflag:s17] =	ssyncadd.s32 $0xFFFFD8F0  }
.LBB2_2:
0x1a: {  	p0 =	sne.s32 s30, $0x9FC0  }
0x1b: {  	[tilespmem:s0+$0x4F00] =	vst v0;
	s31 =	sadd.s32 $0x10, s31;
	s0 =	smov.u32 s30;
	s30 =	sadd.s32 $0x40, s30  }
.Ltmp0:
0x1c: {  	(pc) =	sbr.rel @p0 .LBB2_2-.Ltmp0, $4  }
0x1d: {  	_ = 	snop  }
0x1e: {  	s0 =	sand.u32 $0xFE00, s0  }
0x1f: {  	s2 =	sand.u32 $0x70, s31;
	s0 =	sshrl.u32 s0, $0x2  }
0x20: {  	s0 =	sor.u32 s2, s0  }
0x21: {  	[tilespmem:s0+$0x4F00] =	vst v0  }
0x22: {  	[spmem:s7] =	stream.linear.scatter [tilespmem:s19], [sflag:$0x3], $0x2800, $0x38;
	[tilespmem:$0x1DF00] =	vst v63  }
0x23: {  	_ =	swait.ge [sflag:s17], $0x2800  }
0x24: {  	[sflag:s17] =	ssyncset.done $0x0  }
0x25: {  	[sflag:s17] =	ssyncadd.s32 $0xFFFFD800  }
0x26: {  	[spmem:s8] =	stream.linear.scatter [tilespmem:s19], [sflag:$0x3], $0x2800, $0x38;
	[tilespmem:$0x1DF00] =	vst v63  }
0x27: {  	_ =	swait.ge [sflag:s17], $0x2800  }
0x28: {  	[sflag:s17] =	ssyncset.done $0x0  }
0x29: {  	[sflag:s17] =	ssyncadd.s32 $0xFFFFD800  }
0x2a: {  	[spmem:s9] =	stream.linear.scatter [tilespmem:s19], [sflag:$0x3], $0x2800, $0x38;
	[tilespmem:$0x1DF00] =	vst v63  }
0x2b: {  	_ =	swait.ge [sflag:s17], $0x2800  }
0x2c: {  	[sflag:s17] =	ssyncset.done $0x0  }
0x2d: {  	[sflag:s17] =	ssyncadd.s32 $0xFFFFD800  }
0x2e: {  	[spmem:s10] =	stream.linear.scatter [tilespmem:s19], [sflag:$0x3], $0x2800, $0x38;
	[tilespmem:$0x1DF00] =	vst v63  }
0x2f: {  	_ =	swait.ge [sflag:s17], $0x2800  }
0x30: {  	[sflag:s17] =	ssyncset.done $0x0  }
0x31: {  	[sflag:s17] =	ssyncadd.s32 $0xFFFFD800  }
0x32: {  	[spmem:s11] =	stream.linear.scatter [tilespmem:s19], [sflag:$0x3], $0x2800, $0x38;
	[tilespmem:$0x1DF00] =	vst v63  }
0x33: {  	_ =	swait.ge [sflag:s17], $0x2800  }
0x34: {  	[sflag:s17] =	ssyncset.done $0x0  }
0x35: {  	[sflag:s17] =	ssyncadd.s32 $0xFFFFD800  }
0x36: {  	[spmem:s12] =	stream.linear.scatter [tilespmem:s19], [sflag:$0x3], $0x2800, $0x38;
	[tilespmem:$0x1DF00] =	vst v63  }
0x37: {  	_ =	swait.ge [sflag:s17], $0x2800  }
0x38: {  	[sflag:s17] =	ssyncset.done $0x0  }
0x39: {  	[sflag:s17] =	ssyncadd.s32 $0xFFFFD800  }
0x3a: {  	[spmem:s13] =	stream.linear.scatter [tilespmem:s19], [sflag:$0x3], $0x2800, $0x38;
	[tilespmem:$0x1DF00] =	vst v63  }
0x3b: {  	_ =	swait.ge [sflag:s17], $0x2800  }
0x3c: {  	[sflag:s17] =	ssyncset.done $0x0  }
0x3d: {  	[sflag:s17] =	ssyncadd.s32 $0xFFFFD800  }
0x3e: {  	[spmem:s14] =	stream.linear.scatter [tilespmem:s19], [sflag:$0x3], $0x2800, $0x38;
	[tilespmem:$0x1DF00] =	vst v63  }
0x3f: {  	_ =	swait.ge [sflag:s17], $0x2800  }
0x40: {  	[sflag:s17] =	ssyncset.done $0x0  }
0x41: {  	[sflag:s17] =	ssyncadd.s32 $0xFFFFD800  }
0x42: {  	s2 =	simm.s32 $0x0;
	[bflag:$0x0] =	sbarrier.arrive $0xFFFF  }
0x43: {  	[tilespmem:s19], [sflag:$0x1] =	stream.indirect.gather [hbm4b:s4+s20], $0x80, s2, s20, $0xb8;
	[tilespmem:$0x1DF00] =	vst v63  }
0x44: {  	_ = 	snop  }
0x45: {  	[tilespmem:s21], [sflag:$0x2] =	stream.indirect.gather [hbm4b:s4+s20], $0x80, s20, s20, $0xb8;
	[tilespmem:$0x1DF00] =	vst v63  }
0x46: {  	_ =	swait.ge [sflag:s22], $0x2800  }
0x47: {  	[sflag:s22] =	ssyncset.done $0x0  }
0x48: {  	s31 =	simm.s32 $0x2780;
	[sflag:s22] =	ssyncadd.s32 $0xFFFFD800  }
0x49: {  	[spmem:s1] =	stream.indirect.scatter.add.f32 [tilespmem:s19], [sflag:$0x3], $0x80, s31, s20, $0xb8;
	[tilespmem:$0x1DF00] =	vst v63  }
0x4a: {  	_ =	swait.ge [sflag:s17], $0x2800  }
0x4b: {  	[sflag:s17] =	ssyncset.done $0x0  }
0x4c: {  	s2 =	simm.s32 $0xA0;
	[sflag:s17] =	ssyncadd.s32 $0xFFFFD800  }
0x4d: {  	[tilespmem:s19], [sflag:$0x1] =	stream.indirect.gather [hbm4b:s4+s20], $0x80, s2, s20, $0xb8;
	[tilespmem:$0x1DF00] =	vst v63  }
0x4e: {  	_ =	swait.ge [sflag:s23], $0x2800  }
0x4f: {  	[sflag:s23] =	ssyncset.done $0x0  }
0x50: {  	s31 =	simm.s32 $0x27D0;
	[sflag:s23] =	ssyncadd.s32 $0xFFFFD800  }
0x51: {  	[spmem:s1] =	stream.indirect.scatter.add.f32 [tilespmem:s21], [sflag:$0x3], $0x80, s31, s20, $0xb8;
	[tilespmem:$0x1DF00] =	vst v63  }
0x52: {  	_ =	swait.ge [sflag:s17], $0x2800  }
0x53: {  	[sflag:s17] =	ssyncset.done $0x0  }
0x54: {  	s30 =	simm.s32 $0x280;
	s0 =	simm.s32 $0xF0;
	[sflag:s17] =	ssyncadd.s32 $0xFFFFD800  }
.LBB2_4:
0x55: {  	[tilespmem:s21], [sflag:$0x2] =	stream.indirect.gather [hbm4b:s4+s20], $0x80, s0, s20, $0xb8;
	[tilespmem:$0x1DF00] =	vst v63  }
0x56: {  	s0 =	smov.u32 s30  }
0x57: {  	p0 =	sne.s32 s30, $0x9600;
	s30 =	sadd.s32 $0x280, s30;
	_ =	swait.ge [sflag:s22], $0x2800  }
0x58: {  	s0 =	sshra.s32 s0, $0x2;
	[sflag:s22] =	ssyncset.done $0x0  }
0x59: {  	s2 =	sadd.s32 $0x2780, s0;
	[sflag:s22] =	ssyncadd.s32 $0xFFFFD800  }
0x5a: {  	[spmem:s1] =	stream.indirect.scatter.add.f32 [tilespmem:s19], [sflag:$0x3], $0x80, s2, s20, $0xb8;
	[tilespmem:$0x1DF00] =	vst v63  }
0x5b: {  	_ =	swait.ge [sflag:s17], $0x2800  }
0x5c: {  	[sflag:s17] =	ssyncset.done $0x0  }
0x5d: {  	s2 =	sadd.s32 $0xA0, s0;
	[sflag:s17] =	ssyncadd.s32 $0xFFFFD800  }
0x5e: {  	[tilespmem:s19], [sflag:$0x1] =	stream.indirect.gather [hbm4b:s4+s20], $0x80, s2, s20, $0xb8;
	[tilespmem:$0x1DF00] =	vst v63  }
0x5f: {  	_ =	swait.ge [sflag:s23], $0x2800  }
0x60: {  	[sflag:s23] =	ssyncset.done $0x0  }
.Ltmp1:
0x61: {  	s2 =	sadd.s32 $0x27D0, s0;
	[sflag:s23] =	ssyncadd.s32 $0xFFFFD800;
	(pc) =	sbr.rel @p0 .LBB2_4-.Ltmp1, $4  }
0x62: {  	[spmem:s1] =	stream.indirect.scatter.add.f32 [tilespmem:s21], [sflag:$0x3], $0x80, s2, s20, $0xb8;
	[tilespmem:$0x1DF00] =	vst v63  }
0x63: {  	_ =	swait.ge [sflag:s17], $0x2800  }
0x64: {  	[sflag:s17] =	ssyncset.done $0x0  }
0x65: {  	s0 =	sadd.s32 $0xF0, s0;
	[sflag:s17] =	ssyncadd.s32 $0xFFFFD800  }
0x66: {  	[tilespmem:s21], [sflag:$0x2] =	stream.indirect.gather [hbm4b:s4+s20], $0x80, s0, s20, $0xb8;
	[tilespmem:$0x1DF00] =	vst v63  }
0x67: {  	_ =	swait.ge [sflag:s22], $0x2800  }
0x68: {  	[sflag:s22] =	ssyncset.done $0x0  }
0x69: {  	[sflag:s22] =	ssyncadd.s32 $0xFFFFD800  }
0x6a: {  	[spmem:s1] =	stream.indirect.scatter.add.f32 [tilespmem:s19], [sflag:$0x3], $0x80, s24, s20, $0xb8;
	[tilespmem:$0x1DF00] =	vst v63  }
0x6b: {  	_ =	swait.ge [sflag:s17], $0x2800  }
0x6c: {  	[sflag:s17] =	ssyncset.done $0x0  }
0x6d: {  	[sflag:s17] =	ssyncadd.s32 $0xFFFFD800  }
0x6e: {  	[tilespmem:s19], [sflag:$0x1] =	stream.indirect.gather [hbm4b:s4+s20], $0x80, s25, s20, $0xb8;
	[tilespmem:$0x1DF00] =	vst v63  }
0x6f: {  	_ =	swait.ge [sflag:s23], $0x2800  }
0x70: {  	[sflag:s23] =	ssyncset.done $0x0  }
0x71: {  	[sflag:s23] =	ssyncadd.s32 $0xFFFFD800  }
0x72: {  	[spmem:s1] =	stream.indirect.scatter.add.f32 [tilespmem:s21], [sflag:$0x3], $0x80, s26, s20, $0xb8;
	[tilespmem:$0x1DF00] =	vst v63  }
0x73: {  	_ =	swait.ge [sflag:s17], $0x2800  }
0x74: {  	[sflag:s17] =	ssyncset.done $0x0  }
0x75: {  	[sflag:s17] =	ssyncadd.s32 $0xFFFFD800  }
0x76: {  	_ =	swait.ge [sflag:s22], $0x2800  }
0x77: {  	[sflag:s22] =	ssyncset.done $0x0  }
0x78: {  	[sflag:s22] =	ssyncadd.s32 $0xFFFFD800  }
0x79: {  	[spmem:s1] =	stream.indirect.scatter.add.f32 [tilespmem:s19], [sflag:$0x3], $0x80, s28, s20, $0xb8;
	[tilespmem:$0x1DF00] =	vst v63  }
0x7a: {  	s31 =	stileid.u32;
	_ =	swait.ge [sflag:s17], $0x2800  }
0x7b: {  	s2 =	sshrl.u32 s7, $0x3;
	s29 =	sadd.s32 $0x1, s29;
	[sflag:s17] =	ssyncset.done $0x0  }
0x7c: {  	s0 =	sshll.u32 s31, $0x6;
	p0 =	sne.s32 s29, s16;
	[sflag:s17] =	ssyncadd.s32 $0xFFFFD800  }
.Ltmp2:
0x7d: {  	s0 =	sor.u32 $0x1C03, s0;
	[bflag:$0x0] =	sbarrier.arrive $0xFFFF;
	(pc) =	sbr.rel @p0 .LBB2_1-.Ltmp2, $4  }
0x7e: {  	[hbm:s15], [sflag:s0] =	dma.local [spmem:s2], $0x2800  }
0x7f: {  	_ =	swait.ge [sflag:s17], $0x2800  }
0x80: {  	[sflag:s17] =	ssyncset.done $0x0  }
0x81: {  	[sflag:s17] =	ssyncadd.s32 $0xFFFFD800  }
0x82: {  	_ =	sfence.sel $0x180000  }
0x83: {  	[bflag:$0x0] =	sbarrier.arrive $0xFFFF  }
0x84: {  	_ =	strace $0x9000004A  }
0x85: {  	s0 =	stileid.u32;
	[bflag:$0x2] =	sbarrier.arrive $0xFFFF  }
0x86: {  	p0 =	sne.s32 s0, $0x0;
	s0 =	rddreg [dreg:$0x2]  }
0x87: {  	s0 =	sadd.s32 @!p0 $0x100000, s0  }
0x88: {  	[sflag:s0] =	ssyncadd.tile.s32 @!p0 $0x1;
	_ =	shalt  }
.Lfunc_end2:
_tile_overlayer_lowered:
.L_overlay_start_2:
0x89: {  	(tag) =	ssettag $0x2  }
0x8a: {  	s0 =	rddreg [dreg:$0x0];
	s2 =	stileid.u32  }
0x8b: {  	s1 =	rddreg [dreg:$0x1];
	p0 =	sne.s32 s2, $0x0  }
0x8c: {  	s3 =	rddreg [dreg:$0x2];
	[bflag:$0x3] =	sbarrier.arrive $0xFFFF;
	s2 =	simm.s32 @!p0 $0x1C03  }
0x8d: {  	[timem:s3], [sflag:s2] =	dma.local @!p0 [hbm:s0], s1  }
0x8e: {  	s0 =	simm.s32 @!p0 $0x3  }
0x8f: {  	_ =	swait.ge @!p0 [sflag:s0], s1  }
0x90: {  	s1 =	ssub.s32 @!p0 $0x0, s1;
	[sflag:s0] =	ssyncset.done @!p0 $0x0  }
0x91: {  	[sflag:s0] =	ssyncadd.s32 @!p0 s1  }
0x92: {  	[bflag:$0x3] =	sbarrier.arrive $0xFFFF  }
0x93: {  	_ =	shalt  }

// kernel: kernel.16.cloned.1.call-start
scs
__scs_entry_jumppad:
0x0: {  	(pc) =	sbr.rel $0x88, $3  }
0x1: {  	(tag) =	ssettag $0x0;
	lr =	simm.s32 $0x1  }
0x2: {  	[smem:$0x3F8B] =	sst lr;
	_ =	strace $0xD0000000  }
0x3: {  	_ = 	snop  }
0x4: {  	_ = 	snop  }
0x5: {  	_ = 	snop  }
0x6: {  	_ = 	snop  }
0x7: {  	_ = 	snop  }
__scs_overlays_trampoline_lowered:
0x8: {  	[smem:$0x3F9A] =	sst s0  }
0x9: {  	[smem:$0x3F9B] =	sst s1  }
0xa: {  	[smem:$0x3F9C] =	sst s2  }
0xb: {  	[smem:$0x3F9D] =	sst s3  }
0xc: {  	[smem:$0x3F9E] =	sst s4  }
0xd: {  	[smem:$0x3F9F] =	sst s5  }
0xe: {  	[smem:$0x3FA0] =	sst s6  }
0xf: {  	[smem:$0x3FA1] =	sst s7  }
0x10: {  	[smem:$0x3FA2] =	sst s8  }
0x11: {  	[smem:$0x3FA3] =	sst s9;
	s0 =	simm.s32 @!p0 $0x0  }
0x12: {  	s1 =	sld [smem:$0x3F89];
	s0 =	simm.s32 @p0 $0x1  }
0x13: {  	[smem:$0x3FA4] =	sst s0;
	s0 =	simm.s32 @!p1 $0x0  }
0x14: {  	s2 =	sld [smem:$0x3F88];
	s0 =	simm.s32 @p1 $0x1  }
0x15: {  	[smem:$0x3FA5] =	sst s0;
	s0 =	simm.s32 @!p2 $0x0  }
0x16: {  	s3 =	sld [smem:$0x3FDB];
	s0 =	simm.s32 @p2 $0x1  }
0x17: {  	s4 =	simm.s32 $0x1BF5;
	[smem:$0x3FA7] =	sst s0  }
0x18: {  	s0 =	sld [smem:$0x3F8A];
	_ =	swait.ge [sflag:s4], $0x0  }
0x19: {  	s7 =	sld [smem:$0x3F8B]  }
0x1a: {  	s8 =	sadd.s32 $0xFFFFE003, lr  }
0x1b: {  	s9 =	sadd.s32 $0xFFFFFEF7, lr;
	s5 =	simm.s32 $0xFFFFFFFF;
	p2 =	slt.u32 s8, $0xFFFFF086  }
0x1c: {  	p1 =	slt.u32 s9, $0xF7A;
	s5 =	simm.s32 @!p2 $0x0  }
0x1d: {  	s5 =	simm.s32 @p1 $0x1;
	p0 =	seq.s32 s7, s2  }
0x1e: {  	s7 =	smul.u32 @!p0 $0xF7A, s2;
	p2 =	seq.s32 @!p0 s5, $0x0  }
0x1f: {  	s9 =	smul.u32 $0xF7A, s1;
	s8 =	simm.s32 @!p0 $0x1BF5;
	p2 =	por !p2, p0  }
0x20: {  	[sflag:s8] =	ssyncset.s32 @!p0 $0xFFFFF086;
	s6 =	sadd.s32 @!p0 s3, s7;
	s7 =	simm.s32 @!p0 $0x108  }
0x21: {  	s3 =	sadd.s32 s3, s9;
	s6 =	sadd.s32 @!p0 $0x88, s6;
	s7 =	simm.s32 @p2 $0x1082  }
0x22: {  	[simem:s7], [sflag:s8] =	dma.local @!p0 [hbm:s6], $0xF7A  }
0x23: {  	s9 =	sor.u32 $0xD0000000, s2;
	s6 =	simm.s32 $0x108;
	_ =	swait.ge @!p0 [sflag:s8], $0x0  }
0x24: {  	s3 =	sadd.s32 $0x88, s3;
	s6 =	simm.s32 @!p1 $0x1082;
	[sflag:s4] =	ssyncset.s32 $0xFFFFF086  }
0x25: {  	[simem:s6], [sflag:s4] =	dma.local [hbm:s3], $0xF7A  }
0x26: {  	[smem:$0x3F8B] =	sst s1;
	(tag) =	ssettag s2;
	_ =	strace s9  }
0x27: {  	s1 =	sld [smem:$0x3F9B]  }
0x28: {  	s2 =	sld [smem:$0x3F9C]  }
0x29: {  	s4 =	sld [smem:$0x3F9E]  }
0x2a: {  	p0 =	seq.s32 s5, $0x0;
	s5 =	sld [smem:$0x3F9F]  }
0x2b: {  	s6 =	sld [smem:$0x3FA0]  }
0x2c: {  	s7 =	sld [smem:$0x3FA1]  }
0x2d: {  	s3 =	simm.s32 $0x108;
	s8 =	sld [smem:$0x3FA2]  }
0x2e: {  	s3 =	simm.s32 @!p0 $0x1082;
	s9 =	sld [smem:$0x3FA3]  }
0x2f: {  	lr =	sadd.s32 s0, s3;
	s0 =	sld [smem:$0x3F9A]  }
0x30: {  	s3 =	sld [smem:$0x3F9D]  }
0x31: {  	[smem:$0x3FA6] =	sst s10  }
0x32: {  	s10 =	sld [smem:$0x3FA4];
	_ =	sdelay $0x3  }
0x33: {  	p0 =	seq.s32 s10, $0x1;
	s10 =	sld [smem:$0x3FA6];
	_ =	sdelay $0x3  }
0x34: {  	[smem:$0x3FA6] =	sst s10  }
0x35: {  	s10 =	sld [smem:$0x3FA5];
	_ =	sdelay $0x3  }
0x36: {  	p1 =	seq.s32 s10, $0x1;
	s10 =	sld [smem:$0x3FA6];
	_ =	sdelay $0x3  }
0x37: {  	[smem:$0x3FA6] =	sst s10  }
0x38: {  	s10 =	sld [smem:$0x3FA7]  }
0x39: {  	_ = 	snop;
	(pc) =	sbr.ind lr, $3  }
0x3a: {  	_ = 	snop  }
0x3b: {  	_ = 	snop  }
0x3c: {  	p2 =	seq.s32 s10, $0x1;
	s10 =	sld [smem:$0x3FA6]  }
0x3d: {  	_ =	shalt  }
0x3e: {  	_ =	shalt  }
0x3f: {  	_ =	shalt  }
0x40: {  	_ =	shalt  }
0x41: {  	_ =	shalt  }
0x42: {  	_ =	shalt  }
0x43: {  	_ =	shalt  }
0x44: {  	_ =	shalt  }
0x45: {  	_ =	shalt  }
0x46: {  	_ =	shalt  }
0x47: {  	_ =	shalt  }
0x48: {  	_ =	shalt  }
0x49: {  	_ =	shalt  }
0x4a: {  	_ =	shalt  }
0x4b: {  	_ =	shalt  }
0x4c: {  	_ =	shalt  }
0x4d: {  	_ =	shalt  }
0x4e: {  	_ =	shalt  }
0x4f: {  	_ =	shalt  }
0x50: {  	_ =	shalt  }
0x51: {  	_ =	shalt  }
0x52: {  	_ =	shalt  }
0x53: {  	_ =	shalt  }
0x54: {  	_ =	shalt  }
0x55: {  	_ =	shalt  }
0x56: {  	_ =	shalt  }
0x57: {  	_ =	shalt  }
0x58: {  	_ =	shalt  }
0x59: {  	_ =	shalt  }
0x5a: {  	_ =	shalt  }
0x5b: {  	_ =	shalt  }
0x5c: {  	_ =	shalt  }
0x5d: {  	_ =	shalt  }
0x5e: {  	_ =	shalt  }
0x5f: {  	_ =	shalt  }
0x60: {  	_ =	shalt  }
0x61: {  	_ =	shalt  }
0x62: {  	_ =	shalt  }
0x63: {  	_ =	shalt  }
0x64: {  	_ =	shalt  }
0x65: {  	_ =	shalt  }
0x66: {  	_ =	shalt  }
0x67: {  	_ =	shalt  }
0x68: {  	_ =	shalt  }
0x69: {  	_ =	shalt  }
0x6a: {  	_ =	shalt  }
0x6b: {  	_ =	shalt  }
0x6c: {  	_ =	shalt  }
0x6d: {  	_ =	shalt  }
0x6e: {  	_ =	shalt  }
0x6f: {  	_ =	shalt  }
0x70: {  	_ =	shalt  }
0x71: {  	_ =	shalt  }
0x72: {  	_ =	shalt  }
0x73: {  	_ =	shalt  }
0x74: {  	_ =	shalt  }
0x75: {  	_ =	shalt  }
0x76: {  	_ =	shalt  }
0x77: {  	_ =	shalt  }
0x78: {  	_ =	shalt  }
0x79: {  	_ =	shalt  }
0x7a: {  	_ =	shalt  }
0x7b: {  	_ =	shalt  }
0x7c: {  	_ =	shalt  }
0x7d: {  	_ =	shalt  }
0x7e: {  	_ =	shalt  }
0x7f: {  	_ =	shalt  }
0x80: {  	_ =	shalt  }
0x81: {  	_ =	shalt  }
0x82: {  	_ =	shalt  }
0x83: {  	_ =	shalt  }
0x84: {  	_ =	shalt  }
0x85: {  	_ =	shalt  }
0x86: {  	_ =	shalt  }
0x87: {  	_ =	shalt  }
.Lfunc_end0:
.L_simem_size_0:
called_computation.2_lowered:
.L_overlay_start_0:
0x88: {  	s2 =	sld [smem:$0x3FD9]  }
0x89: {  	s3 =	sld [smem:$0x3FFE];
	_ =	sdelay $0x1  }
0x8a: {  	s1 =	srdreg.scid  }
0x8b: {  	s0 =	sand.u32 $0x1, s1  }
0x8c: {  	s16 =	sshll.u32 s0, $0xA;
	s2 =	sadd.s32 s3, s2  }
0x8d: {  	s2 =	sadd.s32 s2, s16  }
0x8e: {  	[smem:$0x3FB2] =	sst s2  }
0x8f: {  	_ = 	snop  }
0x90: {  	(tm) =	ssettm $0x1  }
0x91: {  	s17 =	sld [smem:$0x3FFB];
	_ =	sdelay $0x3  }
0x92: {  	_ =	strace s17  }
0x93: {  	s2 =	sld [smem:$0x3FFC];
	_ =	sdelay $0x3  }
0x94: {  	_ =	strace s2  }
0x95: {  	s2 =	sld [smem:$0x3FFD];
	_ =	sdelay $0x3  }
0x96: {  	_ =	strace s2  }
0x97: {  	_ =	strace $0x8FFFFFFF  }
0x98: {  	s18 =	sld [smem:$0x3FDB];
	_ =	sdelay $0x1  }
0x99: {  	s19 =	simm.s32 $_scs_section_size  }
0x9a: {  	s4 =	simm.s32 $_size__tile_overlayer_lowered;
	s5 =	simm.s32 $_tile_overlayer_lowered  }
0x9b: {  	s22 =	simm.s32 $0x1BFF;
	s21 =	sshll.u32 s5, $0x1;
	s2 =	sadd.s32 s19, s18  }
0x9c: {  	s6 =	simm.s32 $0x0;
	s20 =	sshll.u32 s4, $0x1;
	s4 =	sadd.s32 s21, s2  }
0x9d: {  	[timem:s6], [sflag:s22] =	dma.local [hbm:s4], s20  }
0x9e: {  	_ =	swait.ge [sflag:s22], s20  }
0x9f: {  	s3 =	ssub.s32 $0x0, s20;
	[sflag:s22] =	ssyncset.done $0x0  }
0xa0: {  	[sflag:s22] =	ssyncadd.s32 s3;
	_ =	sdelay $0x1  }
0xa1: {  	s23 =	simm.s32 $0x1B8B  }
0xa2: {  	_ =	swait.ge [sflag:s23], $0x1  }
0xa3: {  	[sflag:s23] =	ssyncset.done $0x0  }
0xa4: {  	s25 =	simm.s32 $0x1B8E;
	s24 =	sld [smem:$0x3FFE];
	[sflag:s23] =	ssyncadd.s32 $0xFFFFFFFF  }
0xa5: {  	s26 =	simm.s32 $execute0_lowered;
	[smem:$0x3FD2] =	sst s25  }
0xa6: {  	s4 =	sshll.u32 s26, $0x1;
	_ =	strace $0x8000004C;
	[dreg:$0x1] =	wrdreg $0xFFFFFFFF  }
0xa7: {  	s28 =	simm.s32 $_size_execute0_lowered;
	s2 =	sadd.s32 s2, s4;
	[dreg:$0x0] =	wrdreg $0x0  }
0xa8: {  	s4 =	sshll.u32 s28, $0x1;
	[dreg:$0x2] =	wrdreg s2  }
0xa9: {  	[dreg:$0x3] =	wrdreg s4  }
0xaa: {  	[dreg:$0x4] =	wrdreg $0xC0  }
0xab: {  	_ =	task [dreg:s6], $0x5FFFF  }
0xac: {  	[dreg:$0x1] =	wrdreg $0xFFFFFFFF  }
0xad: {  	[dreg:$0x0] =	wrdreg $0x60  }
0xae: {  	[dreg:$0x2] =	wrdreg s24  }
0xaf: {  	[dreg:$0x3] =	wrdreg $0x9F000  }
0xb0: {  	[dreg:$0x4] =	wrdreg $0x9  }
0xb1: {  	_ =	task.clear_ibuf [dreg:s6], $0x5FFFF;
	_ =	strace $0x9000004C  }
0xb2: {  	s29 =	simm.s32 $0x9;
	_ =	strace $0x8000004E  }
0xb3: {  	_ =	swait.ge [sflag:s29], $0x1  }
0xb4: {  	[sflag:s29] =	ssyncadd.s32 $0xFFFFFFFF  }
0xb5: {  	_ =	strace $0x9000004E  }
0xb6: {  	_ =	sfence  }
0xb7: {  	s30 =	sld [smem:$0x0];
	_ =	sdelay $0x2  }
0xb8: {  	s31 =	sshll.u32 s1, $0xD;
	s1 =	sshrl.u32 s1, $0x2  }
0xb9: {  	s3 =	sand.u32 $0x4000, s31;
	s1 =	sadd.s32 s1, s30  }
0xba: {  	s0 =	sor.u32 s3, s0;
	s1 =	sshll.u32 s1, $0x11  }
0xbb: {  	s0 =	sor.u32 s1, s0  }
0xbc: {  	s0 =	sadd.s32 $0x8F2B, s0  }
0xbd: {  	[sflag:s0] =	ssyncadd.remote.s32 $0x1  }
0xbe: {  	_ =	sfence.sel $0xFFFF  }
0xbf: {  	[dreg:$0x0] =	wrdreg $0xFFFFFFFF;
	(pc) =	sbr.abs _section_cstart, $3  }
0xc0: {  	[dreg:$0x1] =	wrdreg $0xFFFFFFFF  }
0xc1: {  	_ =	task.clear_ibuf [dreg:s6], $0x2FFFF;
	_ =	strace $0x9FFFFFFF  }
0xc2: {  	(tm) =	ssettm $0x7FFFFFFF  }
0xc3: {  	_ =	shalt  }
tec
execute0_lowered:
.L_overlay_start_1:
0x0: {  	(tag) =	ssettag $0x1  }
0x1: {  	s0 =	rddreg [dreg:$0x0]  }
0x2: {  	s1 =	rddreg [dreg:$0x1]  }
0x3: {  	s2 =	srdreg.scid;
	s3 =	simm.s32 $0x0;
	s30 =	stileid.u32  }
0x4: {  	s17 =	simm.s32 $0x3;
	s18 =	simm.s32 $0x2780;
	s19 =	simm.s32 $0x4F00  }
0x5: {  	s20 =	simm.s32 $0x50;
	s21 =	simm.s32 $0x7700;
	s22 =	simm.s32 $0x1  }
0x6: {  	s23 =	simm.s32 $0x2;
	s24 =	simm.s32 $0x4DA0;
	s25 =	simm.s32 $0x26C0  }
0x7: {  	s26 =	simm.s32 $0x4DF0;
	s28 =	simm.s32 $0x4E40;
	s8 =	smul.u32 $0x14000, s30  }
0x8: {  	s29 =	simm.s32 $0x0;
	s5 =	sand.u32 $0x1, s2;
	s31 =	smul.u32 $0x50000, s30  }
0x9: {  	[smem:$0x7FF] =	sst s3;
	s4 =	sshll.u32 s5, $0x4;
	s6 =	smul.u32 $0x140000, s5  }
0xa: {  	_ =	strace $0x8000004D;
	s5 =	ssub.s32 $0x2, s5;
	s7 =	sor.u32 s30, s4  }
0xb: {  	s9 =	sshrl.u32 s5, $0x1;
	s7 =	smul.u32 $0x4E2, s7;
	s6 =	sadd.s32 s8, s6  }
0xc: {  	s4 =	sadd.s32 $0x18E00, s0;
	s16 =	ssub.s32 s5, s9;
	s6 =	sshrl.u32 s6, $0x3  }
0xd: {  	s8 =	sshrl.u32 s31, $0x2;
	s7 =	sadd.s32 s7, s0;
	s0 =	sadd.s32 s6, s0  }
0xe: {  	s5 =	sadd.s32 $0xF000, s7;
	s6 =	sadd.s32 $0x5200, s7;
	s7 =	sadd.s32 s8, s1  }
0xf: {  	s16 =	smax.u32 s16, $0x1;
	s15 =	sadd.s32 $0x40E00, s0;
	s8 =	sadd.s32 $0x2800, s7  }
0x10: {  	s9 =	sadd.s32 $0x5000, s7;
	s10 =	sadd.s32 $0x7800, s7;
	s11 =	sadd.s32 $0xA000, s7  }
0x11: {  	v0 =	vimm.f32 $0.0e+00;
	s12 =	sadd.s32 $0xC800, s7;
	s13 =	sadd.s32 $0xF000, s7;
	s14 =	sadd.s32 $0x11800, s7  }
.LBB2_1:
0x12: {  	[tilespmem:s3], [sflag:$0x3] =	stream.linear.gather [hbm4b:s5+s3], $0x2710, $0x38;
	[tilespmem:$0x1DF00] =	vst v63  }
0x13: {  	_ =	swait.ge [sflag:s17], $0x2710  }
0x14: {  	[sflag:s17] =	ssyncset.done $0x0  }
0x15: {  	[sflag:s17] =	ssyncadd.s32 $0xFFFFD8F0  }
0x16: {  	[tilespmem:s18], [sflag:$0x3] =	stream.linear.gather [hbm4b:s6+s3], $0x2710, $0x38;
	[tilespmem:$0x1DF00] =	vst v63  }
0x17: {  	s0 =	sand.u32 $0xFE00, s3;
	s31 =	sand.u32 $0x70, s3;
	_ =	swait.ge [sflag:s17], $0x2710  }
0x18: {  	s30 =	simm.s32 $0x40;
	s0 =	sshrl.u32 s0, $0x2;
	[sflag:s17] =	ssyncset.done $0x0  }
0x19: {  	s0 =	sor.u32 s31, s0;
	s31 =	simm.s32 $0x0;
	[sflag:s17] =	ssyncadd.s32 $0xFFFFD8F0  }
.LBB2_2:
0x1a: {  	p0 =	sne.s32 s30, $0x9FC0  }
0x1b: {  	[tilespmem:s0+$0x4F00] =	vst v0;
	s31 =	sadd.s32 $0x10, s31;
	s0 =	smov.u32 s30;
	s30 =	sadd.s32 $0x40, s30  }
.Ltmp0:
0x1c: {  	(pc) =	sbr.rel @p0 .LBB2_2-.Ltmp0, $4  }
0x1d: {  	_ = 	snop  }
0x1e: {  	s0 =	sand.u32 $0xFE00, s0  }
0x1f: {  	s2 =	sand.u32 $0x70, s31;
	s0 =	sshrl.u32 s0, $0x2  }
0x20: {  	s0 =	sor.u32 s2, s0  }
0x21: {  	[tilespmem:s0+$0x4F00] =	vst v0  }
0x22: {  	[spmem:s7] =	stream.linear.scatter [tilespmem:s19], [sflag:$0x3], $0x2800, $0x38;
	[tilespmem:$0x1DF00] =	vst v63  }
0x23: {  	_ =	swait.ge [sflag:s17], $0x2800  }
0x24: {  	[sflag:s17] =	ssyncset.done $0x0  }
0x25: {  	[sflag:s17] =	ssyncadd.s32 $0xFFFFD800  }
0x26: {  	[spmem:s8] =	stream.linear.scatter [tilespmem:s19], [sflag:$0x3], $0x2800, $0x38;
	[tilespmem:$0x1DF00] =	vst v63  }
0x27: {  	_ =	swait.ge [sflag:s17], $0x2800  }
0x28: {  	[sflag:s17] =	ssyncset.done $0x0  }
0x29: {  	[sflag:s17] =	ssyncadd.s32 $0xFFFFD800  }
0x2a: {  	[spmem:s9] =	stream.linear.scatter [tilespmem:s19], [sflag:$0x3], $0x2800, $0x38;
	[tilespmem:$0x1DF00] =	vst v63  }
0x2b: {  	_ =	swait.ge [sflag:s17], $0x2800  }
0x2c: {  	[sflag:s17] =	ssyncset.done $0x0  }
0x2d: {  	[sflag:s17] =	ssyncadd.s32 $0xFFFFD800  }
0x2e: {  	[spmem:s10] =	stream.linear.scatter [tilespmem:s19], [sflag:$0x3], $0x2800, $0x38;
	[tilespmem:$0x1DF00] =	vst v63  }
0x2f: {  	_ =	swait.ge [sflag:s17], $0x2800  }
0x30: {  	[sflag:s17] =	ssyncset.done $0x0  }
0x31: {  	[sflag:s17] =	ssyncadd.s32 $0xFFFFD800  }
0x32: {  	[spmem:s11] =	stream.linear.scatter [tilespmem:s19], [sflag:$0x3], $0x2800, $0x38;
	[tilespmem:$0x1DF00] =	vst v63  }
0x33: {  	_ =	swait.ge [sflag:s17], $0x2800  }
0x34: {  	[sflag:s17] =	ssyncset.done $0x0  }
0x35: {  	[sflag:s17] =	ssyncadd.s32 $0xFFFFD800  }
0x36: {  	[spmem:s12] =	stream.linear.scatter [tilespmem:s19], [sflag:$0x3], $0x2800, $0x38;
	[tilespmem:$0x1DF00] =	vst v63  }
0x37: {  	_ =	swait.ge [sflag:s17], $0x2800  }
0x38: {  	[sflag:s17] =	ssyncset.done $0x0  }
0x39: {  	[sflag:s17] =	ssyncadd.s32 $0xFFFFD800  }
0x3a: {  	[spmem:s13] =	stream.linear.scatter [tilespmem:s19], [sflag:$0x3], $0x2800, $0x38;
	[tilespmem:$0x1DF00] =	vst v63  }
0x3b: {  	_ =	swait.ge [sflag:s17], $0x2800  }
0x3c: {  	[sflag:s17] =	ssyncset.done $0x0  }
0x3d: {  	[sflag:s17] =	ssyncadd.s32 $0xFFFFD800  }
0x3e: {  	[spmem:s14] =	stream.linear.scatter [tilespmem:s19], [sflag:$0x3], $0x2800, $0x38;
	[tilespmem:$0x1DF00] =	vst v63  }
0x3f: {  	_ =	swait.ge [sflag:s17], $0x2800  }
0x40: {  	[sflag:s17] =	ssyncset.done $0x0  }
0x41: {  	[sflag:s17] =	ssyncadd.s32 $0xFFFFD800  }
0x42: {  	s2 =	simm.s32 $0x0;
	[bflag:$0x0] =	sbarrier.arrive $0xFFFF  }
0x43: {  	[tilespmem:s19], [sflag:$0x1] =	stream.indirect.gather [hbm4b:s4+s20], $0x80, s2, s20, $0xb8;
	[tilespmem:$0x1DF00] =	vst v63  }
0x44: {  	_ = 	snop  }
0x45: {  	[tilespmem:s21], [sflag:$0x2] =	stream.indirect.gather [hbm4b:s4+s20], $0x80, s20, s20, $0xb8;
	[tilespmem:$0x1DF00] =	vst v63  }
0x46: {  	_ =	swait.ge [sflag:s22], $0x2800  }
0x47: {  	[sflag:s22] =	ssyncset.done $0x0  }
0x48: {  	s31 =	simm.s32 $0x2780;
	[sflag:s22] =	ssyncadd.s32 $0xFFFFD800  }
0x49: {  	[spmem:s1] =	stream.indirect.scatter.add.f32 [tilespmem:s19], [sflag:$0x3], $0x80, s31, s20, $0xb8;
	[tilespmem:$0x1DF00] =	vst v63  }
0x4a: {  	_ =	swait.ge [sflag:s17], $0x2800  }
0x4b: {  	[sflag:s17] =	ssyncset.done $0x0  }
0x4c: {  	s2 =	simm.s32 $0xA0;
	[sflag:s17] =	ssyncadd.s32 $0xFFFFD800  }
0x4d: {  	[tilespmem:s19], [sflag:$0x1] =	stream.indirect.gather [hbm4b:s4+s20], $0x80, s2, s20, $0xb8;
	[tilespmem:$0x1DF00] =	vst v63  }
0x4e: {  	_ =	swait.ge [sflag:s23], $0x2800  }
0x4f: {  	[sflag:s23] =	ssyncset.done $0x0  }
0x50: {  	s31 =	simm.s32 $0x27D0;
	[sflag:s23] =	ssyncadd.s32 $0xFFFFD800  }
0x51: {  	[spmem:s1] =	stream.indirect.scatter.add.f32 [tilespmem:s21], [sflag:$0x3], $0x80, s31, s20, $0xb8;
	[tilespmem:$0x1DF00] =	vst v63  }
0x52: {  	_ =	swait.ge [sflag:s17], $0x2800  }
0x53: {  	[sflag:s17] =	ssyncset.done $0x0  }
0x54: {  	s30 =	simm.s32 $0x280;
	s0 =	simm.s32 $0xF0;
	[sflag:s17] =	ssyncadd.s32 $0xFFFFD800  }
.LBB2_4:
0x55: {  	[tilespmem:s21], [sflag:$0x2] =	stream.indirect.gather [hbm4b:s4+s20], $0x80, s0, s20, $0xb8;
	[tilespmem:$0x1DF00] =	vst v63  }
0x56: {  	s0 =	smov.u32 s30  }
0x57: {  	p0 =	sne.s32 s30, $0x9600;
	s30 =	sadd.s32 $0x280, s30;
	_ =	swait.ge [sflag:s22], $0x2800  }
0x58: {  	s0 =	sshra.s32 s0, $0x2;
	[sflag:s22] =	ssyncset.done $0x0  }
0x59: {  	s2 =	sadd.s32 $0x2780, s0;
	[sflag:s22] =	ssyncadd.s32 $0xFFFFD800  }
0x5a: {  	[spmem:s1] =	stream.indirect.scatter.add.f32 [tilespmem:s19], [sflag:$0x3], $0x80, s2, s20, $0xb8;
	[tilespmem:$0x1DF00] =	vst v63  }
0x5b: {  	_ =	swait.ge [sflag:s17], $0x2800  }
0x5c: {  	[sflag:s17] =	ssyncset.done $0x0  }
0x5d: {  	s2 =	sadd.s32 $0xA0, s0;
	[sflag:s17] =	ssyncadd.s32 $0xFFFFD800  }
0x5e: {  	[tilespmem:s19], [sflag:$0x1] =	stream.indirect.gather [hbm4b:s4+s20], $0x80, s2, s20, $0xb8;
	[tilespmem:$0x1DF00] =	vst v63  }
0x5f: {  	_ =	swait.ge [sflag:s23], $0x2800  }
0x60: {  	[sflag:s23] =	ssyncset.done $0x0  }
.Ltmp1:
0x61: {  	s2 =	sadd.s32 $0x27D0, s0;
	[sflag:s23] =	ssyncadd.s32 $0xFFFFD800;
	(pc) =	sbr.rel @p0 .LBB2_4-.Ltmp1, $4  }
0x62: {  	[spmem:s1] =	stream.indirect.scatter.add.f32 [tilespmem:s21], [sflag:$0x3], $0x80, s2, s20, $0xb8;
	[tilespmem:$0x1DF00] =	vst v63  }
0x63: {  	_ =	swait.ge [sflag:s17], $0x2800  }
0x64: {  	[sflag:s17] =	ssyncset.done $0x0  }
0x65: {  	s0 =	sadd.s32 $0xF0, s0;
	[sflag:s17] =	ssyncadd.s32 $0xFFFFD800  }
0x66: {  	[tilespmem:s21], [sflag:$0x2] =	stream.indirect.gather [hbm4b:s4+s20], $0x80, s0, s20, $0xb8;
	[tilespmem:$0x1DF00] =	vst v63  }
0x67: {  	_ =	swait.ge [sflag:s22], $0x2800  }
0x68: {  	[sflag:s22] =	ssyncset.done $0x0  }
0x69: {  	[sflag:s22] =	ssyncadd.s32 $0xFFFFD800  }
0x6a: {  	[spmem:s1] =	stream.indirect.scatter.add.f32 [tilespmem:s19], [sflag:$0x3], $0x80, s24, s20, $0xb8;
	[tilespmem:$0x1DF00] =	vst v63  }
0x6b: {  	_ =	swait.ge [sflag:s17], $0x2800  }
0x6c: {  	[sflag:s17] =	ssyncset.done $0x0  }
0x6d: {  	[sflag:s17] =	ssyncadd.s32 $0xFFFFD800  }
0x6e: {  	[tilespmem:s19], [sflag:$0x1] =	stream.indirect.gather [hbm4b:s4+s20], $0x80, s25, s20, $0xb8;
	[tilespmem:$0x1DF00] =	vst v63  }
0x6f: {  	_ =	swait.ge [sflag:s23], $0x2800  }
0x70: {  	[sflag:s23] =	ssyncset.done $0x0  }
0x71: {  	[sflag:s23] =	ssyncadd.s32 $0xFFFFD800  }
0x72: {  	[spmem:s1] =	stream.indirect.scatter.add.f32 [tilespmem:s21], [sflag:$0x3], $0x80, s26, s20, $0xb8;
	[tilespmem:$0x1DF00] =	vst v63  }
0x73: {  	_ =	swait.ge [sflag:s17], $0x2800  }
0x74: {  	[sflag:s17] =	ssyncset.done $0x0  }
0x75: {  	[sflag:s17] =	ssyncadd.s32 $0xFFFFD800  }
0x76: {  	_ =	swait.ge [sflag:s22], $0x2800  }
0x77: {  	[sflag:s22] =	ssyncset.done $0x0  }
0x78: {  	[sflag:s22] =	ssyncadd.s32 $0xFFFFD800  }
0x79: {  	[spmem:s1] =	stream.indirect.scatter.add.f32 [tilespmem:s19], [sflag:$0x3], $0x80, s28, s20, $0xb8;
	[tilespmem:$0x1DF00] =	vst v63  }
0x7a: {  	s31 =	stileid.u32;
	_ =	swait.ge [sflag:s17], $0x2800  }
0x7b: {  	s2 =	sshrl.u32 s7, $0x3;
	s29 =	sadd.s32 $0x1, s29;
	[sflag:s17] =	ssyncset.done $0x0  }
0x7c: {  	s0 =	sshll.u32 s31, $0x6;
	p0 =	sne.s32 s29, s16;
	[sflag:s17] =	ssyncadd.s32 $0xFFFFD800  }
.Ltmp2:
0x7d: {  	s0 =	sor.u32 $0x1C03, s0;
	[bflag:$0x0] =	sbarrier.arrive $0xFFFF;
	(pc) =	sbr.rel @p0 .LBB2_1-.Ltmp2, $4  }
0x7e: {  	[hbm:s15], [sflag:s0] =	dma.local [spmem:s2], $0x2800  }
0x7f: {  	_ =	swait.ge [sflag:s17], $0x2800  }
0x80: {  	[sflag:s17] =	ssyncset.done $0x0  }
0x81: {  	[sflag:s17] =	ssyncadd.s32 $0xFFFFD800  }
0x82: {  	_ =	sfence.sel $0x180000  }
0x83: {  	[bflag:$0x0] =	sbarrier.arrive $0xFFFF  }
0x84: {  	_ =	strace $0x9000004D  }
0x85: {  	s0 =	stileid.u32;
	[bflag:$0x2] =	sbarrier.arrive $0xFFFF  }
0x86: {  	p0 =	sne.s32 s0, $0x0;
	s0 =	rddreg [dreg:$0x2]  }
0x87: {  	s0 =	sadd.s32 @!p0 $0x100000, s0  }
0x88: {  	[sflag:s0] =	ssyncadd.tile.s32 @!p0 $0x1;
	_ =	shalt  }
.Lfunc_end2:
_tile_overlayer_lowered:
.L_overlay_start_2:
0x89: {  	(tag) =	ssettag $0x2  }
0x8a: {  	s0 =	rddreg [dreg:$0x0];
	s2 =	stileid.u32  }
0x8b: {  	s1 =	rddreg [dreg:$0x1];
	p0 =	sne.s32 s2, $0x0  }
0x8c: {  	s3 =	rddreg [dreg:$0x2];
	[bflag:$0x3] =	sbarrier.arrive $0xFFFF;
	s2 =	simm.s32 @!p0 $0x1C03  }
0x8d: {  	[timem:s3], [sflag:s2] =	dma.local @!p0 [hbm:s0], s1  }
0x8e: {  	s0 =	simm.s32 @!p0 $0x3  }
0x8f: {  	_ =	swait.ge @!p0 [sflag:s0], s1  }
0x90: {  	s1 =	ssub.s32 @!p0 $0x0, s1;
	[sflag:s0] =	ssyncset.done @!p0 $0x0  }
0x91: {  	[sflag:s0] =	ssyncadd.s32 @!p0 s1  }
0x92: {  	[bflag:$0x3] =	sbarrier.arrive $0xFFFF  }
0x93: {  	_ =	shalt  }

// kernel: kernel.19.cloned.1.call-start
scs
__scs_entry_jumppad:
0x0: {  	(pc) =	sbr.rel $0x88, $3  }
0x1: {  	(tag) =	ssettag $0x0;
	lr =	simm.s32 $0x1  }
0x2: {  	[smem:$0x3F8B] =	sst lr;
	_ =	strace $0xD0000000  }
0x3: {  	_ = 	snop  }
0x4: {  	_ = 	snop  }
0x5: {  	_ = 	snop  }
0x6: {  	_ = 	snop  }
0x7: {  	_ = 	snop  }
__scs_overlays_trampoline_lowered:
0x8: {  	[smem:$0x3F9A] =	sst s0  }
0x9: {  	[smem:$0x3F9B] =	sst s1  }
0xa: {  	[smem:$0x3F9C] =	sst s2  }
0xb: {  	[smem:$0x3F9D] =	sst s3  }
0xc: {  	[smem:$0x3F9E] =	sst s4  }
0xd: {  	[smem:$0x3F9F] =	sst s5  }
0xe: {  	[smem:$0x3FA0] =	sst s6  }
0xf: {  	[smem:$0x3FA1] =	sst s7  }
0x10: {  	[smem:$0x3FA2] =	sst s8  }
0x11: {  	[smem:$0x3FA3] =	sst s9;
	s0 =	simm.s32 @!p0 $0x0  }
0x12: {  	s1 =	sld [smem:$0x3F89];
	s0 =	simm.s32 @p0 $0x1  }
0x13: {  	[smem:$0x3FA4] =	sst s0;
	s0 =	simm.s32 @!p1 $0x0  }
0x14: {  	s2 =	sld [smem:$0x3F88];
	s0 =	simm.s32 @p1 $0x1  }
0x15: {  	[smem:$0x3FA5] =	sst s0;
	s0 =	simm.s32 @!p2 $0x0  }
0x16: {  	s3 =	sld [smem:$0x3FDB];
	s0 =	simm.s32 @p2 $0x1  }
0x17: {  	s4 =	simm.s32 $0x1BF5;
	[smem:$0x3FA7] =	sst s0  }
0x18: {  	s0 =	sld [smem:$0x3F8A];
	_ =	swait.ge [sflag:s4], $0x0  }
0x19: {  	s7 =	sld [smem:$0x3F8B]  }
0x1a: {  	s8 =	sadd.s32 $0xFFFFE003, lr  }
0x1b: {  	s9 =	sadd.s32 $0xFFFFFEF7, lr;
	s5 =	simm.s32 $0xFFFFFFFF;
	p2 =	slt.u32 s8, $0xFFFFF086  }
0x1c: {  	p1 =	slt.u32 s9, $0xF7A;
	s5 =	simm.s32 @!p2 $0x0  }
0x1d: {  	s5 =	simm.s32 @p1 $0x1;
	p0 =	seq.s32 s7, s2  }
0x1e: {  	s7 =	smul.u32 @!p0 $0xF7A, s2;
	p2 =	seq.s32 @!p0 s5, $0x0  }
0x1f: {  	s9 =	smul.u32 $0xF7A, s1;
	s8 =	simm.s32 @!p0 $0x1BF5;
	p2 =	por !p2, p0  }
0x20: {  	[sflag:s8] =	ssyncset.s32 @!p0 $0xFFFFF086;
	s6 =	sadd.s32 @!p0 s3, s7;
	s7 =	simm.s32 @!p0 $0x108  }
0x21: {  	s3 =	sadd.s32 s3, s9;
	s6 =	sadd.s32 @!p0 $0x88, s6;
	s7 =	simm.s32 @p2 $0x1082  }
0x22: {  	[simem:s7], [sflag:s8] =	dma.local @!p0 [hbm:s6], $0xF7A  }
0x23: {  	s9 =	sor.u32 $0xD0000000, s2;
	s6 =	simm.s32 $0x108;
	_ =	swait.ge @!p0 [sflag:s8], $0x0  }
0x24: {  	s3 =	sadd.s32 $0x88, s3;
	s6 =	simm.s32 @!p1 $0x1082;
	[sflag:s4] =	ssyncset.s32 $0xFFFFF086  }
0x25: {  	[simem:s6], [sflag:s4] =	dma.local [hbm:s3], $0xF7A  }
0x26: {  	[smem:$0x3F8B] =	sst s1;
	(tag) =	ssettag s2;
	_ =	strace s9  }
0x27: {  	s1 =	sld [smem:$0x3F9B]  }
0x28: {  	s2 =	sld [smem:$0x3F9C]  }
0x29: {  	s4 =	sld [smem:$0x3F9E]  }
0x2a: {  	p0 =	seq.s32 s5, $0x0;
	s5 =	sld [smem:$0x3F9F]  }
0x2b: {  	s6 =	sld [smem:$0x3FA0]  }
0x2c: {  	s7 =	sld [smem:$0x3FA1]  }
0x2d: {  	s3 =	simm.s32 $0x108;
	s8 =	sld [smem:$0x3FA2]  }
0x2e: {  	s3 =	simm.s32 @!p0 $0x1082;
	s9 =	sld [smem:$0x3FA3]  }
0x2f: {  	lr =	sadd.s32 s0, s3;
	s0 =	sld [smem:$0x3F9A]  }
0x30: {  	s3 =	sld [smem:$0x3F9D]  }
0x31: {  	[smem:$0x3FA6] =	sst s10  }
0x32: {  	s10 =	sld [smem:$0x3FA4];
	_ =	sdelay $0x3  }
0x33: {  	p0 =	seq.s32 s10, $0x1;
	s10 =	sld [smem:$0x3FA6];
	_ =	sdelay $0x3  }
0x34: {  	[smem:$0x3FA6] =	sst s10  }
0x35: {  	s10 =	sld [smem:$0x3FA5];
	_ =	sdelay $0x3  }
0x36: {  	p1 =	seq.s32 s10, $0x1;
	s10 =	sld [smem:$0x3FA6];
	_ =	sdelay $0x3  }
0x37: {  	[smem:$0x3FA6] =	sst s10  }
0x38: {  	s10 =	sld [smem:$0x3FA7]  }
0x39: {  	_ = 	snop;
	(pc) =	sbr.ind lr, $3  }
0x3a: {  	_ = 	snop  }
0x3b: {  	_ = 	snop  }
0x3c: {  	p2 =	seq.s32 s10, $0x1;
	s10 =	sld [smem:$0x3FA6]  }
0x3d: {  	_ =	shalt  }
0x3e: {  	_ =	shalt  }
0x3f: {  	_ =	shalt  }
0x40: {  	_ =	shalt  }
0x41: {  	_ =	shalt  }
0x42: {  	_ =	shalt  }
0x43: {  	_ =	shalt  }
0x44: {  	_ =	shalt  }
0x45: {  	_ =	shalt  }
0x46: {  	_ =	shalt  }
0x47: {  	_ =	shalt  }
0x48: {  	_ =	shalt  }
0x49: {  	_ =	shalt  }
0x4a: {  	_ =	shalt  }
0x4b: {  	_ =	shalt  }
0x4c: {  	_ =	shalt  }
0x4d: {  	_ =	shalt  }
0x4e: {  	_ =	shalt  }
0x4f: {  	_ =	shalt  }
0x50: {  	_ =	shalt  }
0x51: {  	_ =	shalt  }
0x52: {  	_ =	shalt  }
0x53: {  	_ =	shalt  }
0x54: {  	_ =	shalt  }
0x55: {  	_ =	shalt  }
0x56: {  	_ =	shalt  }
0x57: {  	_ =	shalt  }
0x58: {  	_ =	shalt  }
0x59: {  	_ =	shalt  }
0x5a: {  	_ =	shalt  }
0x5b: {  	_ =	shalt  }
0x5c: {  	_ =	shalt  }
0x5d: {  	_ =	shalt  }
0x5e: {  	_ =	shalt  }
0x5f: {  	_ =	shalt  }
0x60: {  	_ =	shalt  }
0x61: {  	_ =	shalt  }
0x62: {  	_ =	shalt  }
0x63: {  	_ =	shalt  }
0x64: {  	_ =	shalt  }
0x65: {  	_ =	shalt  }
0x66: {  	_ =	shalt  }
0x67: {  	_ =	shalt  }
0x68: {  	_ =	shalt  }
0x69: {  	_ =	shalt  }
0x6a: {  	_ =	shalt  }
0x6b: {  	_ =	shalt  }
0x6c: {  	_ =	shalt  }
0x6d: {  	_ =	shalt  }
0x6e: {  	_ =	shalt  }
0x6f: {  	_ =	shalt  }
0x70: {  	_ =	shalt  }
0x71: {  	_ =	shalt  }
0x72: {  	_ =	shalt  }
0x73: {  	_ =	shalt  }
0x74: {  	_ =	shalt  }
0x75: {  	_ =	shalt  }
0x76: {  	_ =	shalt  }
0x77: {  	_ =	shalt  }
0x78: {  	_ =	shalt  }
0x79: {  	_ =	shalt  }
0x7a: {  	_ =	shalt  }
0x7b: {  	_ =	shalt  }
0x7c: {  	_ =	shalt  }
0x7d: {  	_ =	shalt  }
0x7e: {  	_ =	shalt  }
0x7f: {  	_ =	shalt  }
0x80: {  	_ =	shalt  }
0x81: {  	_ =	shalt  }
0x82: {  	_ =	shalt  }
0x83: {  	_ =	shalt  }
0x84: {  	_ =	shalt  }
0x85: {  	_ =	shalt  }
0x86: {  	_ =	shalt  }
0x87: {  	_ =	shalt  }
.Lfunc_end0:
.L_simem_size_0:
called_computation.3_lowered:
.L_overlay_start_0:
0x88: {  	s2 =	sld [smem:$0x3FD9]  }
0x89: {  	s3 =	sld [smem:$0x3FFE];
	_ =	sdelay $0x1  }
0x8a: {  	s1 =	srdreg.scid  }
0x8b: {  	s0 =	sand.u32 $0x1, s1  }
0x8c: {  	s16 =	sshll.u32 s0, $0xA;
	s2 =	sadd.s32 s3, s2  }
0x8d: {  	s2 =	sadd.s32 s2, s16  }
0x8e: {  	[smem:$0x3FB2] =	sst s2  }
0x8f: {  	_ = 	snop  }
0x90: {  	(tm) =	ssettm $0x1  }
0x91: {  	s17 =	sld [smem:$0x3FFB];
	_ =	sdelay $0x3  }
0x92: {  	_ =	strace s17  }
0x93: {  	s2 =	sld [smem:$0x3FFC];
	_ =	sdelay $0x3  }
0x94: {  	_ =	strace s2  }
0x95: {  	s2 =	sld [smem:$0x3FFD];
	_ =	sdelay $0x3  }
0x96: {  	_ =	strace s2  }
0x97: {  	_ =	strace $0x8FFFFFFF  }
0x98: {  	s18 =	sld [smem:$0x3FDB];
	_ =	sdelay $0x1  }
0x99: {  	s19 =	simm.s32 $_scs_section_size  }
0x9a: {  	s4 =	simm.s32 $_size__tile_overlayer_lowered;
	s5 =	simm.s32 $_tile_overlayer_lowered  }
0x9b: {  	s22 =	simm.s32 $0x1BFF;
	s21 =	sshll.u32 s5, $0x1;
	s2 =	sadd.s32 s19, s18  }
0x9c: {  	s6 =	simm.s32 $0x0;
	s20 =	sshll.u32 s4, $0x1;
	s4 =	sadd.s32 s21, s2  }
0x9d: {  	[timem:s6], [sflag:s22] =	dma.local [hbm:s4], s20  }
0x9e: {  	_ =	swait.ge [sflag:s22], s20  }
0x9f: {  	s3 =	ssub.s32 $0x0, s20;
	[sflag:s22] =	ssyncset.done $0x0  }
0xa0: {  	[sflag:s22] =	ssyncadd.s32 s3;
	_ =	sdelay $0x1  }
0xa1: {  	s23 =	simm.s32 $0x1B8B  }
0xa2: {  	_ =	swait.ge [sflag:s23], $0x1  }
0xa3: {  	[sflag:s23] =	ssyncset.done $0x0  }
0xa4: {  	s25 =	simm.s32 $0x1B8E;
	s24 =	sld [smem:$0x3FFE];
	[sflag:s23] =	ssyncadd.s32 $0xFFFFFFFF  }
0xa5: {  	s26 =	simm.s32 $execute0_lowered;
	[smem:$0x3FD2] =	sst s25  }
0xa6: {  	s4 =	sshll.u32 s26, $0x1;
	_ =	strace $0x8000004F;
	[dreg:$0x1] =	wrdreg $0xFFFFFFFF  }
0xa7: {  	s28 =	simm.s32 $_size_execute0_lowered;
	s2 =	sadd.s32 s2, s4;
	[dreg:$0x0] =	wrdreg $0x0  }
0xa8: {  	s4 =	sshll.u32 s28, $0x1;
	[dreg:$0x2] =	wrdreg s2  }
0xa9: {  	[dreg:$0x3] =	wrdreg s4  }
0xaa: {  	[dreg:$0x4] =	wrdreg $0xC0  }
0xab: {  	_ =	task [dreg:s6], $0x5FFFF  }
0xac: {  	[dreg:$0x1] =	wrdreg $0xFFFFFFFF  }
0xad: {  	[dreg:$0x0] =	wrdreg $0x60  }
0xae: {  	[dreg:$0x2] =	wrdreg s24  }
0xaf: {  	[dreg:$0x3] =	wrdreg $0x53000  }
0xb0: {  	[dreg:$0x4] =	wrdreg $0x9  }
0xb1: {  	_ =	task.clear_ibuf [dreg:s6], $0x5FFFF;
	_ =	strace $0x9000004F  }
0xb2: {  	s29 =	simm.s32 $0x9;
	_ =	strace $0x80000051  }
0xb3: {  	_ =	swait.ge [sflag:s29], $0x1  }
0xb4: {  	[sflag:s29] =	ssyncadd.s32 $0xFFFFFFFF  }
0xb5: {  	_ =	strace $0x90000051  }
0xb6: {  	_ =	sfence  }
0xb7: {  	s30 =	sld [smem:$0x0];
	_ =	sdelay $0x2  }
0xb8: {  	s31 =	sshll.u32 s1, $0xD;
	s1 =	sshrl.u32 s1, $0x2  }
0xb9: {  	s3 =	sand.u32 $0x4000, s31;
	s1 =	sadd.s32 s1, s30  }
0xba: {  	s0 =	sor.u32 s3, s0;
	s1 =	sshll.u32 s1, $0x11  }
0xbb: {  	s0 =	sor.u32 s1, s0  }
0xbc: {  	s0 =	sadd.s32 $0x8F2B, s0  }
0xbd: {  	[sflag:s0] =	ssyncadd.remote.s32 $0x1  }
0xbe: {  	_ =	sfence.sel $0xFFFF  }
0xbf: {  	[dreg:$0x0] =	wrdreg $0xFFFFFFFF;
	(pc) =	sbr.abs _section_cstart, $3  }
0xc0: {  	[dreg:$0x1] =	wrdreg $0xFFFFFFFF  }
0xc1: {  	_ =	task.clear_ibuf [dreg:s6], $0x2FFFF;
	_ =	strace $0x9FFFFFFF  }
0xc2: {  	(tm) =	ssettm $0x7FFFFFFF  }
0xc3: {  	_ =	shalt  }
tec
execute0_lowered:
.L_overlay_start_1:
0x0: {  	(tag) =	ssettag $0x1  }
0x1: {  	s5 =	rddreg [dreg:$0x0]  }
0x2: {  	s1 =	rddreg [dreg:$0x1]  }
0x3: {  	s2 =	srdreg.scid;
	s0 =	rddreg [dreg:$0x2]  }
0x4: {  	s3 =	simm.s32 $0x0;
	s12 =	simm.s32 $0x300;
	s13 =	simm.s32 $0x50  }
0x5: {  	s14 =	simm.s32 $0x2B00;
	s15 =	simm.s32 $0x1;
	s16 =	simm.s32 $0xA0  }
0x6: {  	s17 =	simm.s32 $0x2;
	s18 =	simm.s32 $0x1D0;
	s19 =	simm.s32 $0xF0  }
0x7: {  	s20 =	simm.s32 $0x220;
	s21 =	simm.s32 $0x270;
	s24 =	simm.s32 $0x0  }
0x8: {  	s6 =	sand.u32 $0x1, s2;
	s2 =	stileid.u32;
	[smem:$0x7FF] =	sst s3  }
0x9: {  	s4 =	sshll.u32 s6, $0x4;
	_ =	strace $0x80000050;
	s8 =	ssub.s32 $0x2, s6  }
0xa: {  	s9 =	sshll.u32 s2, $0x8;
	s30 =	sshll.u32 s2, $0xB;
	s11 =	sshll.u32 s6, $0xC  }
0xb: {  	s22 =	sshll.u32 s2, $0x6;
	s4 =	sor.u32 s2, s4;
	s10 =	sshrl.u32 s8, $0x1  }
0xc: {  	s9 =	sadd.s32 s9, s5;
	s22 =	sor.u32 $0x1C03, s22;
	s7 =	smul.u32 $0x28, s4  }
0xd: {  	s4 =	sadd.s32 $0x5200, s5;
	s10 =	ssub.s32 s8, s10;
	s31 =	sadd.s32 s11, s9  }
0xe: {  	s11 =	simm.s32 $0x180;
	s8 =	sadd.s32 $0x2D200, s31;
	s7 =	sadd.s32 s7, s5  }
0xf: {  	s5 =	sadd.s32 $0x90E00, s7;
	s6 =	sadd.s32 $0x91400, s7;
	s7 =	sadd.s32 s30, s1  }
0x10: {  	v0 =	vimm.f32 $0.0e+00;
	s9 =	smax.u32 s10, $0x1;
	s10 =	simm.s32 $0x3;
	s23 =	sshrl.u32 s7, $0x3  }
.LBB2_1:
0x11: {  	[tilespmem:s3], [sflag:$0x3] =	stream.linear.gather [hbm4b:s5+s3], $0x140, $0x38;
	[tilespmem:$0x5B00] =	vst v63  }
0x12: {  	_ =	swait.ge [sflag:s10], $0x140  }
0x13: {  	[sflag:s10] =	ssyncset.done $0x0  }
0x14: {  	[sflag:s10] =	ssyncadd.s32 $0xFFFFFEC0  }
0x15: {  	[tilespmem:s11], [sflag:$0x3] =	stream.linear.gather [hbm4b:s6+s3], $0x140, $0x38;
	[tilespmem:$0x5B00] =	vst v63  }
0x16: {  	s25 =	sand.u32 $0xFE00, s3;
	s26 =	sand.u32 $0x70, s3;
	_ =	swait.ge [sflag:s10], $0x140  }
0x17: {  	s28 =	sshrl.u32 s25, $0x2;
	s25 =	simm.s32 $0x40;
	[sflag:s10] =	ssyncset.done $0x0  }
0x18: {  	s28 =	sor.u32 s26, s28;
	s26 =	simm.s32 $0x0;
	[sflag:s10] =	ssyncadd.s32 $0xFFFFFEC0  }
.LBB2_2:
0x19: {  	p0 =	sne.s32 s25, $0x9FC0  }
0x1a: {  	[tilespmem:s28+$0x300] =	vst v0;
	s26 =	sadd.s32 $0x10, s26;
	s28 =	smov.u32 s25;
	s25 =	sadd.s32 $0x40, s25  }
.Ltmp0:
0x1b: {  	(pc) =	sbr.rel @p0 .LBB2_2-.Ltmp0, $4  }
0x1c: {  	_ = 	snop  }
0x1d: {  	s28 =	sand.u32 $0xFE00, s28  }
0x1e: {  	s29 =	sand.u32 $0x70, s26;
	s28 =	sshrl.u32 s28, $0x2  }
0x1f: {  	s28 =	sor.u32 s29, s28  }
0x20: {  	[tilespmem:s28+$0x300] =	vst v0  }
0x21: {  	[spmem:s7] =	stream.linear.scatter [tilespmem:s12], [sflag:$0x3], $0x800, $0x38;
	[tilespmem:$0x5B00] =	vst v63  }
0x22: {  	_ =	swait.ge [sflag:s10], $0x800  }
0x23: {  	[sflag:s10] =	ssyncset.done $0x0  }
0x24: {  	[sflag:s10] =	ssyncadd.s32 $0xFFFFF800  }
0x25: {  	[bflag:$0x0] =	sbarrier.arrive $0xFFFF  }
0x26: {  	[tilespmem:s12], [sflag:$0x1] =	stream.indirect.gather [hbm4b:s4+s13], $0x80, s3, s13, $0xb8;
	[tilespmem:$0x5B00] =	vst v63  }
0x27: {  	_ = 	snop  }
0x28: {  	[tilespmem:s14], [sflag:$0x2] =	stream.indirect.gather [hbm4b:s4+s13], $0x80, s13, s13, $0xb8;
	[tilespmem:$0x5B00] =	vst v63  }
0x29: {  	_ =	swait.ge [sflag:s15], $0x2800  }
0x2a: {  	[sflag:s15] =	ssyncset.done $0x0  }
0x2b: {  	[sflag:s15] =	ssyncadd.s32 $0xFFFFD800  }
0x2c: {  	[spmem:s1] =	stream.indirect.scatter.add.f32 [tilespmem:s12], [sflag:$0x3], $0x80, s11, s13, $0xb8;
	[tilespmem:$0x5B00] =	vst v63  }
0x2d: {  	_ =	swait.ge [sflag:s10], $0x2800  }
0x2e: {  	[sflag:s10] =	ssyncset.done $0x0  }
0x2f: {  	[sflag:s10] =	ssyncadd.s32 $0xFFFFD800  }
0x30: {  	[tilespmem:s12], [sflag:$0x1] =	stream.indirect.gather [hbm4b:s4+s13], $0x80, s16, s13, $0xb8;
	[tilespmem:$0x5B00] =	vst v63  }
0x31: {  	_ =	swait.ge [sflag:s17], $0x2800  }
0x32: {  	[sflag:s17] =	ssyncset.done $0x0  }
0x33: {  	[sflag:s17] =	ssyncadd.s32 $0xFFFFD800  }
0x34: {  	[spmem:s1] =	stream.indirect.scatter.add.f32 [tilespmem:s14], [sflag:$0x3], $0x80, s18, s13, $0xb8;
	[tilespmem:$0x5B00] =	vst v63  }
0x35: {  	_ =	swait.ge [sflag:s10], $0x2800  }
0x36: {  	[sflag:s10] =	ssyncset.done $0x0  }
0x37: {  	[sflag:s10] =	ssyncadd.s32 $0xFFFFD800  }
0x38: {  	[tilespmem:s14], [sflag:$0x2] =	stream.indirect.gather [hbm4b:s4+s13], $0x80, s19, s13, $0xb8;
	[tilespmem:$0x5B00] =	vst v63  }
0x39: {  	_ =	swait.ge [sflag:s15], $0x2800  }
0x3a: {  	[sflag:s15] =	ssyncset.done $0x0  }
0x3b: {  	[sflag:s15] =	ssyncadd.s32 $0xFFFFD800  }
0x3c: {  	[spmem:s1] =	stream.indirect.scatter.add.f32 [tilespmem:s12], [sflag:$0x3], $0x80, s20, s13, $0xb8;
	[tilespmem:$0x5B00] =	vst v63  }
0x3d: {  	_ =	swait.ge [sflag:s10], $0x2800  }
0x3e: {  	[sflag:s10] =	ssyncset.done $0x0  }
0x3f: {  	[sflag:s10] =	ssyncadd.s32 $0xFFFFD800  }
0x40: {  	_ =	swait.ge [sflag:s17], $0x2800  }
0x41: {  	[sflag:s17] =	ssyncset.done $0x0  }
0x42: {  	[sflag:s17] =	ssyncadd.s32 $0xFFFFD800  }
0x43: {  	[spmem:s1] =	stream.indirect.scatter.add.f32 [tilespmem:s14], [sflag:$0x3], $0x80, s21, s13, $0xb8;
	[tilespmem:$0x5B00] =	vst v63  }
0x44: {  	_ =	swait.ge [sflag:s10], $0x2800  }
0x45: {  	s24 =	sadd.s32 $0x1, s24;
	[sflag:s10] =	ssyncset.done $0x0  }
0x46: {  	p0 =	sne.s32 s24, s9;
	[sflag:s10] =	ssyncadd.s32 $0xFFFFD800  }
.Ltmp1:
0x47: {  	[bflag:$0x0] =	sbarrier.arrive $0xFFFF;
	(pc) =	sbr.rel @p0 .LBB2_1-.Ltmp1, $4  }
0x48: {  	[hbm:s8], [sflag:s22] =	dma.local [spmem:s23], $0x100  }
0x49: {  	_ =	swait.ge [sflag:s10], $0x100  }
0x4a: {  	[sflag:s10] =	ssyncset.done $0x0  }
0x4b: {  	[sflag:s10] =	ssyncadd.s32 $0xFFFFFF00  }
0x4c: {  	_ =	sfence.sel $0x180000  }
0x4d: {  	[bflag:$0x0] =	sbarrier.arrive $0xFFFF  }
0x4e: {  	p0 =	sne.s32 s2, $0x0;
	_ =	strace $0x90000050  }
0x4f: {  	s0 =	sadd.s32 @!p0 $0x100000, s0;
	[bflag:$0x2] =	sbarrier.arrive $0xFFFF  }
0x50: {  	[sflag:s0] =	ssyncadd.tile.s32 @!p0 $0x1;
	_ =	shalt  }
.Lfunc_end2:
_tile_overlayer_lowered:
.L_overlay_start_2:
0x51: {  	(tag) =	ssettag $0x2  }
0x52: {  	s0 =	rddreg [dreg:$0x0];
	s2 =	stileid.u32  }
0x53: {  	s1 =	rddreg [dreg:$0x1];
	p0 =	sne.s32 s2, $0x0  }
0x54: {  	s3 =	rddreg [dreg:$0x2];
	[bflag:$0x3] =	sbarrier.arrive $0xFFFF;
	s2 =	simm.s32 @!p0 $0x1C03  }
0x55: {  	[timem:s3], [sflag:s2] =	dma.local @!p0 [hbm:s0], s1  }
0x56: {  	s0 =	simm.s32 @!p0 $0x3  }
0x57: {  	_ =	swait.ge @!p0 [sflag:s0], s1  }
0x58: {  	s1 =	ssub.s32 @!p0 $0x0, s1;
	[sflag:s0] =	ssyncset.done @!p0 $0x0  }
0x59: {  	[sflag:s0] =	ssyncadd.s32 @!p0 s1  }
0x5a: {  	[bflag:$0x3] =	sbarrier.arrive $0xFFFF  }
0x5b: {  	_ =	shalt  }

</sc_bundles>
